<compile_context>
chip_gen: v7x
topology: tpu7x:2x2x1
jax: 0.10.2.dev20260603
libtpu: 0.0.44.dev20260713+nightly
codegen_flags: <defaults>
</compile_context>

<pallas_src>
import dataclasses
import functools

import jax
import jax.numpy as jnp
from jax import lax
from jax.experimental import pallas as pl
from jax.experimental.pallas import tpu as pltpu
from jax.experimental.pallas import tpu_sc as plsc

N_NODES = 10000
N_EDGES = 320000
D = 128

NC = 2
NS = 16
NW = NC * NS
CHUNK = 128
GRP = 8
CPW = 80
EPW = CHUNK * CPW
E_PAD = EPW * NW
NBLK = CPW // GRP
N_PAD = 10112
RPW = N_PAD // NS
NZ = RPW // CHUNK
TAIL = RPW % CHUNK
DUMMY_ROW = N_NODES + 8

_MESH = plsc.VectorSubcoreMesh(core_axis_name="c", subcore_axis_name="s")


def _zero_stripe(zv, shared, base):
    for k in range(NZ):
        pltpu.sync_copy(zv, shared.at[pl.ds(base + k * CHUNK, CHUNK)])
    if TAIL:
        pltpu.sync_copy(zv.at[pl.ds(0, TAIL)],
                        shared.at[pl.ds(base + NZ * CHUNK, TAIL)])


def _sc_aggregate(x, ii):

    def body(x_hbm, ii_hbm, z128_hbm, agg_out,
             agg_sh, idx_v, r0, r1, sg0, sg1, ss0, ss1):
        c = lax.axis_index("c")
        s = lax.axis_index("s")
        w = c * NS + s
        base = s * RPW

        pltpu.sync_copy(z128_hbm, r0)
        _zero_stripe(r0, agg_sh, base)
        plsc.subcore_barrier()

        @pl.loop(0, NBLK)
        def _(t):
            pltpu.sync_copy(ii_hbm.at[w * NBLK + t], idx_v)
            for p0 in range(0, GRP, 2):
                p1 = p0 + 1
                g0 = pltpu.async_copy(x_hbm.at[idx_v.at[0, p0]], r0, sg0)
                g1 = pltpu.async_copy(x_hbm.at[idx_v.at[0, p1]], r1, sg1)
                g0.wait()
                s0 = pltpu.async_copy(r0, agg_sh.at[idx_v.at[1, p0]], ss0,
                                      add=True)
                g1.wait()
                s1 = pltpu.async_copy(r1, agg_sh.at[idx_v.at[1, p1]], ss1,
                                      add=True)
                s0.wait()
                s1.wait()

        plsc.subcore_barrier()
        pltpu.sync_copy(agg_sh.at[pl.ds(base, RPW)],
                        agg_out.at[pl.ds(c * N_PAD + base, RPW)])

    k = pl.kernel(
        body,
        out_type=jax.ShapeDtypeStruct((NC * N_PAD, D), jnp.float32),
        mesh=_MESH,
        scratch_types=[
            pltpu.VMEM_SHARED((N_PAD, D), jnp.float32),
            pltpu.VMEM((2, GRP, CHUNK), jnp.int32),
            pltpu.VMEM((CHUNK, D), jnp.float32),
            pltpu.VMEM((CHUNK, D), jnp.float32),
            pltpu.SemaphoreType.DMA,
            pltpu.SemaphoreType.DMA,
            pltpu.SemaphoreType.DMA,
            pltpu.SemaphoreType.DMA,
        ])
    return k(x, ii, jnp.zeros((CHUNK, D), jnp.float32))


def _sc_degree(di):

    def body(di_hbm, deg_out, hist, idx_d):
        c = lax.axis_index("c")
        s = lax.axis_index("s")
        w = c * NS + s

        zeros16 = jnp.zeros((16,), jnp.float32)
        ones16 = jnp.ones((16,), jnp.float32)

        @pl.loop(0, N_PAD // 16)
        def _(i):
            hist[pl.ds(i * 16, 16)] = zeros16

        @pl.loop(0, NBLK)
        def _(t):
            pltpu.sync_copy(di_hbm.at[w * NBLK + t], idx_d)
            for b in range(GRP):
                for j in range(CHUNK // 16):
                    idxv = idx_d[b, pl.ds(j * 16, 16)]
                    plsc.addupdate_scatter(hist, [idxv], ones16)

        pltpu.sync_copy(hist, deg_out.at[w])

    cp = pltpu.CompilerParams()
    if "needs_layout_passes" in pltpu.CompilerParams.__dataclass_fields__:
        cp = dataclasses.replace(cp, needs_layout_passes=False)
    k = pl.kernel(
        body,
        out_type=jax.ShapeDtypeStruct((NW, N_PAD), jnp.float32),
        mesh=_MESH,
        compiler_params=cp,
        scratch_types=[
            pltpu.VMEM((N_PAD,), jnp.float32),
            pltpu.VMEM((GRP, CHUNK), jnp.int32),
        ])
    return k(di)


def _tc_layer(aggp, degp, x, Wl, bl, Wr, relu):
    def body(aggp_ref, degp_ref, ones_ref, x_ref, wl_ref, bl_ref, wr_ref,
             o_ref):
        agg = aggp_ref[:N_NODES, :] + aggp_ref[N_PAD:N_PAD + N_NODES, :]
        deg = lax.dot_general(degp_ref[:, :N_NODES], ones_ref[...],
                              (((0,), (0,)), ((), ())),
                              preferred_element_type=jnp.float32)
        mean = agg / jnp.maximum(deg, 1.0)
        h = lax.dot_general(mean, wl_ref[...], (((1,), (1,)), ((), ())),
                            preferred_element_type=jnp.float32)
        h = h + bl_ref[...]
        h = h + lax.dot_general(x_ref[...], wr_ref[...],
                                (((1,), (1,)), ((), ())),
                                preferred_element_type=jnp.float32)
        o_ref[...] = jnp.maximum(h, 0.0) if relu else h

    return pl.pallas_call(
        body,
        out_shape=jax.ShapeDtypeStruct((N_NODES, D), jnp.float32),
    )(aggp, degp, jnp.ones((NW, 1), jnp.float32), x, Wl, bl, Wr)


@jax.jit
def kernel(x, edge_index, Wl1, bl1, Wr1, Wl2, bl2, Wr2):
    src = edge_index[0].astype(jnp.int32)
    dst = edge_index[1].astype(jnp.int32)
    pad = E_PAD - N_EDGES
    src = jnp.concatenate([src, jnp.zeros((pad,), jnp.int32)])
    dst = jnp.concatenate([dst, jnp.full((pad,), DUMMY_ROW, jnp.int32)])
    si = src.reshape(NW * NBLK, GRP, CHUNK)
    di = dst.reshape(NW * NBLK, GRP, CHUNK)
    ii = jnp.stack([si, di], axis=1)

    degp = _sc_degree(di)
    aggp = _sc_aggregate(x, ii)
    h = _tc_layer(aggp, degp, x, Wl1, bl1.reshape(1, D), Wr1, relu=True)
    aggp2 = _sc_aggregate(h, ii)
    out = _tc_layer(aggp2, degp, h, Wl2, bl2.reshape(1, D), Wr2, relu=False)
    return out

# --- scband reference (transcript-rebuilt; emitter-appended) ---
"""Pipeline reference for scband-graph-sage-35699768164805 (READ-ONLY COPY).

The authoritative reference and input builder live on the scoring server;
editing this copy changes nothing except your own understanding.
"""

import jax, jax.numpy as jnp
import numpy as np

N_NODES = 10000
N_EDGES = 320000
D_IN = 128
D_HID = 128
D_OUT = 128


def setup_inputs(seed: int = 0) -> dict:
    key = jax.random.key(seed)
    ks = jax.random.split(key, 10)
    x = jax.random.normal(ks[0], (N_NODES, D_IN), dtype=jnp.float32)
    edge_index = jax.random.randint(ks[1], (2, N_EDGES), 0, N_NODES, dtype=jnp.int64)
    # SAGEConv params (PyG-style: lin_l for aggregated neighbors with bias, lin_r for root, no bias)
    s1 = 1.0 / np.sqrt(D_IN)
    Wl1 = jax.random.uniform(ks[2], (D_HID, D_IN), jnp.float32, -s1, s1)
    bl1 = jax.random.uniform(ks[3], (D_HID,), jnp.float32, -s1, s1)
    Wr1 = jax.random.uniform(ks[4], (D_HID, D_IN), jnp.float32, -s1, s1)
    s2 = 1.0 / np.sqrt(D_HID)
    Wl2 = jax.random.uniform(ks[5], (D_OUT, D_HID), jnp.float32, -s2, s2)
    bl2 = jax.random.uniform(ks[6], (D_OUT,), jnp.float32, -s2, s2)
    Wr2 = jax.random.uniform(ks[7], (D_OUT, D_HID), jnp.float32, -s2, s2)
    return {"x": x, "edge_index": edge_index, "Wl1": Wl1, "bl1": bl1, "Wr1": Wr1,
            "Wl2": Wl2, "bl2": bl2, "Wr2": Wr2}


def _sage_conv(x, edge_index, Wl, bl, Wr):
    src = edge_index[0]
    dst = edge_index[1]
    msgs = jnp.take(x, src, axis=0)                      # gather [E, d]
    agg = jax.ops.segment_sum(msgs, dst, num_segments=N_NODES)  # scatter-add [N, d]
    deg = jax.ops.segment_sum(jnp.ones((edge_index.shape[1],), dtype=x.dtype), dst,
                              num_segments=N_NODES)
    mean = agg / jnp.clip(deg, 1.0, None)[:, None]       # mean aggregation
    return mean @ Wl.T + bl + x @ Wr.T


def reference(x, edge_index, Wl1, bl1, Wr1, Wl2, bl2, Wr2):
    h = jax.nn.relu(_sage_conv(x, edge_index, Wl1, bl1, Wr1))
    out = _sage_conv(h, edge_index, Wl2, bl2, Wr2)
    return out

if __name__ == "__main__":
    import jax
    _d = setup_inputs()
    print(jax.jit(kernel)(*tuple(_d.values())))

</pallas_src>

<mosaic_0001>
#map = affine_map<(d0, d1) -> (0, 0, 0)>
#map1 = affine_map<(d0, d1) -> (0, 0)>
module attributes {stable_mosaic.version = 14 : i64} {
  func.func @body(%arg0: i32, %arg1: i32, %arg2: memref<320x8x128xi32, #tpu.memory_space<hbm>>, %arg3: memref<32x10112xf32, #tpu.memory_space<hbm>>, %arg4: memref<10112xf32, #tpu.memory_space<vmem>>, %arg5: memref<8x128xi32, #tpu.memory_space<vmem>>) attributes {dimension_semantics = [#tpu.dimension_semantics<core_parallel>, #tpu.dimension_semantics<subcore_parallel>], iteration_bounds = array<i64: 2, 16>, scalar_prefetch = 0 : i64, scratch_operands = 2 : i64, tpu.core_type = #tpu.core_type<sc_vector_subcore>, window_params = [{transform_indices = #map}, {transform_indices = #map1}]} {
    %mul3A = arith.constant 16 : i32
    %mul3A_0 = arith.muli %arg0, %mul3A : i32
    %add3A = arith.addi %mul3A_0, %arg1 : i32
    %broadcast_in_dim3A = arith.constant 0.000000e+00 : f32
    %broadcast_in_dim3A_1 = vector.broadcast %broadcast_in_dim3A : f32 to vector<16xf32>
    %broadcast_in_dim3A_2 = arith.constant 1.000000e+00 : f32
    %broadcast_in_dim3A_3 = vector.broadcast %broadcast_in_dim3A_2 : f32 to vector<16xf32>
    %scan3A = arith.constant 0 : i32
    %scan3A_4 = arith.constant 632 : i32
    %scan3A_5 = arith.addi %scan3A, %scan3A_4 : i32
    %scan3A_6 = arith.constant 1 : i32
    scf.for %scan3A_13 = %scan3A to %scan3A_5 step %scan3A_6  : i32 {
      %mul3A_14 = arith.constant 1 : i32
      %mul3A_15 = arith.muli %scan3A_13, %mul3A_14 : i32
      %add3A_16 = arith.constant 0 : i32
      %add3A_17 = arith.addi %add3A_16, %mul3A_15 : i32
      %mul3A_18 = arith.constant 16 : i32
      %mul3A_19 = arith.muli %add3A_17, %mul3A_18 : i32
      %swap3A = arith.index_cast %mul3A_19 : i32 to index
      %swap3A_20 = tpu.vector_load %arg4[%swap3A] {strides = array<i32>} : memref<10112xf32, #tpu.memory_space<vmem>>, vector<16xf32>,
      tpu.vector_store %arg4[%swap3A], %broadcast_in_dim3A_1 {strides = array<i32>} : memref<10112xf32, #tpu.memory_space<vmem>>, vector<16xf32>,
    }
    %scan3A_7 = arith.constant 632 : i32
    %scan3A_8 = arith.constant 0 : i32
    %scan3A_9 = arith.constant 10 : i32
    %scan3A_10 = arith.addi %scan3A_8, %scan3A_9 : i32
    %scan3A_11 = arith.constant 1 : i32
    scf.for %scan3A_13 = %scan3A_8 to %scan3A_10 step %scan3A_11  : i32 {
      %mul3A_14 = arith.constant 1 : i32
      %mul3A_15 = arith.muli %scan3A_13, %mul3A_14 : i32
      %add3A_16 = arith.constant 0 : i32
      %add3A_17 = arith.addi %add3A_16, %mul3A_15 : i32
      %mul3A_18 = arith.constant 10 : i32
      %mul3A_19 = arith.muli %add3A, %mul3A_18 : i32
      %add3A_20 = arith.addi %mul3A_19, %add3A_17 : i32
      "tpu.region"() ({
        %run_scoped3A = tpu.sem_alloc : memref<!tpu.dma_semaphore, #tpu.memory_space<semaphore_mem>>
        %dma_start3A = arith.constant 0 : i32
        %dma_start3A_276 = arith.constant 0 : i32
        %dma_start3A_277 = tpu.memref_slice %arg2[%add3A_20, %dma_start3A, %dma_start3A_276] : memref<320x8x128xi32, #tpu.memory_space<hbm>> -> memref<1x8x128xi32, #tpu.memory_space<hbm>>
        %dma_start3A_278 = tpu.memref_squeeze %dma_start3A_277 : memref<1x8x128xi32, #tpu.memory_space<hbm>> -> memref<8x128xi32, #tpu.memory_space<hbm>>
        %dma_start3A_279 = arith.constant 0 : i32
        %dma_start3A_280 = arith.constant 0 : i32
        %dma_start3A_281 = tpu.memref_slice %arg2[%add3A_20, %dma_start3A_279, %dma_start3A_280] : memref<320x8x128xi32, #tpu.memory_space<hbm>> -> memref<1x8x128xi32, #tpu.memory_space<hbm>>
        %dma_start3A_282 = tpu.memref_squeeze %dma_start3A_281 : memref<1x8x128xi32, #tpu.memory_space<hbm>> -> memref<8x128xi32, #tpu.memory_space<hbm>>
        tpu.enqueue_dma source(%dma_start3A_282 : memref<8x128xi32, #tpu.memory_space<hbm>>) target(%arg5 : memref<8x128xi32, #tpu.memory_space<vmem>>) target_semaphore(%run_scoped3A : memref<!tpu.dma_semaphore, #tpu.memory_space<semaphore_mem>>)
        %dma_wait3A = arith.constant 0 : i32
        %dma_wait3A_283 = arith.constant 0 : i32
        %dma_wait3A_284 = tpu.memref_slice %arg2[%add3A_20, %dma_wait3A, %dma_wait3A_283] : memref<320x8x128xi32, #tpu.memory_space<hbm>> -> memref<1x8x128xi32, #tpu.memory_space<hbm>>
        %dma_wait3A_285 = tpu.memref_squeeze %dma_wait3A_284 : memref<1x8x128xi32, #tpu.memory_space<hbm>> -> memref<8x128xi32, #tpu.memory_space<hbm>>
        %dma_wait3A_286 = arith.constant 0 : i32
        %dma_wait3A_287 = arith.constant 0 : i32
        %dma_wait3A_288 = tpu.memref_slice %arg2[%add3A_20, %dma_wait3A_286, %dma_wait3A_287] : memref<320x8x128xi32, #tpu.memory_space<hbm>> -> memref<1x8x128xi32, #tpu.memory_space<hbm>>
        %dma_wait3A_289 = tpu.memref_squeeze %dma_wait3A_288 : memref<1x8x128xi32, #tpu.memory_space<hbm>> -> memref<8x128xi32, #tpu.memory_space<hbm>>
        tpu.wait_dma2 semaphore(%run_scoped3A : memref<!tpu.dma_semaphore, #tpu.memory_space<semaphore_mem>>) src(%dma_wait3A_289 : memref<8x128xi32, #tpu.memory_space<hbm>>) dst(%arg5 : memref<8x128xi32, #tpu.memory_space<vmem>>)
        tpu.yield
      }) : () -> ()
      %get3A = arith.constant 0 : i32
      %get3A_21 = arith.index_cast %get3A : i32 to index
      %get3A_22 = arith.constant 0 : index
      %get3A_23 = tpu.vector_load %arg5[%get3A_21, %get3A_22] {strides = array<i32>} : memref<8x128xi32, #tpu.memory_space<vmem>>, vector<16xi32>,
      tpu.vector_store_idx %arg4[%get3A_23], %broadcast_in_dim3A_3 {add = true} : memref<10112xf32, #tpu.memory_space<vmem>>[vector<16xi32>], vector<16xf32>,
      %get3A_24 = arith.constant 0 : i32
      %get3A_25 = arith.index_cast %get3A_24 : i32 to index
      %get3A_26 = arith.constant 16 : index
      %get3A_27 = tpu.vector_load %arg5[%get3A_25, %get3A_26] {strides = array<i32>} : memref<8x128xi32, #tpu.memory_space<vmem>>, vector<16xi32>,
      tpu.vector_store_idx %arg4[%get3A_27], %broadcast_in_dim3A_3 {add = true} : memref<10112xf32, #tpu.memory_space<vmem>>[vector<16xi32>], vector<16xf32>,
      %get3A_28 = arith.constant 0 : i32
      %get3A_29 = arith.index_cast %get3A_28 : i32 to index
      %get3A_30 = arith.constant 32 : index
      %get3A_31 = tpu.vector_load %arg5[%get3A_29, %get3A_30] {strides = array<i32>} : memref<8x128xi32, #tpu.memory_space<vmem>>, vector<16xi32>,
      tpu.vector_store_idx %arg4[%get3A_31], %broadcast_in_dim3A_3 {add = true} : memref<10112xf32, #tpu.memory_space<vmem>>[vector<16xi32>], vector<16xf32>,
      %get3A_32 = arith.constant 0 : i32
      %get3A_33 = arith.index_cast %get3A_32 : i32 to index
      %get3A_34 = arith.constant 48 : index
      %get3A_35 = tpu.vector_load %arg5[%get3A_33, %get3A_34] {strides = array<i32>} : memref<8x128xi32, #tpu.memory_space<vmem>>, vector<16xi32>,
      tpu.vector_store_idx %arg4[%get3A_35], %broadcast_in_dim3A_3 {add = true} : memref<10112xf32, #tpu.memory_space<vmem>>[vector<16xi32>], vector<16xf32>,
      %get3A_36 = arith.constant 0 : i32
      %get3A_37 = arith.index_cast %get3A_36 : i32 to index
      %get3A_38 = arith.constant 64 : index
      %get3A_39 = tpu.vector_load %arg5[%get3A_37, %get3A_38] {strides = array<i32>} : memref<8x128xi32, #tpu.memory_space<vmem>>, vector<16xi32>,
      tpu.vector_store_idx %arg4[%get3A_39], %broadcast_in_dim3A_3 {add = true} : memref<10112xf32, #tpu.memory_space<vmem>>[vector<16xi32>], vector<16xf32>,
      %get3A_40 = arith.constant 0 : i32
      %get3A_41 = arith.index_cast %get3A_40 : i32 to index
      %get3A_42 = arith.constant 80 : index
      %get3A_43 = tpu.vector_load %arg5[%get3A_41, %get3A_42] {strides = array<i32>} : memref<8x128xi32, #tpu.memory_space<vmem>>, vector<16xi32>,
      tpu.vector_store_idx %arg4[%get3A_43], %broadcast_in_dim3A_3 {add = true} : memref<10112xf32, #tpu.memory_space<vmem>>[vector<16xi32>], vector<16xf32>,
      %get3A_44 = arith.constant 0 : i32
      %get3A_45 = arith.index_cast %get3A_44 : i32 to index
      %get3A_46 = arith.constant 96 : index
      %get3A_47 = tpu.vector_load %arg5[%get3A_45, %get3A_46] {strides = array<i32>} : memref<8x128xi32, #tpu.memory_space<vmem>>, vector<16xi32>,
      tpu.vector_store_idx %arg4[%get3A_47], %broadcast_in_dim3A_3 {add = true} : memref<10112xf32, #tpu.memory_space<vmem>>[vector<16xi32>], vector<16xf32>,
      %get3A_48 = arith.constant 0 : i32
      %get3A_49 = arith.index_cast %get3A_48 : i32 to index
      %get3A_50 = arith.constant 112 : index
      %get3A_51 = tpu.vector_load %arg5[%get3A_49, %get3A_50] {strides = array<i32>} : memref<8x128xi32, #tpu.memory_space<vmem>>, vector<16xi32>,
      tpu.vector_store_idx %arg4[%get3A_51], %broadcast_in_dim3A_3 {add = true} : memref<10112xf32, #tpu.memory_space<vmem>>[vector<16xi32>], vector<16xf32>,
      %get3A_52 = arith.constant 1 : i32
      %get3A_53 = arith.index_cast %get3A_52 : i32 to index
      %get3A_54 = arith.constant 0 : index
      %get3A_55 = tpu.vector_load %arg5[%get3A_53, %get3A_54] {strides = array<i32>} : memref<8x128xi32, #tpu.memory_space<vmem>>, vector<16xi32>,
      tpu.vector_store_idx %arg4[%get3A_55], %broadcast_in_dim3A_3 {add = true} : memref<10112xf32, #tpu.memory_space<vmem>>[vector<16xi32>], vector<16xf32>,
      %get3A_56 = arith.constant 1 : i32
      %get3A_57 = arith.index_cast %get3A_56 : i32 to index
      %get3A_58 = arith.constant 16 : index
      %get3A_59 = tpu.vector_load %arg5[%get3A_57, %get3A_58] {strides = array<i32>} : memref<8x128xi32, #tpu.memory_space<vmem>>, vector<16xi32>,
      tpu.vector_store_idx %arg4[%get3A_59], %broadcast_in_dim3A_3 {add = true} : memref<10112xf32, #tpu.memory_space<vmem>>[vector<16xi32>], vector<16xf32>,
      %get3A_60 = arith.constant 1 : i32
      %get3A_61 = arith.index_cast %get3A_60 : i32 to index
      %get3A_62 = arith.constant 32 : index
      %get3A_63 = tpu.vector_load %arg5[%get3A_61, %get3A_62] {strides = array<i32>} : memref<8x128xi32, #tpu.memory_space<vmem>>, vector<16xi32>,
      tpu.vector_store_idx %arg4[%get3A_63], %broadcast_in_dim3A_3 {add = true} : memref<10112xf32, #tpu.memory_space<vmem>>[vector<16xi32>], vector<16xf32>,
      %get3A_64 = arith.constant 1 : i32
      %get3A_65 = arith.index_cast %get3A_64 : i32 to index
      %get3A_66 = arith.constant 48 : index
      %get3A_67 = tpu.vector_load %arg5[%get3A_65, %get3A_66] {strides = array<i32>} : memref<8x128xi32, #tpu.memory_space<vmem>>, vector<16xi32>,
      tpu.vector_store_idx %arg4[%get3A_67], %broadcast_in_dim3A_3 {add = true} : memref<10112xf32, #tpu.memory_space<vmem>>[vector<16xi32>], vector<16xf32>,
      %get3A_68 = arith.constant 1 : i32
      %get3A_69 = arith.index_cast %get3A_68 : i32 to index
      %get3A_70 = arith.constant 64 : index
      %get3A_71 = tpu.vector_load %arg5[%get3A_69, %get3A_70] {strides = array<i32>} : memref<8x128xi32, #tpu.memory_space<vmem>>, vector<16xi32>,
      tpu.vector_store_idx %arg4[%get3A_71], %broadcast_in_dim3A_3 {add = true} : memref<10112xf32, #tpu.memory_space<vmem>>[vector<16xi32>], vector<16xf32>,
      %get3A_72 = arith.constant 1 : i32
      %get3A_73 = arith.index_cast %get3A_72 : i32 to index
      %get3A_74 = arith.constant 80 : index
      %get3A_75 = tpu.vector_load %arg5[%get3A_73, %get3A_74] {strides = array<i32>} : memref<8x128xi32, #tpu.memory_space<vmem>>, vector<16xi32>,
      tpu.vector_store_idx %arg4[%get3A_75], %broadcast_in_dim3A_3 {add = true} : memref<10112xf32, #tpu.memory_space<vmem>>[vector<16xi32>], vector<16xf32>,
      %get3A_76 = arith.constant 1 : i32
      %get3A_77 = arith.index_cast %get3A_76 : i32 to index
      %get3A_78 = arith.constant 96 : index
      %get3A_79 = tpu.vector_load %arg5[%get3A_77, %get3A_78] {strides = array<i32>} : memref<8x128xi32, #tpu.memory_space<vmem>>, vector<16xi32>,
      tpu.vector_store_idx %arg4[%get3A_79], %broadcast_in_dim3A_3 {add = true} : memref<10112xf32, #tpu.memory_space<vmem>>[vector<16xi32>], vector<16xf32>,
      %get3A_80 = arith.constant 1 : i32
      %get3A_81 = arith.index_cast %get3A_80 : i32 to index
      %get3A_82 = arith.constant 112 : index
      %get3A_83 = tpu.vector_load %arg5[%get3A_81, %get3A_82] {strides = array<i32>} : memref<8x128xi32, #tpu.memory_space<vmem>>, vector<16xi32>,
      tpu.vector_store_idx %arg4[%get3A_83], %broadcast_in_dim3A_3 {add = true} : memref<10112xf32, #tpu.memory_space<vmem>>[vector<16xi32>], vector<16xf32>,
      %get3A_84 = arith.constant 2 : i32
      %get3A_85 = arith.index_cast %get3A_84 : i32 to index
      %get3A_86 = arith.constant 0 : index
      %get3A_87 = tpu.vector_load %arg5[%get3A_85, %get3A_86] {strides = array<i32>} : memref<8x128xi32, #tpu.memory_space<vmem>>, vector<16xi32>,
      tpu.vector_store_idx %arg4[%get3A_87], %broadcast_in_dim3A_3 {add = true} : memref<10112xf32, #tpu.memory_space<vmem>>[vector<16xi32>], vector<16xf32>,
      %get3A_88 = arith.constant 2 : i32
      %get3A_89 = arith.index_cast %get3A_88 : i32 to index
      %get3A_90 = arith.constant 16 : index
      %get3A_91 = tpu.vector_load %arg5[%get3A_89, %get3A_90] {strides = array<i32>} : memref<8x128xi32, #tpu.memory_space<vmem>>, vector<16xi32>,
      tpu.vector_store_idx %arg4[%get3A_91], %broadcast_in_dim3A_3 {add = true} : memref<10112xf32, #tpu.memory_space<vmem>>[vector<16xi32>], vector<16xf32>,
      %get3A_92 = arith.constant 2 : i32
      %get3A_93 = arith.index_cast %get3A_92 : i32 to index
      %get3A_94 = arith.constant 32 : index
      %get3A_95 = tpu.vector_load %arg5[%get3A_93, %get3A_94] {strides = array<i32>} : memref<8x128xi32, #tpu.memory_space<vmem>>, vector<16xi32>,
      tpu.vector_store_idx %arg4[%get3A_95], %broadcast_in_dim3A_3 {add = true} : memref<10112xf32, #tpu.memory_space<vmem>>[vector<16xi32>], vector<16xf32>,
      %get3A_96 = arith.constant 2 : i32
      %get3A_97 = arith.index_cast %get3A_96 : i32 to index
      %get3A_98 = arith.constant 48 : index
      %get3A_99 = tpu.vector_load %arg5[%get3A_97, %get3A_98] {strides = array<i32>} : memref<8x128xi32, #tpu.memory_space<vmem>>, vector<16xi32>,
      tpu.vector_store_idx %arg4[%get3A_99], %broadcast_in_dim3A_3 {add = true} : memref<10112xf32, #tpu.memory_space<vmem>>[vector<16xi32>], vector<16xf32>,
      %get3A_100 = arith.constant 2 : i32
      %get3A_101 = arith.index_cast %get3A_100 : i32 to index
      %get3A_102 = arith.constant 64 : index
      %get3A_103 = tpu.vector_load %arg5[%get3A_101, %get3A_102] {strides = array<i32>} : memref<8x128xi32, #tpu.memory_space<vmem>>, vector<16xi32>,
      tpu.vector_store_idx %arg4[%get3A_103], %broadcast_in_dim3A_3 {add = true} : memref<10112xf32, #tpu.memory_space<vmem>>[vector<16xi32>], vector<16xf32>,
      %get3A_104 = arith.constant 2 : i32
      %get3A_105 = arith.index_cast %get3A_104 : i32 to index
      %get3A_106 = arith.constant 80 : index
      %get3A_107 = tpu.vector_load %arg5[%get3A_105, %get3A_106] {strides = array<i32>} : memref<8x128xi32, #tpu.memory_space<vmem>>, vector<16xi32>,
      tpu.vector_store_idx %arg4[%get3A_107], %broadcast_in_dim3A_3 {add = true} : memref<10112xf32, #tpu.memory_space<vmem>>[vector<16xi32>], vector<16xf32>,
      %get3A_108 = arith.constant 2 : i32
      %get3A_109 = arith.index_cast %get3A_108 : i32 to index
      %get3A_110 = arith.constant 96 : index
      %get3A_111 = tpu.vector_load %arg5[%get3A_109, %get3A_110] {strides = array<i32>} : memref<8x128xi32, #tpu.memory_space<vmem>>, vector<16xi32>,
      tpu.vector_store_idx %arg4[%get3A_111], %broadcast_in_dim3A_3 {add = true} : memref<10112xf32, #tpu.memory_space<vmem>>[vector<16xi32>], vector<16xf32>,
      %get3A_112 = arith.constant 2 : i32
      %get3A_113 = arith.index_cast %get3A_112 : i32 to index
      %get3A_114 = arith.constant 112 : index
      %get3A_115 = tpu.vector_load %arg5[%get3A_113, %get3A_114] {strides = array<i32>} : memref<8x128xi32, #tpu.memory_space<vmem>>, vector<16xi32>,
      tpu.vector_store_idx %arg4[%get3A_115], %broadcast_in_dim3A_3 {add = true} : memref<10112xf32, #tpu.memory_space<vmem>>[vector<16xi32>], vector<16xf32>,
      %get3A_116 = arith.constant 3 : i32
      %get3A_117 = arith.index_cast %get3A_116 : i32 to index
      %get3A_118 = arith.constant 0 : index
      %get3A_119 = tpu.vector_load %arg5[%get3A_117, %get3A_118] {strides = array<i32>} : memref<8x128xi32, #tpu.memory_space<vmem>>, vector<16xi32>,
      tpu.vector_store_idx %arg4[%get3A_119], %broadcast_in_dim3A_3 {add = true} : memref<10112xf32, #tpu.memory_space<vmem>>[vector<16xi32>], vector<16xf32>,
      %get3A_120 = arith.constant 3 : i32
      %get3A_121 = arith.index_cast %get3A_120 : i32 to index
      %get3A_122 = arith.constant 16 : index
      %get3A_123 = tpu.vector_load %arg5[%get3A_121, %get3A_122] {strides = array<i32>} : memref<8x128xi32, #tpu.memory_space<vmem>>, vector<16xi32>,
      tpu.vector_store_idx %arg4[%get3A_123], %broadcast_in_dim3A_3 {add = true} : memref<10112xf32, #tpu.memory_space<vmem>>[vector<16xi32>], vector<16xf32>,
      %get3A_124 = arith.constant 3 : i32
      %get3A_125 = arith.index_cast %get3A_124 : i32 to index
      %get3A_126 = arith.constant 32 : index
      %get3A_127 = tpu.vector_load %arg5[%get3A_125, %get3A_126] {strides = array<i32>} : memref<8x128xi32, #tpu.memory_space<vmem>>, vector<16xi32>,
      tpu.vector_store_idx %arg4[%get3A_127], %broadcast_in_dim3A_3 {add = true} : memref<10112xf32, #tpu.memory_space<vmem>>[vector<16xi32>], vector<16xf32>,
      %get3A_128 = arith.constant 3 : i32
      %get3A_129 = arith.index_cast %get3A_128 : i32 to index
      %get3A_130 = arith.constant 48 : index
      %get3A_131 = tpu.vector_load %arg5[%get3A_129, %get3A_130] {strides = array<i32>} : memref<8x128xi32, #tpu.memory_space<vmem>>, vector<16xi32>,
      tpu.vector_store_idx %arg4[%get3A_131], %broadcast_in_dim3A_3 {add = true} : memref<10112xf32, #tpu.memory_space<vmem>>[vector<16xi32>], vector<16xf32>,
      %get3A_132 = arith.constant 3 : i32
      %get3A_133 = arith.index_cast %get3A_132 : i32 to index
      %get3A_134 = arith.constant 64 : index
      %get3A_135 = tpu.vector_load %arg5[%get3A_133, %get3A_134] {strides = array<i32>} : memref<8x128xi32, #tpu.memory_space<vmem>>, vector<16xi32>,
      tpu.vector_store_idx %arg4[%get3A_135], %broadcast_in_dim3A_3 {add = true} : memref<10112xf32, #tpu.memory_space<vmem>>[vector<16xi32>], vector<16xf32>,
      %get3A_136 = arith.constant 3 : i32
      %get3A_137 = arith.index_cast %get3A_136 : i32 to index
      %get3A_138 = arith.constant 80 : index
      %get3A_139 = tpu.vector_load %arg5[%get3A_137, %get3A_138] {strides = array<i32>} : memref<8x128xi32, #tpu.memory_space<vmem>>, vector<16xi32>,
      tpu.vector_store_idx %arg4[%get3A_139], %broadcast_in_dim3A_3 {add = true} : memref<10112xf32, #tpu.memory_space<vmem>>[vector<16xi32>], vector<16xf32>,
      %get3A_140 = arith.constant 3 : i32
      %get3A_141 = arith.index_cast %get3A_140 : i32 to index
      %get3A_142 = arith.constant 96 : index
      %get3A_143 = tpu.vector_load %arg5[%get3A_141, %get3A_142] {strides = array<i32>} : memref<8x128xi32, #tpu.memory_space<vmem>>, vector<16xi32>,
      tpu.vector_store_idx %arg4[%get3A_143], %broadcast_in_dim3A_3 {add = true} : memref<10112xf32, #tpu.memory_space<vmem>>[vector<16xi32>], vector<16xf32>,
      %get3A_144 = arith.constant 3 : i32
      %get3A_145 = arith.index_cast %get3A_144 : i32 to index
      %get3A_146 = arith.constant 112 : index
      %get3A_147 = tpu.vector_load %arg5[%get3A_145, %get3A_146] {strides = array<i32>} : memref<8x128xi32, #tpu.memory_space<vmem>>, vector<16xi32>,
      tpu.vector_store_idx %arg4[%get3A_147], %broadcast_in_dim3A_3 {add = true} : memref<10112xf32, #tpu.memory_space<vmem>>[vector<16xi32>], vector<16xf32>,
      %get3A_148 = arith.constant 4 : i32
      %get3A_149 = arith.index_cast %get3A_148 : i32 to index
      %get3A_150 = arith.constant 0 : index
      %get3A_151 = tpu.vector_load %arg5[%get3A_149, %get3A_150] {strides = array<i32>} : memref<8x128xi32, #tpu.memory_space<vmem>>, vector<16xi32>,
      tpu.vector_store_idx %arg4[%get3A_151], %broadcast_in_dim3A_3 {add = true} : memref<10112xf32, #tpu.memory_space<vmem>>[vector<16xi32>], vector<16xf32>,
      %get3A_152 = arith.constant 4 : i32
      %get3A_153 = arith.index_cast %get3A_152 : i32 to index
      %get3A_154 = arith.constant 16 : index
      %get3A_155 = tpu.vector_load %arg5[%get3A_153, %get3A_154] {strides = array<i32>} : memref<8x128xi32, #tpu.memory_space<vmem>>, vector<16xi32>,
      tpu.vector_store_idx %arg4[%get3A_155], %broadcast_in_dim3A_3 {add = true} : memref<10112xf32, #tpu.memory_space<vmem>>[vector<16xi32>], vector<16xf32>,
      %get3A_156 = arith.constant 4 : i32
      %get3A_157 = arith.index_cast %get3A_156 : i32 to index
      %get3A_158 = arith.constant 32 : index
      %get3A_159 = tpu.vector_load %arg5[%get3A_157, %get3A_158] {strides = array<i32>} : memref<8x128xi32, #tpu.memory_space<vmem>>, vector<16xi32>,
      tpu.vector_store_idx %arg4[%get3A_159], %broadcast_in_dim3A_3 {add = true} : memref<10112xf32, #tpu.memory_space<vmem>>[vector<16xi32>], vector<16xf32>,
      %get3A_160 = arith.constant 4 : i32
      %get3A_161 = arith.index_cast %get3A_160 : i32 to index
      %get3A_162 = arith.constant 48 : index
      %get3A_163 = tpu.vector_load %arg5[%get3A_161, %get3A_162] {strides = array<i32>} : memref<8x128xi32, #tpu.memory_space<vmem>>, vector<16xi32>,
      tpu.vector_store_idx %arg4[%get3A_163], %broadcast_in_dim3A_3 {add = true} : memref<10112xf32, #tpu.memory_space<vmem>>[vector<16xi32>], vector<16xf32>,
      %get3A_164 = arith.constant 4 : i32
      %get3A_165 = arith.index_cast %get3A_164 : i32 to index
      %get3A_166 = arith.constant 64 : index
      %get3A_167 = tpu.vector_load %arg5[%get3A_165, %get3A_166] {strides = array<i32>} : memref<8x128xi32, #tpu.memory_space<vmem>>, vector<16xi32>,
      tpu.vector_store_idx %arg4[%get3A_167], %broadcast_in_dim3A_3 {add = true} : memref<10112xf32, #tpu.memory_space<vmem>>[vector<16xi32>], vector<16xf32>,
      %get3A_168 = arith.constant 4 : i32
      %get3A_169 = arith.index_cast %get3A_168 : i32 to index
      %get3A_170 = arith.constant 80 : index
      %get3A_171 = tpu.vector_load %arg5[%get3A_169, %get3A_170] {strides = array<i32>} : memref<8x128xi32, #tpu.memory_space<vmem>>, vector<16xi32>,
      tpu.vector_store_idx %arg4[%get3A_171], %broadcast_in_dim3A_3 {add = true} : memref<10112xf32, #tpu.memory_space<vmem>>[vector<16xi32>], vector<16xf32>,
      %get3A_172 = arith.constant 4 : i32
      %get3A_173 = arith.index_cast %get3A_172 : i32 to index
      %get3A_174 = arith.constant 96 : index
      %get3A_175 = tpu.vector_load %arg5[%get3A_173, %get3A_174] {strides = array<i32>} : memref<8x128xi32, #tpu.memory_space<vmem>>, vector<16xi32>,
      tpu.vector_store_idx %arg4[%get3A_175], %broadcast_in_dim3A_3 {add = true} : memref<10112xf32, #tpu.memory_space<vmem>>[vector<16xi32>], vector<16xf32>,
      %get3A_176 = arith.constant 4 : i32
      %get3A_177 = arith.index_cast %get3A_176 : i32 to index
      %get3A_178 = arith.constant 112 : index
      %get3A_179 = tpu.vector_load %arg5[%get3A_177, %get3A_178] {strides = array<i32>} : memref<8x128xi32, #tpu.memory_space<vmem>>, vector<16xi32>,
      tpu.vector_store_idx %arg4[%get3A_179], %broadcast_in_dim3A_3 {add = true} : memref<10112xf32, #tpu.memory_space<vmem>>[vector<16xi32>], vector<16xf32>,
      %get3A_180 = arith.constant 5 : i32
      %get3A_181 = arith.index_cast %get3A_180 : i32 to index
      %get3A_182 = arith.constant 0 : index
      %get3A_183 = tpu.vector_load %arg5[%get3A_181, %get3A_182] {strides = array<i32>} : memref<8x128xi32, #tpu.memory_space<vmem>>, vector<16xi32>,
      tpu.vector_store_idx %arg4[%get3A_183], %broadcast_in_dim3A_3 {add = true} : memref<10112xf32, #tpu.memory_space<vmem>>[vector<16xi32>], vector<16xf32>,
      %get3A_184 = arith.constant 5 : i32
      %get3A_185 = arith.index_cast %get3A_184 : i32 to index
      %get3A_186 = arith.constant 16 : index
      %get3A_187 = tpu.vector_load %arg5[%get3A_185, %get3A_186] {strides = array<i32>} : memref<8x128xi32, #tpu.memory_space<vmem>>, vector<16xi32>,
      tpu.vector_store_idx %arg4[%get3A_187], %broadcast_in_dim3A_3 {add = true} : memref<10112xf32, #tpu.memory_space<vmem>>[vector<16xi32>], vector<16xf32>,
      %get3A_188 = arith.constant 5 : i32
      %get3A_189 = arith.index_cast %get3A_188 : i32 to index
      %get3A_190 = arith.constant 32 : index
      %get3A_191 = tpu.vector_load %arg5[%get3A_189, %get3A_190] {strides = array<i32>} : memref<8x128xi32, #tpu.memory_space<vmem>>, vector<16xi32>,
      tpu.vector_store_idx %arg4[%get3A_191], %broadcast_in_dim3A_3 {add = true} : memref<10112xf32, #tpu.memory_space<vmem>>[vector<16xi32>], vector<16xf32>,
      %get3A_192 = arith.constant 5 : i32
      %get3A_193 = arith.index_cast %get3A_192 : i32 to index
      %get3A_194 = arith.constant 48 : index
      %get3A_195 = tpu.vector_load %arg5[%get3A_193, %get3A_194] {strides = array<i32>} : memref<8x128xi32, #tpu.memory_space<vmem>>, vector<16xi32>,
      tpu.vector_store_idx %arg4[%get3A_195], %broadcast_in_dim3A_3 {add = true} : memref<10112xf32, #tpu.memory_space<vmem>>[vector<16xi32>], vector<16xf32>,
      %get3A_196 = arith.constant 5 : i32
      %get3A_197 = arith.index_cast %get3A_196 : i32 to index
      %get3A_198 = arith.constant 64 : index
      %get3A_199 = tpu.vector_load %arg5[%get3A_197, %get3A_198] {strides = array<i32>} : memref<8x128xi32, #tpu.memory_space<vmem>>, vector<16xi32>,
      tpu.vector_store_idx %arg4[%get3A_199], %broadcast_in_dim3A_3 {add = true} : memref<10112xf32, #tpu.memory_space<vmem>>[vector<16xi32>], vector<16xf32>,
      %get3A_200 = arith.constant 5 : i32
      %get3A_201 = arith.index_cast %get3A_200 : i32 to index
      %get3A_202 = arith.constant 80 : index
      %get3A_203 = tpu.vector_load %arg5[%get3A_201, %get3A_202] {strides = array<i32>} : memref<8x128xi32, #tpu.memory_space<vmem>>, vector<16xi32>,
      tpu.vector_store_idx %arg4[%get3A_203], %broadcast_in_dim3A_3 {add = true} : memref<10112xf32, #tpu.memory_space<vmem>>[vector<16xi32>], vector<16xf32>,
      %get3A_204 = arith.constant 5 : i32
      %get3A_205 = arith.index_cast %get3A_204 : i32 to index
      %get3A_206 = arith.constant 96 : index
      %get3A_207 = tpu.vector_load %arg5[%get3A_205, %get3A_206] {strides = array<i32>} : memref<8x128xi32, #tpu.memory_space<vmem>>, vector<16xi32>,
      tpu.vector_store_idx %arg4[%get3A_207], %broadcast_in_dim3A_3 {add = true} : memref<10112xf32, #tpu.memory_space<vmem>>[vector<16xi32>], vector<16xf32>,
      %get3A_208 = arith.constant 5 : i32
      %get3A_209 = arith.index_cast %get3A_208 : i32 to index
      %get3A_210 = arith.constant 112 : index
      %get3A_211 = tpu.vector_load %arg5[%get3A_209, %get3A_210] {strides = array<i32>} : memref<8x128xi32, #tpu.memory_space<vmem>>, vector<16xi32>,
      tpu.vector_store_idx %arg4[%get3A_211], %broadcast_in_dim3A_3 {add = true} : memref<10112xf32, #tpu.memory_space<vmem>>[vector<16xi32>], vector<16xf32>,
      %get3A_212 = arith.constant 6 : i32
      %get3A_213 = arith.index_cast %get3A_212 : i32 to index
      %get3A_214 = arith.constant 0 : index
      %get3A_215 = tpu.vector_load %arg5[%get3A_213, %get3A_214] {strides = array<i32>} : memref<8x128xi32, #tpu.memory_space<vmem>>, vector<16xi32>,
      tpu.vector_store_idx %arg4[%get3A_215], %broadcast_in_dim3A_3 {add = true} : memref<10112xf32, #tpu.memory_space<vmem>>[vector<16xi32>], vector<16xf32>,
      %get3A_216 = arith.constant 6 : i32
      %get3A_217 = arith.index_cast %get3A_216 : i32 to index
      %get3A_218 = arith.constant 16 : index
      %get3A_219 = tpu.vector_load %arg5[%get3A_217, %get3A_218] {strides = array<i32>} : memref<8x128xi32, #tpu.memory_space<vmem>>, vector<16xi32>,
      tpu.vector_store_idx %arg4[%get3A_219], %broadcast_in_dim3A_3 {add = true} : memref<10112xf32, #tpu.memory_space<vmem>>[vector<16xi32>], vector<16xf32>,
      %get3A_220 = arith.constant 6 : i32
      %get3A_221 = arith.index_cast %get3A_220 : i32 to index
      %get3A_222 = arith.constant 32 : index
      %get3A_223 = tpu.vector_load %arg5[%get3A_221, %get3A_222] {strides = array<i32>} : memref<8x128xi32, #tpu.memory_space<vmem>>, vector<16xi32>,
      tpu.vector_store_idx %arg4[%get3A_223], %broadcast_in_dim3A_3 {add = true} : memref<10112xf32, #tpu.memory_space<vmem>>[vector<16xi32>], vector<16xf32>,
      %get3A_224 = arith.constant 6 : i32
      %get3A_225 = arith.index_cast %get3A_224 : i32 to index
      %get3A_226 = arith.constant 48 : index
      %get3A_227 = tpu.vector_load %arg5[%get3A_225, %get3A_226] {strides = array<i32>} : memref<8x128xi32, #tpu.memory_space<vmem>>, vector<16xi32>,
      tpu.vector_store_idx %arg4[%get3A_227], %broadcast_in_dim3A_3 {add = true} : memref<10112xf32, #tpu.memory_space<vmem>>[vector<16xi32>], vector<16xf32>,
      %get3A_228 = arith.constant 6 : i32
      %get3A_229 = arith.index_cast %get3A_228 : i32 to index
      %get3A_230 = arith.constant 64 : index
      %get3A_231 = tpu.vector_load %arg5[%get3A_229, %get3A_230] {strides = array<i32>} : memref<8x128xi32, #tpu.memory_space<vmem>>, vector<16xi32>,
      tpu.vector_store_idx %arg4[%get3A_231], %broadcast_in_dim3A_3 {add = true} : memref<10112xf32, #tpu.memory_space<vmem>>[vector<16xi32>], vector<16xf32>,
      %get3A_232 = arith.constant 6 : i32
      %get3A_233 = arith.index_cast %get3A_232 : i32 to index
      %get3A_234 = arith.constant 80 : index
      %get3A_235 = tpu.vector_load %arg5[%get3A_233, %get3A_234] {strides = array<i32>} : memref<8x128xi32, #tpu.memory_space<vmem>>, vector<16xi32>,
      tpu.vector_store_idx %arg4[%get3A_235], %broadcast_in_dim3A_3 {add = true} : memref<10112xf32, #tpu.memory_space<vmem>>[vector<16xi32>], vector<16xf32>,
      %get3A_236 = arith.constant 6 : i32
      %get3A_237 = arith.index_cast %get3A_236 : i32 to index
      %get3A_238 = arith.constant 96 : index
      %get3A_239 = tpu.vector_load %arg5[%get3A_237, %get3A_238] {strides = array<i32>} : memref<8x128xi32, #tpu.memory_space<vmem>>, vector<16xi32>,
      tpu.vector_store_idx %arg4[%get3A_239], %broadcast_in_dim3A_3 {add = true} : memref<10112xf32, #tpu.memory_space<vmem>>[vector<16xi32>], vector<16xf32>,
      %get3A_240 = arith.constant 6 : i32
      %get3A_241 = arith.index_cast %get3A_240 : i32 to index
      %get3A_242 = arith.constant 112 : index
      %get3A_243 = tpu.vector_load %arg5[%get3A_241, %get3A_242] {strides = array<i32>} : memref<8x128xi32, #tpu.memory_space<vmem>>, vector<16xi32>,
      tpu.vector_store_idx %arg4[%get3A_243], %broadcast_in_dim3A_3 {add = true} : memref<10112xf32, #tpu.memory_space<vmem>>[vector<16xi32>], vector<16xf32>,
      %get3A_244 = arith.constant 7 : i32
      %get3A_245 = arith.index_cast %get3A_244 : i32 to index
      %get3A_246 = arith.constant 0 : index
      %get3A_247 = tpu.vector_load %arg5[%get3A_245, %get3A_246] {strides = array<i32>} : memref<8x128xi32, #tpu.memory_space<vmem>>, vector<16xi32>,
      tpu.vector_store_idx %arg4[%get3A_247], %broadcast_in_dim3A_3 {add = true} : memref<10112xf32, #tpu.memory_space<vmem>>[vector<16xi32>], vector<16xf32>,
      %get3A_248 = arith.constant 7 : i32
      %get3A_249 = arith.index_cast %get3A_248 : i32 to index
      %get3A_250 = arith.constant 16 : index
      %get3A_251 = tpu.vector_load %arg5[%get3A_249, %get3A_250] {strides = array<i32>} : memref<8x128xi32, #tpu.memory_space<vmem>>, vector<16xi32>,
      tpu.vector_store_idx %arg4[%get3A_251], %broadcast_in_dim3A_3 {add = true} : memref<10112xf32, #tpu.memory_space<vmem>>[vector<16xi32>], vector<16xf32>,
      %get3A_252 = arith.constant 7 : i32
      %get3A_253 = arith.index_cast %get3A_252 : i32 to index
      %get3A_254 = arith.constant 32 : index
      %get3A_255 = tpu.vector_load %arg5[%get3A_253, %get3A_254] {strides = array<i32>} : memref<8x128xi32, #tpu.memory_space<vmem>>, vector<16xi32>,
      tpu.vector_store_idx %arg4[%get3A_255], %broadcast_in_dim3A_3 {add = true} : memref<10112xf32, #tpu.memory_space<vmem>>[vector<16xi32>], vector<16xf32>,
      %get3A_256 = arith.constant 7 : i32
      %get3A_257 = arith.index_cast %get3A_256 : i32 to index
      %get3A_258 = arith.constant 48 : index
      %get3A_259 = tpu.vector_load %arg5[%get3A_257, %get3A_258] {strides = array<i32>} : memref<8x128xi32, #tpu.memory_space<vmem>>, vector<16xi32>,
      tpu.vector_store_idx %arg4[%get3A_259], %broadcast_in_dim3A_3 {add = true} : memref<10112xf32, #tpu.memory_space<vmem>>[vector<16xi32>], vector<16xf32>,
      %get3A_260 = arith.constant 7 : i32
      %get3A_261 = arith.index_cast %get3A_260 : i32 to index
      %get3A_262 = arith.constant 64 : index
      %get3A_263 = tpu.vector_load %arg5[%get3A_261, %get3A_262] {strides = array<i32>} : memref<8x128xi32, #tpu.memory_space<vmem>>, vector<16xi32>,
      tpu.vector_store_idx %arg4[%get3A_263], %broadcast_in_dim3A_3 {add = true} : memref<10112xf32, #tpu.memory_space<vmem>>[vector<16xi32>], vector<16xf32>,
      %get3A_264 = arith.constant 7 : i32
      %get3A_265 = arith.index_cast %get3A_264 : i32 to index
      %get3A_266 = arith.constant 80 : index
      %get3A_267 = tpu.vector_load %arg5[%get3A_265, %get3A_266] {strides = array<i32>} : memref<8x128xi32, #tpu.memory_space<vmem>>, vector<16xi32>,
      tpu.vector_store_idx %arg4[%get3A_267], %broadcast_in_dim3A_3 {add = true} : memref<10112xf32, #tpu.memory_space<vmem>>[vector<16xi32>], vector<16xf32>,
      %get3A_268 = arith.constant 7 : i32
      %get3A_269 = arith.index_cast %get3A_268 : i32 to index
      %get3A_270 = arith.constant 96 : index
      %get3A_271 = tpu.vector_load %arg5[%get3A_269, %get3A_270] {strides = array<i32>} : memref<8x128xi32, #tpu.memory_space<vmem>>, vector<16xi32>,
      tpu.vector_store_idx %arg4[%get3A_271], %broadcast_in_dim3A_3 {add = true} : memref<10112xf32, #tpu.memory_space<vmem>>[vector<16xi32>], vector<16xf32>,
      %get3A_272 = arith.constant 7 : i32
      %get3A_273 = arith.index_cast %get3A_272 : i32 to index
      %get3A_274 = arith.constant 112 : index
      %get3A_275 = tpu.vector_load %arg5[%get3A_273, %get3A_274] {strides = array<i32>} : memref<8x128xi32, #tpu.memory_space<vmem>>, vector<16xi32>,
      tpu.vector_store_idx %arg4[%get3A_275], %broadcast_in_dim3A_3 {add = true} : memref<10112xf32, #tpu.memory_space<vmem>>[vector<16xi32>], vector<16xf32>,
    }
    %scan3A_12 = arith.constant 10 : i32
    "tpu.region"() ({
      %run_scoped3A = tpu.sem_alloc : memref<!tpu.dma_semaphore, #tpu.memory_space<semaphore_mem>>
      %dma_start3A = arith.constant 0 : i32
      %dma_start3A_13 = tpu.memref_slice %arg3[%add3A, %dma_start3A] : memref<32x10112xf32, #tpu.memory_space<hbm>> -> memref<1x10112xf32, #tpu.memory_space<hbm>>
      %dma_start3A_14 = tpu.memref_squeeze %dma_start3A_13 : memref<1x10112xf32, #tpu.memory_space<hbm>> -> memref<10112xf32, #tpu.memory_space<hbm>>
      %dma_start3A_15 = arith.constant 0 : i32
      %dma_start3A_16 = tpu.memref_slice %arg3[%add3A, %dma_start3A_15] : memref<32x10112xf32, #tpu.memory_space<hbm>> -> memref<1x10112xf32, #tpu.memory_space<hbm>>
      %dma_start3A_17 = tpu.memref_squeeze %dma_start3A_16 : memref<1x10112xf32, #tpu.memory_space<hbm>> -> memref<10112xf32, #tpu.memory_space<hbm>>
      tpu.enqueue_dma source(%arg4 : memref<10112xf32, #tpu.memory_space<vmem>>) target(%dma_start3A_17 : memref<10112xf32, #tpu.memory_space<hbm>>) target_semaphore(%run_scoped3A : memref<!tpu.dma_semaphore, #tpu.memory_space<semaphore_mem>>)
      %dma_wait3A = arith.constant 0 : i32
      %dma_wait3A_18 = tpu.memref_slice %arg3[%add3A, %dma_wait3A] : memref<32x10112xf32, #tpu.memory_space<hbm>> -> memref<1x10112xf32, #tpu.memory_space<hbm>>
      %dma_wait3A_19 = tpu.memref_squeeze %dma_wait3A_18 : memref<1x10112xf32, #tpu.memory_space<hbm>> -> memref<10112xf32, #tpu.memory_space<hbm>>
      %dma_wait3A_20 = arith.constant 0 : i32
      %dma_wait3A_21 = tpu.memref_slice %arg3[%add3A, %dma_wait3A_20] : memref<32x10112xf32, #tpu.memory_space<hbm>> -> memref<1x10112xf32, #tpu.memory_space<hbm>>
      %dma_wait3A_22 = tpu.memref_squeeze %dma_wait3A_21 : memref<1x10112xf32, #tpu.memory_space<hbm>> -> memref<10112xf32, #tpu.memory_space<hbm>>
      tpu.wait_dma2 semaphore(%run_scoped3A : memref<!tpu.dma_semaphore, #tpu.memory_space<semaphore_mem>>) src(%arg4 : memref<10112xf32, #tpu.memory_space<vmem>>) dst(%dma_wait3A_22 : memref<10112xf32, #tpu.memory_space<hbm>>)
      tpu.yield
    }) : () -> ()
    return
  }
}

#map = affine_map<(d0, d1) -> (0, 0)>
#map1 = affine_map<(d0, d1) -> (0, 0, 0, 0)>
module attributes {stable_mosaic.version = 14 : i64} {
  func.func @body(%arg0: i32, %arg1: i32, %arg2: memref<10000x128xf32, #tpu.memory_space<hbm>>, %arg3: memref<320x2x8x128xi32, #tpu.memory_space<hbm>>, %arg4: memref<128x128xf32, #tpu.memory_space<hbm>>, %arg5: memref<20224x128xf32, #tpu.memory_space<hbm>>, %arg6: memref<10112x128xf32, #tpu.memory_space<vmem_shared>>, %arg7: memref<2x8x128xi32, #tpu.memory_space<vmem>>, %arg8: memref<128x128xf32, #tpu.memory_space<vmem>>, %arg9: memref<128x128xf32, #tpu.memory_space<vmem>>, %arg10: memref<!tpu.dma_semaphore, #tpu.memory_space<semaphore_mem>>, %arg11: memref<!tpu.dma_semaphore, #tpu.memory_space<semaphore_mem>>, %arg12: memref<!tpu.dma_semaphore, #tpu.memory_space<semaphore_mem>>, %arg13: memref<!tpu.dma_semaphore, #tpu.memory_space<semaphore_mem>>) attributes {dimension_semantics = [#tpu.dimension_semantics<core_parallel>, #tpu.dimension_semantics<subcore_parallel>], iteration_bounds = array<i64: 2, 16>, scalar_prefetch = 0 : i64, scratch_operands = 8 : i64, tpu.core_type = #tpu.core_type<sc_vector_subcore>, window_params = [{transform_indices = #map}, {transform_indices = #map1}, {transform_indices = #map}, {transform_indices = #map}]} {
    %mul3A = arith.constant 16 : i32
    %mul3A_0 = arith.muli %arg0, %mul3A : i32
    %add3A = arith.addi %mul3A_0, %arg1 : i32
    %mul3A_1 = arith.constant 632 : i32
    %mul3A_2 = arith.muli %arg1, %mul3A_1 : i32
    "tpu.region"() ({
      %run_scoped3A = tpu.sem_alloc : memref<!tpu.dma_semaphore, #tpu.memory_space<semaphore_mem>>
      tpu.enqueue_dma source(%arg4 : memref<128x128xf32, #tpu.memory_space<hbm>>) target(%arg8 : memref<128x128xf32, #tpu.memory_space<vmem>>) target_semaphore(%run_scoped3A : memref<!tpu.dma_semaphore, #tpu.memory_space<semaphore_mem>>)
      tpu.wait_dma2 semaphore(%run_scoped3A : memref<!tpu.dma_semaphore, #tpu.memory_space<semaphore_mem>>) src(%arg4 : memref<128x128xf32, #tpu.memory_space<hbm>>) dst(%arg8 : memref<128x128xf32, #tpu.memory_space<vmem>>)
      tpu.yield
    }) : () -> ()
    %add3A_3 = arith.constant 0 : i32
    %add3A_4 = arith.addi %mul3A_2, %add3A_3 : i32
    "tpu.region"() ({
      %run_scoped3A = tpu.sem_alloc : memref<!tpu.dma_semaphore, #tpu.memory_space<semaphore_mem>>
      %dma_start3A = arith.constant 0 : i32
      %dma_start3A_21 = tpu.memref_slice %arg6[%add3A_4, %dma_start3A] : memref<10112x128xf32, #tpu.memory_space<vmem_shared>> -> memref<128x128xf32, #tpu.memory_space<vmem_shared>>
      %dma_start3A_22 = arith.constant 0 : i32
      %dma_start3A_23 = tpu.memref_slice %arg6[%add3A_4, %dma_start3A_22] : memref<10112x128xf32, #tpu.memory_space<vmem_shared>> -> memref<128x128xf32, #tpu.memory_space<vmem_shared>>
      tpu.enqueue_dma source(%arg8 : memref<128x128xf32, #tpu.memory_space<vmem>>) target(%dma_start3A_23 : memref<128x128xf32, #tpu.memory_space<vmem_shared>>) target_semaphore(%run_scoped3A : memref<!tpu.dma_semaphore, #tpu.memory_space<semaphore_mem>>)
      %dma_wait3A = arith.constant 0 : i32
      %dma_wait3A_24 = tpu.memref_slice %arg6[%add3A_4, %dma_wait3A] : memref<10112x128xf32, #tpu.memory_space<vmem_shared>> -> memref<128x128xf32, #tpu.memory_space<vmem_shared>>
      %dma_wait3A_25 = arith.constant 0 : i32
      %dma_wait3A_26 = tpu.memref_slice %arg6[%add3A_4, %dma_wait3A_25] : memref<10112x128xf32, #tpu.memory_space<vmem_shared>> -> memref<128x128xf32, #tpu.memory_space<vmem_shared>>
      tpu.wait_dma2 semaphore(%run_scoped3A : memref<!tpu.dma_semaphore, #tpu.memory_space<semaphore_mem>>) src(%arg8 : memref<128x128xf32, #tpu.memory_space<vmem>>) dst(%dma_wait3A_26 : memref<128x128xf32, #tpu.memory_space<vmem_shared>>)
      tpu.yield
    }) : () -> ()
    %add3A_5 = arith.constant 128 : i32
    %add3A_6 = arith.addi %mul3A_2, %add3A_5 : i32
    "tpu.region"() ({
      %run_scoped3A = tpu.sem_alloc : memref<!tpu.dma_semaphore, #tpu.memory_space<semaphore_mem>>
      %dma_start3A = arith.constant 0 : i32
      %dma_start3A_21 = tpu.memref_slice %arg6[%add3A_6, %dma_start3A] : memref<10112x128xf32, #tpu.memory_space<vmem_shared>> -> memref<128x128xf32, #tpu.memory_space<vmem_shared>>
      %dma_start3A_22 = arith.constant 0 : i32
      %dma_start3A_23 = tpu.memref_slice %arg6[%add3A_6, %dma_start3A_22] : memref<10112x128xf32, #tpu.memory_space<vmem_shared>> -> memref<128x128xf32, #tpu.memory_space<vmem_shared>>
      tpu.enqueue_dma source(%arg8 : memref<128x128xf32, #tpu.memory_space<vmem>>) target(%dma_start3A_23 : memref<128x128xf32, #tpu.memory_space<vmem_shared>>) target_semaphore(%run_scoped3A : memref<!tpu.dma_semaphore, #tpu.memory_space<semaphore_mem>>)
      %dma_wait3A = arith.constant 0 : i32
      %dma_wait3A_24 = tpu.memref_slice %arg6[%add3A_6, %dma_wait3A] : memref<10112x128xf32, #tpu.memory_space<vmem_shared>> -> memref<128x128xf32, #tpu.memory_space<vmem_shared>>
      %dma_wait3A_25 = arith.constant 0 : i32
      %dma_wait3A_26 = tpu.memref_slice %arg6[%add3A_6, %dma_wait3A_25] : memref<10112x128xf32, #tpu.memory_space<vmem_shared>> -> memref<128x128xf32, #tpu.memory_space<vmem_shared>>
      tpu.wait_dma2 semaphore(%run_scoped3A : memref<!tpu.dma_semaphore, #tpu.memory_space<semaphore_mem>>) src(%arg8 : memref<128x128xf32, #tpu.memory_space<vmem>>) dst(%dma_wait3A_26 : memref<128x128xf32, #tpu.memory_space<vmem_shared>>)
      tpu.yield
    }) : () -> ()
    %add3A_7 = arith.constant 256 : i32
    %add3A_8 = arith.addi %mul3A_2, %add3A_7 : i32
    "tpu.region"() ({
      %run_scoped3A = tpu.sem_alloc : memref<!tpu.dma_semaphore, #tpu.memory_space<semaphore_mem>>
      %dma_start3A = arith.constant 0 : i32
      %dma_start3A_21 = tpu.memref_slice %arg6[%add3A_8, %dma_start3A] : memref<10112x128xf32, #tpu.memory_space<vmem_shared>> -> memref<128x128xf32, #tpu.memory_space<vmem_shared>>
      %dma_start3A_22 = arith.constant 0 : i32
      %dma_start3A_23 = tpu.memref_slice %arg6[%add3A_8, %dma_start3A_22] : memref<10112x128xf32, #tpu.memory_space<vmem_shared>> -> memref<128x128xf32, #tpu.memory_space<vmem_shared>>
      tpu.enqueue_dma source(%arg8 : memref<128x128xf32, #tpu.memory_space<vmem>>) target(%dma_start3A_23 : memref<128x128xf32, #tpu.memory_space<vmem_shared>>) target_semaphore(%run_scoped3A : memref<!tpu.dma_semaphore, #tpu.memory_space<semaphore_mem>>)
      %dma_wait3A = arith.constant 0 : i32
      %dma_wait3A_24 = tpu.memref_slice %arg6[%add3A_8, %dma_wait3A] : memref<10112x128xf32, #tpu.memory_space<vmem_shared>> -> memref<128x128xf32, #tpu.memory_space<vmem_shared>>
      %dma_wait3A_25 = arith.constant 0 : i32
      %dma_wait3A_26 = tpu.memref_slice %arg6[%add3A_8, %dma_wait3A_25] : memref<10112x128xf32, #tpu.memory_space<vmem_shared>> -> memref<128x128xf32, #tpu.memory_space<vmem_shared>>
      tpu.wait_dma2 semaphore(%run_scoped3A : memref<!tpu.dma_semaphore, #tpu.memory_space<semaphore_mem>>) src(%arg8 : memref<128x128xf32, #tpu.memory_space<vmem>>) dst(%dma_wait3A_26 : memref<128x128xf32, #tpu.memory_space<vmem_shared>>)
      tpu.yield
    }) : () -> ()
    %add3A_9 = arith.constant 384 : i32
    %add3A_10 = arith.addi %mul3A_2, %add3A_9 : i32
    "tpu.region"() ({
      %run_scoped3A = tpu.sem_alloc : memref<!tpu.dma_semaphore, #tpu.memory_space<semaphore_mem>>
      %dma_start3A = arith.constant 0 : i32
      %dma_start3A_21 = tpu.memref_slice %arg6[%add3A_10, %dma_start3A] : memref<10112x128xf32, #tpu.memory_space<vmem_shared>> -> memref<128x128xf32, #tpu.memory_space<vmem_shared>>
      %dma_start3A_22 = arith.constant 0 : i32
      %dma_start3A_23 = tpu.memref_slice %arg6[%add3A_10, %dma_start3A_22] : memref<10112x128xf32, #tpu.memory_space<vmem_shared>> -> memref<128x128xf32, #tpu.memory_space<vmem_shared>>
      tpu.enqueue_dma source(%arg8 : memref<128x128xf32, #tpu.memory_space<vmem>>) target(%dma_start3A_23 : memref<128x128xf32, #tpu.memory_space<vmem_shared>>) target_semaphore(%run_scoped3A : memref<!tpu.dma_semaphore, #tpu.memory_space<semaphore_mem>>)
      %dma_wait3A = arith.constant 0 : i32
      %dma_wait3A_24 = tpu.memref_slice %arg6[%add3A_10, %dma_wait3A] : memref<10112x128xf32, #tpu.memory_space<vmem_shared>> -> memref<128x128xf32, #tpu.memory_space<vmem_shared>>
      %dma_wait3A_25 = arith.constant 0 : i32
      %dma_wait3A_26 = tpu.memref_slice %arg6[%add3A_10, %dma_wait3A_25] : memref<10112x128xf32, #tpu.memory_space<vmem_shared>> -> memref<128x128xf32, #tpu.memory_space<vmem_shared>>
      tpu.wait_dma2 semaphore(%run_scoped3A : memref<!tpu.dma_semaphore, #tpu.memory_space<semaphore_mem>>) src(%arg8 : memref<128x128xf32, #tpu.memory_space<vmem>>) dst(%dma_wait3A_26 : memref<128x128xf32, #tpu.memory_space<vmem_shared>>)
      tpu.yield
    }) : () -> ()
    %add3A_11 = arith.constant 512 : i32
    %add3A_12 = arith.addi %mul3A_2, %add3A_11 : i32
    "tpu.region"() ({
      %run_scoped3A = tpu.sem_alloc : memref<!tpu.dma_semaphore, #tpu.memory_space<semaphore_mem>>
      %dma_start3A = arith.constant 0 : i32
      %dma_start3A_21 = arith.constant 0 : i32
      %dma_start3A_22 = tpu.memref_slice %arg8[%dma_start3A, %dma_start3A_21] : memref<128x128xf32, #tpu.memory_space<vmem>> -> memref<120x128xf32, #tpu.memory_space<vmem>>
      %dma_start3A_23 = arith.constant 0 : i32
      %dma_start3A_24 = tpu.memref_slice %arg6[%add3A_12, %dma_start3A_23] : memref<10112x128xf32, #tpu.memory_space<vmem_shared>> -> memref<120x128xf32, #tpu.memory_space<vmem_shared>>
      %dma_start3A_25 = arith.constant 0 : i32
      %dma_start3A_26 = tpu.memref_slice %arg6[%add3A_12, %dma_start3A_25] : memref<10112x128xf32, #tpu.memory_space<vmem_shared>> -> memref<120x128xf32, #tpu.memory_space<vmem_shared>>
      %dma_start3A_27 = arith.constant 0 : i32
      %dma_start3A_28 = arith.constant 0 : i32
      %dma_start3A_29 = tpu.memref_slice %arg8[%dma_start3A_27, %dma_start3A_28] : memref<128x128xf32, #tpu.memory_space<vmem>> -> memref<120x128xf32, #tpu.memory_space<vmem>>
      tpu.enqueue_dma source(%dma_start3A_29 : memref<120x128xf32, #tpu.memory_space<vmem>>) target(%dma_start3A_26 : memref<120x128xf32, #tpu.memory_space<vmem_shared>>) target_semaphore(%run_scoped3A : memref<!tpu.dma_semaphore, #tpu.memory_space<semaphore_mem>>)
      %dma_wait3A = arith.constant 0 : i32
      %dma_wait3A_30 = arith.constant 0 : i32
      %dma_wait3A_31 = tpu.memref_slice %arg8[%dma_wait3A, %dma_wait3A_30] : memref<128x128xf32, #tpu.memory_space<vmem>> -> memref<120x128xf32, #tpu.memory_space<vmem>>
      %dma_wait3A_32 = arith.constant 0 : i32
      %dma_wait3A_33 = tpu.memref_slice %arg6[%add3A_12, %dma_wait3A_32] : memref<10112x128xf32, #tpu.memory_space<vmem_shared>> -> memref<120x128xf32, #tpu.memory_space<vmem_shared>>
      %dma_wait3A_34 = arith.constant 0 : i32
      %dma_wait3A_35 = tpu.memref_slice %arg6[%add3A_12, %dma_wait3A_34] : memref<10112x128xf32, #tpu.memory_space<vmem_shared>> -> memref<120x128xf32, #tpu.memory_space<vmem_shared>>
      %dma_wait3A_36 = arith.constant 0 : i32
      %dma_wait3A_37 = arith.constant 0 : i32
      %dma_wait3A_38 = tpu.memref_slice %arg8[%dma_wait3A_36, %dma_wait3A_37] : memref<128x128xf32, #tpu.memory_space<vmem>> -> memref<120x128xf32, #tpu.memory_space<vmem>>
      tpu.wait_dma2 semaphore(%run_scoped3A : memref<!tpu.dma_semaphore, #tpu.memory_space<semaphore_mem>>) src(%dma_wait3A_38 : memref<120x128xf32, #tpu.memory_space<vmem>>) dst(%dma_wait3A_35 : memref<120x128xf32, #tpu.memory_space<vmem_shared>>)
      tpu.yield
    }) : () -> ()
    %barrier3A = arith.constant 0 : index
    tpu.barrier barrier_id(%barrier3A)
    %scan3A = arith.constant 0 : i32
    %scan3A_13 = arith.constant 10 : i32
    %scan3A_14 = arith.addi %scan3A, %scan3A_13 : i32
    %scan3A_15 = arith.constant 1 : i32
    scf.for %scan3A_21 = %scan3A to %scan3A_14 step %scan3A_15  : i32 {
      %mul3A_22 = arith.constant 1 : i32
      %mul3A_23 = arith.muli %scan3A_21, %mul3A_22 : i32
      %add3A_24 = arith.constant 0 : i32
      %add3A_25 = arith.addi %add3A_24, %mul3A_23 : i32
      %mul3A_26 = arith.constant 10 : i32
      %mul3A_27 = arith.muli %add3A, %mul3A_26 : i32
      %add3A_28 = arith.addi %mul3A_27, %add3A_25 : i32
      "tpu.region"() ({
        %run_scoped3A = tpu.sem_alloc : memref<!tpu.dma_semaphore, #tpu.memory_space<semaphore_mem>>
        %dma_start3A_283 = arith.constant 0 : i32
        %dma_start3A_284 = arith.constant 0 : i32
        %dma_start3A_285 = arith.constant 0 : i32
        %dma_start3A_286 = tpu.memref_slice %arg3[%add3A_28, %dma_start3A_283, %dma_start3A_284, %dma_start3A_285] : memref<320x2x8x128xi32, #tpu.memory_space<hbm>> -> memref<1x2x8x128xi32, #tpu.memory_space<hbm>>
        %dma_start3A_287 = tpu.memref_squeeze %dma_start3A_286 : memref<1x2x8x128xi32, #tpu.memory_space<hbm>> -> memref<2x8x128xi32, #tpu.memory_space<hbm>>
        %dma_start3A_288 = arith.constant 0 : i32
        %dma_start3A_289 = arith.constant 0 : i32
        %dma_start3A_290 = arith.constant 0 : i32
        %dma_start3A_291 = tpu.memref_slice %arg3[%add3A_28, %dma_start3A_288, %dma_start3A_289, %dma_start3A_290] : memref<320x2x8x128xi32, #tpu.memory_space<hbm>> -> memref<1x2x8x128xi32, #tpu.memory_space<hbm>>
        %dma_start3A_292 = tpu.memref_squeeze %dma_start3A_291 : memref<1x2x8x128xi32, #tpu.memory_space<hbm>> -> memref<2x8x128xi32, #tpu.memory_space<hbm>>
        tpu.enqueue_dma source(%dma_start3A_292 : memref<2x8x128xi32, #tpu.memory_space<hbm>>) target(%arg7 : memref<2x8x128xi32, #tpu.memory_space<vmem>>) target_semaphore(%run_scoped3A : memref<!tpu.dma_semaphore, #tpu.memory_space<semaphore_mem>>)
        %dma_wait3A_293 = arith.constant 0 : i32
        %dma_wait3A_294 = arith.constant 0 : i32
        %dma_wait3A_295 = arith.constant 0 : i32
        %dma_wait3A_296 = tpu.memref_slice %arg3[%add3A_28, %dma_wait3A_293, %dma_wait3A_294, %dma_wait3A_295] : memref<320x2x8x128xi32, #tpu.memory_space<hbm>> -> memref<1x2x8x128xi32, #tpu.memory_space<hbm>>
        %dma_wait3A_297 = tpu.memref_squeeze %dma_wait3A_296 : memref<1x2x8x128xi32, #tpu.memory_space<hbm>> -> memref<2x8x128xi32, #tpu.memory_space<hbm>>
        %dma_wait3A_298 = arith.constant 0 : i32
        %dma_wait3A_299 = arith.constant 0 : i32
        %dma_wait3A_300 = arith.constant 0 : i32
        %dma_wait3A_301 = tpu.memref_slice %arg3[%add3A_28, %dma_wait3A_298, %dma_wait3A_299, %dma_wait3A_300] : memref<320x2x8x128xi32, #tpu.memory_space<hbm>> -> memref<1x2x8x128xi32, #tpu.memory_space<hbm>>
        %dma_wait3A_302 = tpu.memref_squeeze %dma_wait3A_301 : memref<1x2x8x128xi32, #tpu.memory_space<hbm>> -> memref<2x8x128xi32, #tpu.memory_space<hbm>>
        tpu.wait_dma2 semaphore(%run_scoped3A : memref<!tpu.dma_semaphore, #tpu.memory_space<semaphore_mem>>) src(%dma_wait3A_302 : memref<2x8x128xi32, #tpu.memory_space<hbm>>) dst(%arg7 : memref<2x8x128xi32, #tpu.memory_space<vmem>>)
        tpu.yield
      }) : () -> ()
      %dma_start3A = arith.constant 0 : i32
      %dma_start3A_29 = arith.constant 0 : i32
      %dma_start3A_30 = arith.constant 0 : i32
      %dma_start3A_31 = tpu.memref_slice %arg7[%dma_start3A, %dma_start3A_29, %dma_start3A_30] : memref<2x8x128xi32, #tpu.memory_space<vmem>> -> memref<1x1x128xi32, #tpu.memory_space<vmem>>
      %dma_start3A_32 = tpu.memref_squeeze %dma_start3A_31 : memref<1x1x128xi32, #tpu.memory_space<vmem>> -> memref<128xi32, #tpu.memory_space<vmem>>
      %dma_start3A_33 = arith.constant 0 : i32
      %dma_start3A_34 = arith.constant 0 : i32
      %dma_start3A_35 = tpu.memref_slice %arg2[%dma_start3A_33, %dma_start3A_34] : memref<10000x128xf32, #tpu.memory_space<hbm>> -> memref<10000x128xf32, #tpu.memory_space<hbm>>
      tpu.enqueue_indirect_dma source(%dma_start3A_35 : memref<10000x128xf32, #tpu.memory_space<hbm>>) target(%arg8 : memref<128x128xf32, #tpu.memory_space<vmem>>) offsets(%dma_start3A_32 : memref<128xi32, #tpu.memory_space<vmem>>) semaphore(%arg10 : memref<!tpu.dma_semaphore, #tpu.memory_space<semaphore_mem>>)
      %dma_start3A_36 = arith.constant 0 : i32
      %dma_start3A_37 = arith.constant 1 : i32
      %dma_start3A_38 = arith.constant 0 : i32
      %dma_start3A_39 = tpu.memref_slice %arg7[%dma_start3A_36, %dma_start3A_37, %dma_start3A_38] : memref<2x8x128xi32, #tpu.memory_space<vmem>> -> memref<1x1x128xi32, #tpu.memory_space<vmem>>
      %dma_start3A_40 = tpu.memref_squeeze %dma_start3A_39 : memref<1x1x128xi32, #tpu.memory_space<vmem>> -> memref<128xi32, #tpu.memory_space<vmem>>
      %dma_start3A_41 = arith.constant 0 : i32
      %dma_start3A_42 = arith.constant 0 : i32
      %dma_start3A_43 = tpu.memref_slice %arg2[%dma_start3A_41, %dma_start3A_42] : memref<10000x128xf32, #tpu.memory_space<hbm>> -> memref<10000x128xf32, #tpu.memory_space<hbm>>
      tpu.enqueue_indirect_dma source(%dma_start3A_43 : memref<10000x128xf32, #tpu.memory_space<hbm>>) target(%arg9 : memref<128x128xf32, #tpu.memory_space<vmem>>) offsets(%dma_start3A_40 : memref<128xi32, #tpu.memory_space<vmem>>) semaphore(%arg11 : memref<!tpu.dma_semaphore, #tpu.memory_space<semaphore_mem>>)
      %dma_wait3A = arith.constant 0 : i32
      %dma_wait3A_44 = arith.constant 0 : i32
      %dma_wait3A_45 = arith.constant 0 : i32
      %dma_wait3A_46 = tpu.memref_slice %arg7[%dma_wait3A, %dma_wait3A_44, %dma_wait3A_45] : memref<2x8x128xi32, #tpu.memory_space<vmem>> -> memref<1x1x128xi32, #tpu.memory_space<vmem>>
      %dma_wait3A_47 = tpu.memref_squeeze %dma_wait3A_46 : memref<1x1x128xi32, #tpu.memory_space<vmem>> -> memref<128xi32, #tpu.memory_space<vmem>>
      %dma_wait3A_48 = arith.constant 0 : i32
      %dma_wait3A_49 = arith.constant 0 : i32
      %dma_wait3A_50 = tpu.memref_slice %arg2[%dma_wait3A_48, %dma_wait3A_49] : memref<10000x128xf32, #tpu.memory_space<hbm>> -> memref<10000x128xf32, #tpu.memory_space<hbm>>
      tpu.wait_indirect_dma semaphore(%arg10 : memref<!tpu.dma_semaphore, #tpu.memory_space<semaphore_mem>>) src(%dma_wait3A_50 : memref<10000x128xf32, #tpu.memory_space<hbm>>) dst(%arg8 : memref<128x128xf32, #tpu.memory_space<vmem>>)
      %dma_start3A_51 = arith.constant 1 : i32
      %dma_start3A_52 = arith.constant 0 : i32
      %dma_start3A_53 = arith.constant 0 : i32
      %dma_start3A_54 = tpu.memref_slice %arg7[%dma_start3A_51, %dma_start3A_52, %dma_start3A_53] : memref<2x8x128xi32, #tpu.memory_space<vmem>> -> memref<1x1x128xi32, #tpu.memory_space<vmem>>
      %dma_start3A_55 = tpu.memref_squeeze %dma_start3A_54 : memref<1x1x128xi32, #tpu.memory_space<vmem>> -> memref<128xi32, #tpu.memory_space<vmem>>
      %dma_start3A_56 = arith.constant 0 : i32
      %dma_start3A_57 = arith.constant 0 : i32
      %dma_start3A_58 = tpu.memref_slice %arg6[%dma_start3A_56, %dma_start3A_57] : memref<10112x128xf32, #tpu.memory_space<vmem_shared>> -> memref<10112x128xf32, #tpu.memory_space<vmem_shared>>
      tpu.enqueue_indirect_dma source(%arg8 : memref<128x128xf32, #tpu.memory_space<vmem>>) target(%dma_start3A_58 : memref<10112x128xf32, #tpu.memory_space<vmem_shared>>) offsets(%dma_start3A_55 : memref<128xi32, #tpu.memory_space<vmem>>) semaphore(%arg12 : memref<!tpu.dma_semaphore, #tpu.memory_space<semaphore_mem>>) {add = true}
      %dma_wait3A_59 = arith.constant 0 : i32
      %dma_wait3A_60 = arith.constant 1 : i32
      %dma_wait3A_61 = arith.constant 0 : i32
      %dma_wait3A_62 = tpu.memref_slice %arg7[%dma_wait3A_59, %dma_wait3A_60, %dma_wait3A_61] : memref<2x8x128xi32, #tpu.memory_space<vmem>> -> memref<1x1x128xi32, #tpu.memory_space<vmem>>
      %dma_wait3A_63 = tpu.memref_squeeze %dma_wait3A_62 : memref<1x1x128xi32, #tpu.memory_space<vmem>> -> memref<128xi32, #tpu.memory_space<vmem>>
      %dma_wait3A_64 = arith.constant 0 : i32
      %dma_wait3A_65 = arith.constant 0 : i32
      %dma_wait3A_66 = tpu.memref_slice %arg2[%dma_wait3A_64, %dma_wait3A_65] : memref<10000x128xf32, #tpu.memory_space<hbm>> -> memref<10000x128xf32, #tpu.memory_space<hbm>>
      tpu.wait_indirect_dma semaphore(%arg11 : memref<!tpu.dma_semaphore, #tpu.memory_space<semaphore_mem>>) src(%dma_wait3A_66 : memref<10000x128xf32, #tpu.memory_space<hbm>>) dst(%arg9 : memref<128x128xf32, #tpu.memory_space<vmem>>)
      %dma_start3A_67 = arith.constant 1 : i32
      %dma_start3A_68 = arith.constant 1 : i32
      %dma_start3A_69 = arith.constant 0 : i32
      %dma_start3A_70 = tpu.memref_slice %arg7[%dma_start3A_67, %dma_start3A_68, %dma_start3A_69] : memref<2x8x128xi32, #tpu.memory_space<vmem>> -> memref<1x1x128xi32, #tpu.memory_space<vmem>>
      %dma_start3A_71 = tpu.memref_squeeze %dma_start3A_70 : memref<1x1x128xi32, #tpu.memory_space<vmem>> -> memref<128xi32, #tpu.memory_space<vmem>>
      %dma_start3A_72 = arith.constant 0 : i32
      %dma_start3A_73 = arith.constant 0 : i32
      %dma_start3A_74 = tpu.memref_slice %arg6[%dma_start3A_72, %dma_start3A_73] : memref<10112x128xf32, #tpu.memory_space<vmem_shared>> -> memref<10112x128xf32, #tpu.memory_space<vmem_shared>>
      tpu.enqueue_indirect_dma source(%arg9 : memref<128x128xf32, #tpu.memory_space<vmem>>) target(%dma_start3A_74 : memref<10112x128xf32, #tpu.memory_space<vmem_shared>>) offsets(%dma_start3A_71 : memref<128xi32, #tpu.memory_space<vmem>>) semaphore(%arg13 : memref<!tpu.dma_semaphore, #tpu.memory_space<semaphore_mem>>) {add = true}
      %dma_wait3A_75 = arith.constant 1 : i32
      %dma_wait3A_76 = arith.constant 0 : i32
      %dma_wait3A_77 = arith.constant 0 : i32
      %dma_wait3A_78 = tpu.memref_slice %arg7[%dma_wait3A_75, %dma_wait3A_76, %dma_wait3A_77] : memref<2x8x128xi32, #tpu.memory_space<vmem>> -> memref<1x1x128xi32, #tpu.memory_space<vmem>>
      %dma_wait3A_79 = tpu.memref_squeeze %dma_wait3A_78 : memref<1x1x128xi32, #tpu.memory_space<vmem>> -> memref<128xi32, #tpu.memory_space<vmem>>
      %dma_wait3A_80 = arith.constant 0 : i32
      %dma_wait3A_81 = arith.constant 0 : i32
      %dma_wait3A_82 = tpu.memref_slice %arg6[%dma_wait3A_80, %dma_wait3A_81] : memref<10112x128xf32, #tpu.memory_space<vmem_shared>> -> memref<10112x128xf32, #tpu.memory_space<vmem_shared>>
      tpu.wait_indirect_dma semaphore(%arg12 : memref<!tpu.dma_semaphore, #tpu.memory_space<semaphore_mem>>) src(%arg8 : memref<128x128xf32, #tpu.memory_space<vmem>>) dst(%dma_wait3A_82 : memref<10112x128xf32, #tpu.memory_space<vmem_shared>>)
      %dma_wait3A_83 = arith.constant 1 : i32
      %dma_wait3A_84 = arith.constant 1 : i32
      %dma_wait3A_85 = arith.constant 0 : i32
      %dma_wait3A_86 = tpu.memref_slice %arg7[%dma_wait3A_83, %dma_wait3A_84, %dma_wait3A_85] : memref<2x8x128xi32, #tpu.memory_space<vmem>> -> memref<1x1x128xi32, #tpu.memory_space<vmem>>
      %dma_wait3A_87 = tpu.memref_squeeze %dma_wait3A_86 : memref<1x1x128xi32, #tpu.memory_space<vmem>> -> memref<128xi32, #tpu.memory_space<vmem>>
      %dma_wait3A_88 = arith.constant 0 : i32
      %dma_wait3A_89 = arith.constant 0 : i32
      %dma_wait3A_90 = tpu.memref_slice %arg6[%dma_wait3A_88, %dma_wait3A_89] : memref<10112x128xf32, #tpu.memory_space<vmem_shared>> -> memref<10112x128xf32, #tpu.memory_space<vmem_shared>>
      tpu.wait_indirect_dma semaphore(%arg13 : memref<!tpu.dma_semaphore, #tpu.memory_space<semaphore_mem>>) src(%arg9 : memref<128x128xf32, #tpu.memory_space<vmem>>) dst(%dma_wait3A_90 : memref<10112x128xf32, #tpu.memory_space<vmem_shared>>)
      %dma_start3A_91 = arith.constant 0 : i32
      %dma_start3A_92 = arith.constant 2 : i32
      %dma_start3A_93 = arith.constant 0 : i32
      %dma_start3A_94 = tpu.memref_slice %arg7[%dma_start3A_91, %dma_start3A_92, %dma_start3A_93] : memref<2x8x128xi32, #tpu.memory_space<vmem>> -> memref<1x1x128xi32, #tpu.memory_space<vmem>>
      %dma_start3A_95 = tpu.memref_squeeze %dma_start3A_94 : memref<1x1x128xi32, #tpu.memory_space<vmem>> -> memref<128xi32, #tpu.memory_space<vmem>>
      %dma_start3A_96 = arith.constant 0 : i32
      %dma_start3A_97 = arith.constant 0 : i32
      %dma_start3A_98 = tpu.memref_slice %arg2[%dma_start3A_96, %dma_start3A_97] : memref<10000x128xf32, #tpu.memory_space<hbm>> -> memref<10000x128xf32, #tpu.memory_space<hbm>>
      tpu.enqueue_indirect_dma source(%dma_start3A_98 : memref<10000x128xf32, #tpu.memory_space<hbm>>) target(%arg8 : memref<128x128xf32, #tpu.memory_space<vmem>>) offsets(%dma_start3A_95 : memref<128xi32, #tpu.memory_space<vmem>>) semaphore(%arg10 : memref<!tpu.dma_semaphore, #tpu.memory_space<semaphore_mem>>)
      %dma_start3A_99 = arith.constant 0 : i32
      %dma_start3A_100 = arith.constant 3 : i32
      %dma_start3A_101 = arith.constant 0 : i32
      %dma_start3A_102 = tpu.memref_slice %arg7[%dma_start3A_99, %dma_start3A_100, %dma_start3A_101] : memref<2x8x128xi32, #tpu.memory_space<vmem>> -> memref<1x1x128xi32, #tpu.memory_space<vmem>>
      %dma_start3A_103 = tpu.memref_squeeze %dma_start3A_102 : memref<1x1x128xi32, #tpu.memory_space<vmem>> -> memref<128xi32, #tpu.memory_space<vmem>>
      %dma_start3A_104 = arith.constant 0 : i32
      %dma_start3A_105 = arith.constant 0 : i32
      %dma_start3A_106 = tpu.memref_slice %arg2[%dma_start3A_104, %dma_start3A_105] : memref<10000x128xf32, #tpu.memory_space<hbm>> -> memref<10000x128xf32, #tpu.memory_space<hbm>>
      tpu.enqueue_indirect_dma source(%dma_start3A_106 : memref<10000x128xf32, #tpu.memory_space<hbm>>) target(%arg9 : memref<128x128xf32, #tpu.memory_space<vmem>>) offsets(%dma_start3A_103 : memref<128xi32, #tpu.memory_space<vmem>>) semaphore(%arg11 : memref<!tpu.dma_semaphore, #tpu.memory_space<semaphore_mem>>)
      %dma_wait3A_107 = arith.constant 0 : i32
      %dma_wait3A_108 = arith.constant 2 : i32
      %dma_wait3A_109 = arith.constant 0 : i32
      %dma_wait3A_110 = tpu.memref_slice %arg7[%dma_wait3A_107, %dma_wait3A_108, %dma_wait3A_109] : memref<2x8x128xi32, #tpu.memory_space<vmem>> -> memref<1x1x128xi32, #tpu.memory_space<vmem>>
      %dma_wait3A_111 = tpu.memref_squeeze %dma_wait3A_110 : memref<1x1x128xi32, #tpu.memory_space<vmem>> -> memref<128xi32, #tpu.memory_space<vmem>>
      %dma_wait3A_112 = arith.constant 0 : i32
      %dma_wait3A_113 = arith.constant 0 : i32
      %dma_wait3A_114 = tpu.memref_slice %arg2[%dma_wait3A_112, %dma_wait3A_113] : memref<10000x128xf32, #tpu.memory_space<hbm>> -> memref<10000x128xf32, #tpu.memory_space<hbm>>
      tpu.wait_indirect_dma semaphore(%arg10 : memref<!tpu.dma_semaphore, #tpu.memory_space<semaphore_mem>>) src(%dma_wait3A_114 : memref<10000x128xf32, #tpu.memory_space<hbm>>) dst(%arg8 : memref<128x128xf32, #tpu.memory_space<vmem>>)
      %dma_start3A_115 = arith.constant 1 : i32
      %dma_start3A_116 = arith.constant 2 : i32
      %dma_start3A_117 = arith.constant 0 : i32
      %dma_start3A_118 = tpu.memref_slice %arg7[%dma_start3A_115, %dma_start3A_116, %dma_start3A_117] : memref<2x8x128xi32, #tpu.memory_space<vmem>> -> memref<1x1x128xi32, #tpu.memory_space<vmem>>
      %dma_start3A_119 = tpu.memref_squeeze %dma_start3A_118 : memref<1x1x128xi32, #tpu.memory_space<vmem>> -> memref<128xi32, #tpu.memory_space<vmem>>
      %dma_start3A_120 = arith.constant 0 : i32
      %dma_start3A_121 = arith.constant 0 : i32
      %dma_start3A_122 = tpu.memref_slice %arg6[%dma_start3A_120, %dma_start3A_121] : memref<10112x128xf32, #tpu.memory_space<vmem_shared>> -> memref<10112x128xf32, #tpu.memory_space<vmem_shared>>
      tpu.enqueue_indirect_dma source(%arg8 : memref<128x128xf32, #tpu.memory_space<vmem>>) target(%dma_start3A_122 : memref<10112x128xf32, #tpu.memory_space<vmem_shared>>) offsets(%dma_start3A_119 : memref<128xi32, #tpu.memory_space<vmem>>) semaphore(%arg12 : memref<!tpu.dma_semaphore, #tpu.memory_space<semaphore_mem>>) {add = true}
      %dma_wait3A_123 = arith.constant 0 : i32
      %dma_wait3A_124 = arith.constant 3 : i32
      %dma_wait3A_125 = arith.constant 0 : i32
      %dma_wait3A_126 = tpu.memref_slice %arg7[%dma_wait3A_123, %dma_wait3A_124, %dma_wait3A_125] : memref<2x8x128xi32, #tpu.memory_space<vmem>> -> memref<1x1x128xi32, #tpu.memory_space<vmem>>
      %dma_wait3A_127 = tpu.memref_squeeze %dma_wait3A_126 : memref<1x1x128xi32, #tpu.memory_space<vmem>> -> memref<128xi32, #tpu.memory_space<vmem>>
      %dma_wait3A_128 = arith.constant 0 : i32
      %dma_wait3A_129 = arith.constant 0 : i32
      %dma_wait3A_130 = tpu.memref_slice %arg2[%dma_wait3A_128, %dma_wait3A_129] : memref<10000x128xf32, #tpu.memory_space<hbm>> -> memref<10000x128xf32, #tpu.memory_space<hbm>>
      tpu.wait_indirect_dma semaphore(%arg11 : memref<!tpu.dma_semaphore, #tpu.memory_space<semaphore_mem>>) src(%dma_wait3A_130 : memref<10000x128xf32, #tpu.memory_space<hbm>>) dst(%arg9 : memref<128x128xf32, #tpu.memory_space<vmem>>)
      %dma_start3A_131 = arith.constant 1 : i32
      %dma_start3A_132 = arith.constant 3 : i32
      %dma_start3A_133 = arith.constant 0 : i32
      %dma_start3A_134 = tpu.memref_slice %arg7[%dma_start3A_131, %dma_start3A_132, %dma_start3A_133] : memref<2x8x128xi32, #tpu.memory_space<vmem>> -> memref<1x1x128xi32, #tpu.memory_space<vmem>>
      %dma_start3A_135 = tpu.memref_squeeze %dma_start3A_134 : memref<1x1x128xi32, #tpu.memory_space<vmem>> -> memref<128xi32, #tpu.memory_space<vmem>>
      %dma_start3A_136 = arith.constant 0 : i32
      %dma_start3A_137 = arith.constant 0 : i32
      %dma_start3A_138 = tpu.memref_slice %arg6[%dma_start3A_136, %dma_start3A_137] : memref<10112x128xf32, #tpu.memory_space<vmem_shared>> -> memref<10112x128xf32, #tpu.memory_space<vmem_shared>>
      tpu.enqueue_indirect_dma source(%arg9 : memref<128x128xf32, #tpu.memory_space<vmem>>) target(%dma_start3A_138 : memref<10112x128xf32, #tpu.memory_space<vmem_shared>>) offsets(%dma_start3A_135 : memref<128xi32, #tpu.memory_space<vmem>>) semaphore(%arg13 : memref<!tpu.dma_semaphore, #tpu.memory_space<semaphore_mem>>) {add = true}
      %dma_wait3A_139 = arith.constant 1 : i32
      %dma_wait3A_140 = arith.constant 2 : i32
      %dma_wait3A_141 = arith.constant 0 : i32
      %dma_wait3A_142 = tpu.memref_slice %arg7[%dma_wait3A_139, %dma_wait3A_140, %dma_wait3A_141] : memref<2x8x128xi32, #tpu.memory_space<vmem>> -> memref<1x1x128xi32, #tpu.memory_space<vmem>>
      %dma_wait3A_143 = tpu.memref_squeeze %dma_wait3A_142 : memref<1x1x128xi32, #tpu.memory_space<vmem>> -> memref<128xi32, #tpu.memory_space<vmem>>
      %dma_wait3A_144 = arith.constant 0 : i32
      %dma_wait3A_145 = arith.constant 0 : i32
      %dma_wait3A_146 = tpu.memref_slice %arg6[%dma_wait3A_144, %dma_wait3A_145] : memref<10112x128xf32, #tpu.memory_space<vmem_shared>> -> memref<10112x128xf32, #tpu.memory_space<vmem_shared>>
      tpu.wait_indirect_dma semaphore(%arg12 : memref<!tpu.dma_semaphore, #tpu.memory_space<semaphore_mem>>) src(%arg8 : memref<128x128xf32, #tpu.memory_space<vmem>>) dst(%dma_wait3A_146 : memref<10112x128xf32, #tpu.memory_space<vmem_shared>>)
      %dma_wait3A_147 = arith.constant 1 : i32
      %dma_wait3A_148 = arith.constant 3 : i32
      %dma_wait3A_149 = arith.constant 0 : i32
      %dma_wait3A_150 = tpu.memref_slice %arg7[%dma_wait3A_147, %dma_wait3A_148, %dma_wait3A_149] : memref<2x8x128xi32, #tpu.memory_space<vmem>> -> memref<1x1x128xi32, #tpu.memory_space<vmem>>
      %dma_wait3A_151 = tpu.memref_squeeze %dma_wait3A_150 : memref<1x1x128xi32, #tpu.memory_space<vmem>> -> memref<128xi32, #tpu.memory_space<vmem>>
      %dma_wait3A_152 = arith.constant 0 : i32
      %dma_wait3A_153 = arith.constant 0 : i32
      %dma_wait3A_154 = tpu.memref_slice %arg6[%dma_wait3A_152, %dma_wait3A_153] : memref<10112x128xf32, #tpu.memory_space<vmem_shared>> -> memref<10112x128xf32, #tpu.memory_space<vmem_shared>>
      tpu.wait_indirect_dma semaphore(%arg13 : memref<!tpu.dma_semaphore, #tpu.memory_space<semaphore_mem>>) src(%arg9 : memref<128x128xf32, #tpu.memory_space<vmem>>) dst(%dma_wait3A_154 : memref<10112x128xf32, #tpu.memory_space<vmem_shared>>)
      %dma_start3A_155 = arith.constant 0 : i32
      %dma_start3A_156 = arith.constant 4 : i32
      %dma_start3A_157 = arith.constant 0 : i32
      %dma_start3A_158 = tpu.memref_slice %arg7[%dma_start3A_155, %dma_start3A_156, %dma_start3A_157] : memref<2x8x128xi32, #tpu.memory_space<vmem>> -> memref<1x1x128xi32, #tpu.memory_space<vmem>>
      %dma_start3A_159 = tpu.memref_squeeze %dma_start3A_158 : memref<1x1x128xi32, #tpu.memory_space<vmem>> -> memref<128xi32, #tpu.memory_space<vmem>>
      %dma_start3A_160 = arith.constant 0 : i32
      %dma_start3A_161 = arith.constant 0 : i32
      %dma_start3A_162 = tpu.memref_slice %arg2[%dma_start3A_160, %dma_start3A_161] : memref<10000x128xf32, #tpu.memory_space<hbm>> -> memref<10000x128xf32, #tpu.memory_space<hbm>>
      tpu.enqueue_indirect_dma source(%dma_start3A_162 : memref<10000x128xf32, #tpu.memory_space<hbm>>) target(%arg8 : memref<128x128xf32, #tpu.memory_space<vmem>>) offsets(%dma_start3A_159 : memref<128xi32, #tpu.memory_space<vmem>>) semaphore(%arg10 : memref<!tpu.dma_semaphore, #tpu.memory_space<semaphore_mem>>)
      %dma_start3A_163 = arith.constant 0 : i32
      %dma_start3A_164 = arith.constant 5 : i32
      %dma_start3A_165 = arith.constant 0 : i32
      %dma_start3A_166 = tpu.memref_slice %arg7[%dma_start3A_163, %dma_start3A_164, %dma_start3A_165] : memref<2x8x128xi32, #tpu.memory_space<vmem>> -> memref<1x1x128xi32, #tpu.memory_space<vmem>>
      %dma_start3A_167 = tpu.memref_squeeze %dma_start3A_166 : memref<1x1x128xi32, #tpu.memory_space<vmem>> -> memref<128xi32, #tpu.memory_space<vmem>>
      %dma_start3A_168 = arith.constant 0 : i32
      %dma_start3A_169 = arith.constant 0 : i32
      %dma_start3A_170 = tpu.memref_slice %arg2[%dma_start3A_168, %dma_start3A_169] : memref<10000x128xf32, #tpu.memory_space<hbm>> -> memref<10000x128xf32, #tpu.memory_space<hbm>>
      tpu.enqueue_indirect_dma source(%dma_start3A_170 : memref<10000x128xf32, #tpu.memory_space<hbm>>) target(%arg9 : memref<128x128xf32, #tpu.memory_space<vmem>>) offsets(%dma_start3A_167 : memref<128xi32, #tpu.memory_space<vmem>>) semaphore(%arg11 : memref<!tpu.dma_semaphore, #tpu.memory_space<semaphore_mem>>)
      %dma_wait3A_171 = arith.constant 0 : i32
      %dma_wait3A_172 = arith.constant 4 : i32
      %dma_wait3A_173 = arith.constant 0 : i32
      %dma_wait3A_174 = tpu.memref_slice %arg7[%dma_wait3A_171, %dma_wait3A_172, %dma_wait3A_173] : memref<2x8x128xi32, #tpu.memory_space<vmem>> -> memref<1x1x128xi32, #tpu.memory_space<vmem>>
      %dma_wait3A_175 = tpu.memref_squeeze %dma_wait3A_174 : memref<1x1x128xi32, #tpu.memory_space<vmem>> -> memref<128xi32, #tpu.memory_space<vmem>>
      %dma_wait3A_176 = arith.constant 0 : i32
      %dma_wait3A_177 = arith.constant 0 : i32
      %dma_wait3A_178 = tpu.memref_slice %arg2[%dma_wait3A_176, %dma_wait3A_177] : memref<10000x128xf32, #tpu.memory_space<hbm>> -> memref<10000x128xf32, #tpu.memory_space<hbm>>
      tpu.wait_indirect_dma semaphore(%arg10 : memref<!tpu.dma_semaphore, #tpu.memory_space<semaphore_mem>>) src(%dma_wait3A_178 : memref<10000x128xf32, #tpu.memory_space<hbm>>) dst(%arg8 : memref<128x128xf32, #tpu.memory_space<vmem>>)
      %dma_start3A_179 = arith.constant 1 : i32
      %dma_start3A_180 = arith.constant 4 : i32
      %dma_start3A_181 = arith.constant 0 : i32
      %dma_start3A_182 = tpu.memref_slice %arg7[%dma_start3A_179, %dma_start3A_180, %dma_start3A_181] : memref<2x8x128xi32, #tpu.memory_space<vmem>> -> memref<1x1x128xi32, #tpu.memory_space<vmem>>
      %dma_start3A_183 = tpu.memref_squeeze %dma_start3A_182 : memref<1x1x128xi32, #tpu.memory_space<vmem>> -> memref<128xi32, #tpu.memory_space<vmem>>
      %dma_start3A_184 = arith.constant 0 : i32
      %dma_start3A_185 = arith.constant 0 : i32
      %dma_start3A_186 = tpu.memref_slice %arg6[%dma_start3A_184, %dma_start3A_185] : memref<10112x128xf32, #tpu.memory_space<vmem_shared>> -> memref<10112x128xf32, #tpu.memory_space<vmem_shared>>
      tpu.enqueue_indirect_dma source(%arg8 : memref<128x128xf32, #tpu.memory_space<vmem>>) target(%dma_start3A_186 : memref<10112x128xf32, #tpu.memory_space<vmem_shared>>) offsets(%dma_start3A_183 : memref<128xi32, #tpu.memory_space<vmem>>) semaphore(%arg12 : memref<!tpu.dma_semaphore, #tpu.memory_space<semaphore_mem>>) {add = true}
      %dma_wait3A_187 = arith.constant 0 : i32
      %dma_wait3A_188 = arith.constant 5 : i32
      %dma_wait3A_189 = arith.constant 0 : i32
      %dma_wait3A_190 = tpu.memref_slice %arg7[%dma_wait3A_187, %dma_wait3A_188, %dma_wait3A_189] : memref<2x8x128xi32, #tpu.memory_space<vmem>> -> memref<1x1x128xi32, #tpu.memory_space<vmem>>
      %dma_wait3A_191 = tpu.memref_squeeze %dma_wait3A_190 : memref<1x1x128xi32, #tpu.memory_space<vmem>> -> memref<128xi32, #tpu.memory_space<vmem>>
      %dma_wait3A_192 = arith.constant 0 : i32
      %dma_wait3A_193 = arith.constant 0 : i32
      %dma_wait3A_194 = tpu.memref_slice %arg2[%dma_wait3A_192, %dma_wait3A_193] : memref<10000x128xf32, #tpu.memory_space<hbm>> -> memref<10000x128xf32, #tpu.memory_space<hbm>>
      tpu.wait_indirect_dma semaphore(%arg11 : memref<!tpu.dma_semaphore, #tpu.memory_space<semaphore_mem>>) src(%dma_wait3A_194 : memref<10000x128xf32, #tpu.memory_space<hbm>>) dst(%arg9 : memref<128x128xf32, #tpu.memory_space<vmem>>)
      %dma_start3A_195 = arith.constant 1 : i32
      %dma_start3A_196 = arith.constant 5 : i32
      %dma_start3A_197 = arith.constant 0 : i32
      %dma_start3A_198 = tpu.memref_slice %arg7[%dma_start3A_195, %dma_start3A_196, %dma_start3A_197] : memref<2x8x128xi32, #tpu.memory_space<vmem>> -> memref<1x1x128xi32, #tpu.memory_space<vmem>>
      %dma_start3A_199 = tpu.memref_squeeze %dma_start3A_198 : memref<1x1x128xi32, #tpu.memory_space<vmem>> -> memref<128xi32, #tpu.memory_space<vmem>>
      %dma_start3A_200 = arith.constant 0 : i32
      %dma_start3A_201 = arith.constant 0 : i32
      %dma_start3A_202 = tpu.memref_slice %arg6[%dma_start3A_200, %dma_start3A_201] : memref<10112x128xf32, #tpu.memory_space<vmem_shared>> -> memref<10112x128xf32, #tpu.memory_space<vmem_shared>>
      tpu.enqueue_indirect_dma source(%arg9 : memref<128x128xf32, #tpu.memory_space<vmem>>) target(%dma_start3A_202 : memref<10112x128xf32, #tpu.memory_space<vmem_shared>>) offsets(%dma_start3A_199 : memref<128xi32, #tpu.memory_space<vmem>>) semaphore(%arg13 : memref<!tpu.dma_semaphore, #tpu.memory_space<semaphore_mem>>) {add = true}
      %dma_wait3A_203 = arith.constant 1 : i32
      %dma_wait3A_204 = arith.constant 4 : i32
      %dma_wait3A_205 = arith.constant 0 : i32
      %dma_wait3A_206 = tpu.memref_slice %arg7[%dma_wait3A_203, %dma_wait3A_204, %dma_wait3A_205] : memref<2x8x128xi32, #tpu.memory_space<vmem>> -> memref<1x1x128xi32, #tpu.memory_space<vmem>>
      %dma_wait3A_207 = tpu.memref_squeeze %dma_wait3A_206 : memref<1x1x128xi32, #tpu.memory_space<vmem>> -> memref<128xi32, #tpu.memory_space<vmem>>
      %dma_wait3A_208 = arith.constant 0 : i32
      %dma_wait3A_209 = arith.constant 0 : i32
      %dma_wait3A_210 = tpu.memref_slice %arg6[%dma_wait3A_208, %dma_wait3A_209] : memref<10112x128xf32, #tpu.memory_space<vmem_shared>> -> memref<10112x128xf32, #tpu.memory_space<vmem_shared>>
      tpu.wait_indirect_dma semaphore(%arg12 : memref<!tpu.dma_semaphore, #tpu.memory_space<semaphore_mem>>) src(%arg8 : memref<128x128xf32, #tpu.memory_space<vmem>>) dst(%dma_wait3A_210 : memref<10112x128xf32, #tpu.memory_space<vmem_shared>>)
      %dma_wait3A_211 = arith.constant 1 : i32
      %dma_wait3A_212 = arith.constant 5 : i32
      %dma_wait3A_213 = arith.constant 0 : i32
      %dma_wait3A_214 = tpu.memref_slice %arg7[%dma_wait3A_211, %dma_wait3A_212, %dma_wait3A_213] : memref<2x8x128xi32, #tpu.memory_space<vmem>> -> memref<1x1x128xi32, #tpu.memory_space<vmem>>
      %dma_wait3A_215 = tpu.memref_squeeze %dma_wait3A_214 : memref<1x1x128xi32, #tpu.memory_space<vmem>> -> memref<128xi32, #tpu.memory_space<vmem>>
      %dma_wait3A_216 = arith.constant 0 : i32
      %dma_wait3A_217 = arith.constant 0 : i32
      %dma_wait3A_218 = tpu.memref_slice %arg6[%dma_wait3A_216, %dma_wait3A_217] : memref<10112x128xf32, #tpu.memory_space<vmem_shared>> -> memref<10112x128xf32, #tpu.memory_space<vmem_shared>>
      tpu.wait_indirect_dma semaphore(%arg13 : memref<!tpu.dma_semaphore, #tpu.memory_space<semaphore_mem>>) src(%arg9 : memref<128x128xf32, #tpu.memory_space<vmem>>) dst(%dma_wait3A_218 : memref<10112x128xf32, #tpu.memory_space<vmem_shared>>)
      %dma_start3A_219 = arith.constant 0 : i32
      %dma_start3A_220 = arith.constant 6 : i32
      %dma_start3A_221 = arith.constant 0 : i32
      %dma_start3A_222 = tpu.memref_slice %arg7[%dma_start3A_219, %dma_start3A_220, %dma_start3A_221] : memref<2x8x128xi32, #tpu.memory_space<vmem>> -> memref<1x1x128xi32, #tpu.memory_space<vmem>>
      %dma_start3A_223 = tpu.memref_squeeze %dma_start3A_222 : memref<1x1x128xi32, #tpu.memory_space<vmem>> -> memref<128xi32, #tpu.memory_space<vmem>>
      %dma_start3A_224 = arith.constant 0 : i32
      %dma_start3A_225 = arith.constant 0 : i32
      %dma_start3A_226 = tpu.memref_slice %arg2[%dma_start3A_224, %dma_start3A_225] : memref<10000x128xf32, #tpu.memory_space<hbm>> -> memref<10000x128xf32, #tpu.memory_space<hbm>>
      tpu.enqueue_indirect_dma source(%dma_start3A_226 : memref<10000x128xf32, #tpu.memory_space<hbm>>) target(%arg8 : memref<128x128xf32, #tpu.memory_space<vmem>>) offsets(%dma_start3A_223 : memref<128xi32, #tpu.memory_space<vmem>>) semaphore(%arg10 : memref<!tpu.dma_semaphore, #tpu.memory_space<semaphore_mem>>)
      %dma_start3A_227 = arith.constant 0 : i32
      %dma_start3A_228 = arith.constant 7 : i32
      %dma_start3A_229 = arith.constant 0 : i32
      %dma_start3A_230 = tpu.memref_slice %arg7[%dma_start3A_227, %dma_start3A_228, %dma_start3A_229] : memref<2x8x128xi32, #tpu.memory_space<vmem>> -> memref<1x1x128xi32, #tpu.memory_space<vmem>>
      %dma_start3A_231 = tpu.memref_squeeze %dma_start3A_230 : memref<1x1x128xi32, #tpu.memory_space<vmem>> -> memref<128xi32, #tpu.memory_space<vmem>>
      %dma_start3A_232 = arith.constant 0 : i32
      %dma_start3A_233 = arith.constant 0 : i32
      %dma_start3A_234 = tpu.memref_slice %arg2[%dma_start3A_232, %dma_start3A_233] : memref<10000x128xf32, #tpu.memory_space<hbm>> -> memref<10000x128xf32, #tpu.memory_space<hbm>>
      tpu.enqueue_indirect_dma source(%dma_start3A_234 : memref<10000x128xf32, #tpu.memory_space<hbm>>) target(%arg9 : memref<128x128xf32, #tpu.memory_space<vmem>>) offsets(%dma_start3A_231 : memref<128xi32, #tpu.memory_space<vmem>>) semaphore(%arg11 : memref<!tpu.dma_semaphore, #tpu.memory_space<semaphore_mem>>)
      %dma_wait3A_235 = arith.constant 0 : i32
      %dma_wait3A_236 = arith.constant 6 : i32
      %dma_wait3A_237 = arith.constant 0 : i32
      %dma_wait3A_238 = tpu.memref_slice %arg7[%dma_wait3A_235, %dma_wait3A_236, %dma_wait3A_237] : memref<2x8x128xi32, #tpu.memory_space<vmem>> -> memref<1x1x128xi32, #tpu.memory_space<vmem>>
      %dma_wait3A_239 = tpu.memref_squeeze %dma_wait3A_238 : memref<1x1x128xi32, #tpu.memory_space<vmem>> -> memref<128xi32, #tpu.memory_space<vmem>>
      %dma_wait3A_240 = arith.constant 0 : i32
      %dma_wait3A_241 = arith.constant 0 : i32
      %dma_wait3A_242 = tpu.memref_slice %arg2[%dma_wait3A_240, %dma_wait3A_241] : memref<10000x128xf32, #tpu.memory_space<hbm>> -> memref<10000x128xf32, #tpu.memory_space<hbm>>
      tpu.wait_indirect_dma semaphore(%arg10 : memref<!tpu.dma_semaphore, #tpu.memory_space<semaphore_mem>>) src(%dma_wait3A_242 : memref<10000x128xf32, #tpu.memory_space<hbm>>) dst(%arg8 : memref<128x128xf32, #tpu.memory_space<vmem>>)
      %dma_start3A_243 = arith.constant 1 : i32
      %dma_start3A_244 = arith.constant 6 : i32
      %dma_start3A_245 = arith.constant 0 : i32
      %dma_start3A_246 = tpu.memref_slice %arg7[%dma_start3A_243, %dma_start3A_244, %dma_start3A_245] : memref<2x8x128xi32, #tpu.memory_space<vmem>> -> memref<1x1x128xi32, #tpu.memory_space<vmem>>
      %dma_start3A_247 = tpu.memref_squeeze %dma_start3A_246 : memref<1x1x128xi32, #tpu.memory_space<vmem>> -> memref<128xi32, #tpu.memory_space<vmem>>
      %dma_start3A_248 = arith.constant 0 : i32
      %dma_start3A_249 = arith.constant 0 : i32
      %dma_start3A_250 = tpu.memref_slice %arg6[%dma_start3A_248, %dma_start3A_249] : memref<10112x128xf32, #tpu.memory_space<vmem_shared>> -> memref<10112x128xf32, #tpu.memory_space<vmem_shared>>
      tpu.enqueue_indirect_dma source(%arg8 : memref<128x128xf32, #tpu.memory_space<vmem>>) target(%dma_start3A_250 : memref<10112x128xf32, #tpu.memory_space<vmem_shared>>) offsets(%dma_start3A_247 : memref<128xi32, #tpu.memory_space<vmem>>) semaphore(%arg12 : memref<!tpu.dma_semaphore, #tpu.memory_space<semaphore_mem>>) {add = true}
      %dma_wait3A_251 = arith.constant 0 : i32
      %dma_wait3A_252 = arith.constant 7 : i32
      %dma_wait3A_253 = arith.constant 0 : i32
      %dma_wait3A_254 = tpu.memref_slice %arg7[%dma_wait3A_251, %dma_wait3A_252, %dma_wait3A_253] : memref<2x8x128xi32, #tpu.memory_space<vmem>> -> memref<1x1x128xi32, #tpu.memory_space<vmem>>
      %dma_wait3A_255 = tpu.memref_squeeze %dma_wait3A_254 : memref<1x1x128xi32, #tpu.memory_space<vmem>> -> memref<128xi32, #tpu.memory_space<vmem>>
      %dma_wait3A_256 = arith.constant 0 : i32
      %dma_wait3A_257 = arith.constant 0 : i32
      %dma_wait3A_258 = tpu.memref_slice %arg2[%dma_wait3A_256, %dma_wait3A_257] : memref<10000x128xf32, #tpu.memory_space<hbm>> -> memref<10000x128xf32, #tpu.memory_space<hbm>>
      tpu.wait_indirect_dma semaphore(%arg11 : memref<!tpu.dma_semaphore, #tpu.memory_space<semaphore_mem>>) src(%dma_wait3A_258 : memref<10000x128xf32, #tpu.memory_space<hbm>>) dst(%arg9 : memref<128x128xf32, #tpu.memory_space<vmem>>)
      %dma_start3A_259 = arith.constant 1 : i32
      %dma_start3A_260 = arith.constant 7 : i32
      %dma_start3A_261 = arith.constant 0 : i32
      %dma_start3A_262 = tpu.memref_slice %arg7[%dma_start3A_259, %dma_start3A_260, %dma_start3A_261] : memref<2x8x128xi32, #tpu.memory_space<vmem>> -> memref<1x1x128xi32, #tpu.memory_space<vmem>>
      %dma_start3A_263 = tpu.memref_squeeze %dma_start3A_262 : memref<1x1x128xi32, #tpu.memory_space<vmem>> -> memref<128xi32, #tpu.memory_space<vmem>>
      %dma_start3A_264 = arith.constant 0 : i32
      %dma_start3A_265 = arith.constant 0 : i32
      %dma_start3A_266 = tpu.memref_slice %arg6[%dma_start3A_264, %dma_start3A_265] : memref<10112x128xf32, #tpu.memory_space<vmem_shared>> -> memref<10112x128xf32, #tpu.memory_space<vmem_shared>>
      tpu.enqueue_indirect_dma source(%arg9 : memref<128x128xf32, #tpu.memory_space<vmem>>) target(%dma_start3A_266 : memref<10112x128xf32, #tpu.memory_space<vmem_shared>>) offsets(%dma_start3A_263 : memref<128xi32, #tpu.memory_space<vmem>>) semaphore(%arg13 : memref<!tpu.dma_semaphore, #tpu.memory_space<semaphore_mem>>) {add = true}
      %dma_wait3A_267 = arith.constant 1 : i32
      %dma_wait3A_268 = arith.constant 6 : i32
      %dma_wait3A_269 = arith.constant 0 : i32
      %dma_wait3A_270 = tpu.memref_slice %arg7[%dma_wait3A_267, %dma_wait3A_268, %dma_wait3A_269] : memref<2x8x128xi32, #tpu.memory_space<vmem>> -> memref<1x1x128xi32, #tpu.memory_space<vmem>>
      %dma_wait3A_271 = tpu.memref_squeeze %dma_wait3A_270 : memref<1x1x128xi32, #tpu.memory_space<vmem>> -> memref<128xi32, #tpu.memory_space<vmem>>
      %dma_wait3A_272 = arith.constant 0 : i32
      %dma_wait3A_273 = arith.constant 0 : i32
      %dma_wait3A_274 = tpu.memref_slice %arg6[%dma_wait3A_272, %dma_wait3A_273] : memref<10112x128xf32, #tpu.memory_space<vmem_shared>> -> memref<10112x128xf32, #tpu.memory_space<vmem_shared>>
      tpu.wait_indirect_dma semaphore(%arg12 : memref<!tpu.dma_semaphore, #tpu.memory_space<semaphore_mem>>) src(%arg8 : memref<128x128xf32, #tpu.memory_space<vmem>>) dst(%dma_wait3A_274 : memref<10112x128xf32, #tpu.memory_space<vmem_shared>>)
      %dma_wait3A_275 = arith.constant 1 : i32
      %dma_wait3A_276 = arith.constant 7 : i32
      %dma_wait3A_277 = arith.constant 0 : i32
      %dma_wait3A_278 = tpu.memref_slice %arg7[%dma_wait3A_275, %dma_wait3A_276, %dma_wait3A_277] : memref<2x8x128xi32, #tpu.memory_space<vmem>> -> memref<1x1x128xi32, #tpu.memory_space<vmem>>
      %dma_wait3A_279 = tpu.memref_squeeze %dma_wait3A_278 : memref<1x1x128xi32, #tpu.memory_space<vmem>> -> memref<128xi32, #tpu.memory_space<vmem>>
      %dma_wait3A_280 = arith.constant 0 : i32
      %dma_wait3A_281 = arith.constant 0 : i32
      %dma_wait3A_282 = tpu.memref_slice %arg6[%dma_wait3A_280, %dma_wait3A_281] : memref<10112x128xf32, #tpu.memory_space<vmem_shared>> -> memref<10112x128xf32, #tpu.memory_space<vmem_shared>>
      tpu.wait_indirect_dma semaphore(%arg13 : memref<!tpu.dma_semaphore, #tpu.memory_space<semaphore_mem>>) src(%arg9 : memref<128x128xf32, #tpu.memory_space<vmem>>) dst(%dma_wait3A_282 : memref<10112x128xf32, #tpu.memory_space<vmem_shared>>)
    }
    %scan3A_16 = arith.constant 10 : i32
    %barrier3A_17 = arith.constant 0 : index
    tpu.barrier barrier_id(%barrier3A_17)
    %mul3A_18 = arith.constant 10112 : i32
    %mul3A_19 = arith.muli %arg0, %mul3A_18 : i32
    %add3A_20 = arith.addi %mul3A_19, %mul3A_2 : i32
    "tpu.region"() ({
      %run_scoped3A = tpu.sem_alloc : memref<!tpu.dma_semaphore, #tpu.memory_space<semaphore_mem>>
      %dma_start3A = arith.constant 0 : i32
      %dma_start3A_21 = tpu.memref_slice %arg5[%add3A_20, %dma_start3A] : memref<20224x128xf32, #tpu.memory_space<hbm>> -> memref<632x128xf32, #tpu.memory_space<hbm>>
      %dma_start3A_22 = arith.constant 0 : i32
      %dma_start3A_23 = tpu.memref_slice %arg6[%mul3A_2, %dma_start3A_22] : memref<10112x128xf32, #tpu.memory_space<vmem_shared>> -> memref<632x128xf32, #tpu.memory_space<vmem_shared>>
      tpu.enqueue_dma source(%dma_start3A_23 : memref<632x128xf32, #tpu.memory_space<vmem_shared>>) target(%dma_start3A_21 : memref<632x128xf32, #tpu.memory_space<hbm>>) target_semaphore(%run_scoped3A : memref<!tpu.dma_semaphore, #tpu.memory_space<semaphore_mem>>)
      %dma_wait3A = arith.constant 0 : i32
      %dma_wait3A_24 = tpu.memref_slice %arg5[%add3A_20, %dma_wait3A] : memref<20224x128xf32, #tpu.memory_space<hbm>> -> memref<632x128xf32, #tpu.memory_space<hbm>>
      %dma_wait3A_25 = arith.constant 0 : i32
      %dma_wait3A_26 = tpu.memref_slice %arg6[%mul3A_2, %dma_wait3A_25] : memref<10112x128xf32, #tpu.memory_space<vmem_shared>> -> memref<632x128xf32, #tpu.memory_space<vmem_shared>>
      tpu.wait_dma2 semaphore(%run_scoped3A : memref<!tpu.dma_semaphore, #tpu.memory_space<semaphore_mem>>) src(%dma_wait3A_26 : memref<632x128xf32, #tpu.memory_space<vmem_shared>>) dst(%dma_wait3A_24 : memref<632x128xf32, #tpu.memory_space<hbm>>)
      tpu.yield
    }) : () -> ()
    return
  }
}

#map = affine_map<(d0, d1) -> (0, 0)>
#map1 = affine_map<(d0, d1) -> (0, 0, 0, 0)>
module attributes {stable_mosaic.version = 14 : i64} {
  func.func @body(%arg0: i32, %arg1: i32, %arg2: memref<10000x128xf32, #tpu.memory_space<hbm>>, %arg3: memref<320x2x8x128xi32, #tpu.memory_space<hbm>>, %arg4: memref<128x128xf32, #tpu.memory_space<hbm>>, %arg5: memref<20224x128xf32, #tpu.memory_space<hbm>>, %arg6: memref<10112x128xf32, #tpu.memory_space<vmem_shared>>, %arg7: memref<2x8x128xi32, #tpu.memory_space<vmem>>, %arg8: memref<128x128xf32, #tpu.memory_space<vmem>>, %arg9: memref<128x128xf32, #tpu.memory_space<vmem>>, %arg10: memref<!tpu.dma_semaphore, #tpu.memory_space<semaphore_mem>>, %arg11: memref<!tpu.dma_semaphore, #tpu.memory_space<semaphore_mem>>, %arg12: memref<!tpu.dma_semaphore, #tpu.memory_space<semaphore_mem>>, %arg13: memref<!tpu.dma_semaphore, #tpu.memory_space<semaphore_mem>>) attributes {dimension_semantics = [#tpu.dimension_semantics<core_parallel>, #tpu.dimension_semantics<subcore_parallel>], iteration_bounds = array<i64: 2, 16>, scalar_prefetch = 0 : i64, scratch_operands = 8 : i64, tpu.core_type = #tpu.core_type<sc_vector_subcore>, window_params = [{transform_indices = #map}, {transform_indices = #map1}, {transform_indices = #map}, {transform_indices = #map}]} {
    %mul3A = arith.constant 16 : i32
    %mul3A_0 = arith.muli %arg0, %mul3A : i32
    %add3A = arith.addi %mul3A_0, %arg1 : i32
    %mul3A_1 = arith.constant 632 : i32
    %mul3A_2 = arith.muli %arg1, %mul3A_1 : i32
    "tpu.region"() ({
      %run_scoped3A = tpu.sem_alloc : memref<!tpu.dma_semaphore, #tpu.memory_space<semaphore_mem>>
      tpu.enqueue_dma source(%arg4 : memref<128x128xf32, #tpu.memory_space<hbm>>) target(%arg8 : memref<128x128xf32, #tpu.memory_space<vmem>>) target_semaphore(%run_scoped3A : memref<!tpu.dma_semaphore, #tpu.memory_space<semaphore_mem>>)
      tpu.wait_dma2 semaphore(%run_scoped3A : memref<!tpu.dma_semaphore, #tpu.memory_space<semaphore_mem>>) src(%arg4 : memref<128x128xf32, #tpu.memory_space<hbm>>) dst(%arg8 : memref<128x128xf32, #tpu.memory_space<vmem>>)
      tpu.yield
    }) : () -> ()
    %add3A_3 = arith.constant 0 : i32
    %add3A_4 = arith.addi %mul3A_2, %add3A_3 : i32
    "tpu.region"() ({
      %run_scoped3A = tpu.sem_alloc : memref<!tpu.dma_semaphore, #tpu.memory_space<semaphore_mem>>
      %dma_start3A = arith.constant 0 : i32
      %dma_start3A_21 = tpu.memref_slice %arg6[%add3A_4, %dma_start3A] : memref<10112x128xf32, #tpu.memory_space<vmem_shared>> -> memref<128x128xf32, #tpu.memory_space<vmem_shared>>
      %dma_start3A_22 = arith.constant 0 : i32
      %dma_start3A_23 = tpu.memref_slice %arg6[%add3A_4, %dma_start3A_22] : memref<10112x128xf32, #tpu.memory_space<vmem_shared>> -> memref<128x128xf32, #tpu.memory_space<vmem_shared>>
      tpu.enqueue_dma source(%arg8 : memref<128x128xf32, #tpu.memory_space<vmem>>) target(%dma_start3A_23 : memref<128x128xf32, #tpu.memory_space<vmem_shared>>) target_semaphore(%run_scoped3A : memref<!tpu.dma_semaphore, #tpu.memory_space<semaphore_mem>>)
      %dma_wait3A = arith.constant 0 : i32
      %dma_wait3A_24 = tpu.memref_slice %arg6[%add3A_4, %dma_wait3A] : memref<10112x128xf32, #tpu.memory_space<vmem_shared>> -> memref<128x128xf32, #tpu.memory_space<vmem_shared>>
      %dma_wait3A_25 = arith.constant 0 : i32
      %dma_wait3A_26 = tpu.memref_slice %arg6[%add3A_4, %dma_wait3A_25] : memref<10112x128xf32, #tpu.memory_space<vmem_shared>> -> memref<128x128xf32, #tpu.memory_space<vmem_shared>>
      tpu.wait_dma2 semaphore(%run_scoped3A : memref<!tpu.dma_semaphore, #tpu.memory_space<semaphore_mem>>) src(%arg8 : memref<128x128xf32, #tpu.memory_space<vmem>>) dst(%dma_wait3A_26 : memref<128x128xf32, #tpu.memory_space<vmem_shared>>)
      tpu.yield
    }) : () -> ()
    %add3A_5 = arith.constant 128 : i32
    %add3A_6 = arith.addi %mul3A_2, %add3A_5 : i32
    "tpu.region"() ({
      %run_scoped3A = tpu.sem_alloc : memref<!tpu.dma_semaphore, #tpu.memory_space<semaphore_mem>>
      %dma_start3A = arith.constant 0 : i32
      %dma_start3A_21 = tpu.memref_slice %arg6[%add3A_6, %dma_start3A] : memref<10112x128xf32, #tpu.memory_space<vmem_shared>> -> memref<128x128xf32, #tpu.memory_space<vmem_shared>>
      %dma_start3A_22 = arith.constant 0 : i32
      %dma_start3A_23 = tpu.memref_slice %arg6[%add3A_6, %dma_start3A_22] : memref<10112x128xf32, #tpu.memory_space<vmem_shared>> -> memref<128x128xf32, #tpu.memory_space<vmem_shared>>
      tpu.enqueue_dma source(%arg8 : memref<128x128xf32, #tpu.memory_space<vmem>>) target(%dma_start3A_23 : memref<128x128xf32, #tpu.memory_space<vmem_shared>>) target_semaphore(%run_scoped3A : memref<!tpu.dma_semaphore, #tpu.memory_space<semaphore_mem>>)
      %dma_wait3A = arith.constant 0 : i32
      %dma_wait3A_24 = tpu.memref_slice %arg6[%add3A_6, %dma_wait3A] : memref<10112x128xf32, #tpu.memory_space<vmem_shared>> -> memref<128x128xf32, #tpu.memory_space<vmem_shared>>
      %dma_wait3A_25 = arith.constant 0 : i32
      %dma_wait3A_26 = tpu.memref_slice %arg6[%add3A_6, %dma_wait3A_25] : memref<10112x128xf32, #tpu.memory_space<vmem_shared>> -> memref<128x128xf32, #tpu.memory_space<vmem_shared>>
      tpu.wait_dma2 semaphore(%run_scoped3A : memref<!tpu.dma_semaphore, #tpu.memory_space<semaphore_mem>>) src(%arg8 : memref<128x128xf32, #tpu.memory_space<vmem>>) dst(%dma_wait3A_26 : memref<128x128xf32, #tpu.memory_space<vmem_shared>>)
      tpu.yield
    }) : () -> ()
    %add3A_7 = arith.constant 256 : i32
    %add3A_8 = arith.addi %mul3A_2, %add3A_7 : i32
    "tpu.region"() ({
      %run_scoped3A = tpu.sem_alloc : memref<!tpu.dma_semaphore, #tpu.memory_space<semaphore_mem>>
      %dma_start3A = arith.constant 0 : i32
      %dma_start3A_21 = tpu.memref_slice %arg6[%add3A_8, %dma_start3A] : memref<10112x128xf32, #tpu.memory_space<vmem_shared>> -> memref<128x128xf32, #tpu.memory_space<vmem_shared>>
      %dma_start3A_22 = arith.constant 0 : i32
      %dma_start3A_23 = tpu.memref_slice %arg6[%add3A_8, %dma_start3A_22] : memref<10112x128xf32, #tpu.memory_space<vmem_shared>> -> memref<128x128xf32, #tpu.memory_space<vmem_shared>>
      tpu.enqueue_dma source(%arg8 : memref<128x128xf32, #tpu.memory_space<vmem>>) target(%dma_start3A_23 : memref<128x128xf32, #tpu.memory_space<vmem_shared>>) target_semaphore(%run_scoped3A : memref<!tpu.dma_semaphore, #tpu.memory_space<semaphore_mem>>)
      %dma_wait3A = arith.constant 0 : i32
      %dma_wait3A_24 = tpu.memref_slice %arg6[%add3A_8, %dma_wait3A] : memref<10112x128xf32, #tpu.memory_space<vmem_shared>> -> memref<128x128xf32, #tpu.memory_space<vmem_shared>>
      %dma_wait3A_25 = arith.constant 0 : i32
      %dma_wait3A_26 = tpu.memref_slice %arg6[%add3A_8, %dma_wait3A_25] : memref<10112x128xf32, #tpu.memory_space<vmem_shared>> -> memref<128x128xf32, #tpu.memory_space<vmem_shared>>
      tpu.wait_dma2 semaphore(%run_scoped3A : memref<!tpu.dma_semaphore, #tpu.memory_space<semaphore_mem>>) src(%arg8 : memref<128x128xf32, #tpu.memory_space<vmem>>) dst(%dma_wait3A_26 : memref<128x128xf32, #tpu.memory_space<vmem_shared>>)
      tpu.yield
    }) : () -> ()
    %add3A_9 = arith.constant 384 : i32
    %add3A_10 = arith.addi %mul3A_2, %add3A_9 : i32
    "tpu.region"() ({
      %run_scoped3A = tpu.sem_alloc : memref<!tpu.dma_semaphore, #tpu.memory_space<semaphore_mem>>
      %dma_start3A = arith.constant 0 : i32
      %dma_start3A_21 = tpu.memref_slice %arg6[%add3A_10, %dma_start3A] : memref<10112x128xf32, #tpu.memory_space<vmem_shared>> -> memref<128x128xf32, #tpu.memory_space<vmem_shared>>
      %dma_start3A_22 = arith.constant 0 : i32
      %dma_start3A_23 = tpu.memref_slice %arg6[%add3A_10, %dma_start3A_22] : memref<10112x128xf32, #tpu.memory_space<vmem_shared>> -> memref<128x128xf32, #tpu.memory_space<vmem_shared>>
      tpu.enqueue_dma source(%arg8 : memref<128x128xf32, #tpu.memory_space<vmem>>) target(%dma_start3A_23 : memref<128x128xf32, #tpu.memory_space<vmem_shared>>) target_semaphore(%run_scoped3A : memref<!tpu.dma_semaphore, #tpu.memory_space<semaphore_mem>>)
      %dma_wait3A = arith.constant 0 : i32
      %dma_wait3A_24 = tpu.memref_slice %arg6[%add3A_10, %dma_wait3A] : memref<10112x128xf32, #tpu.memory_space<vmem_shared>> -> memref<128x128xf32, #tpu.memory_space<vmem_shared>>
      %dma_wait3A_25 = arith.constant 0 : i32
      %dma_wait3A_26 = tpu.memref_slice %arg6[%add3A_10, %dma_wait3A_25] : memref<10112x128xf32, #tpu.memory_space<vmem_shared>> -> memref<128x128xf32, #tpu.memory_space<vmem_shared>>
      tpu.wait_dma2 semaphore(%run_scoped3A : memref<!tpu.dma_semaphore, #tpu.memory_space<semaphore_mem>>) src(%arg8 : memref<128x128xf32, #tpu.memory_space<vmem>>) dst(%dma_wait3A_26 : memref<128x128xf32, #tpu.memory_space<vmem_shared>>)
      tpu.yield
    }) : () -> ()
    %add3A_11 = arith.constant 512 : i32
    %add3A_12 = arith.addi %mul3A_2, %add3A_11 : i32
    "tpu.region"() ({
      %run_scoped3A = tpu.sem_alloc : memref<!tpu.dma_semaphore, #tpu.memory_space<semaphore_mem>>
      %dma_start3A = arith.constant 0 : i32
      %dma_start3A_21 = arith.constant 0 : i32
      %dma_start3A_22 = tpu.memref_slice %arg8[%dma_start3A, %dma_start3A_21] : memref<128x128xf32, #tpu.memory_space<vmem>> -> memref<120x128xf32, #tpu.memory_space<vmem>>
      %dma_start3A_23 = arith.constant 0 : i32
      %dma_start3A_24 = tpu.memref_slice %arg6[%add3A_12, %dma_start3A_23] : memref<10112x128xf32, #tpu.memory_space<vmem_shared>> -> memref<120x128xf32, #tpu.memory_space<vmem_shared>>
      %dma_start3A_25 = arith.constant 0 : i32
      %dma_start3A_26 = tpu.memref_slice %arg6[%add3A_12, %dma_start3A_25] : memref<10112x128xf32, #tpu.memory_space<vmem_shared>> -> memref<120x128xf32, #tpu.memory_space<vmem_shared>>
      %dma_start3A_27 = arith.constant 0 : i32
      %dma_start3A_28 = arith.constant 0 : i32
      %dma_start3A_29 = tpu.memref_slice %arg8[%dma_start3A_27, %dma_start3A_28] : memref<128x128xf32, #tpu.memory_space<vmem>> -> memref<120x128xf32, #tpu.memory_space<vmem>>
      tpu.enqueue_dma source(%dma_start3A_29 : memref<120x128xf32, #tpu.memory_space<vmem>>) target(%dma_start3A_26 : memref<120x128xf32, #tpu.memory_space<vmem_shared>>) target_semaphore(%run_scoped3A : memref<!tpu.dma_semaphore, #tpu.memory_space<semaphore_mem>>)
      %dma_wait3A = arith.constant 0 : i32
      %dma_wait3A_30 = arith.constant 0 : i32
      %dma_wait3A_31 = tpu.memref_slice %arg8[%dma_wait3A, %dma_wait3A_30] : memref<128x128xf32, #tpu.memory_space<vmem>> -> memref<120x128xf32, #tpu.memory_space<vmem>>
      %dma_wait3A_32 = arith.constant 0 : i32
      %dma_wait3A_33 = tpu.memref_slice %arg6[%add3A_12, %dma_wait3A_32] : memref<10112x128xf32, #tpu.memory_space<vmem_shared>> -> memref<120x128xf32, #tpu.memory_space<vmem_shared>>
      %dma_wait3A_34 = arith.constant 0 : i32
      %dma_wait3A_35 = tpu.memref_slice %arg6[%add3A_12, %dma_wait3A_34] : memref<10112x128xf32, #tpu.memory_space<vmem_shared>> -> memref<120x128xf32, #tpu.memory_space<vmem_shared>>
      %dma_wait3A_36 = arith.constant 0 : i32
      %dma_wait3A_37 = arith.constant 0 : i32
      %dma_wait3A_38 = tpu.memref_slice %arg8[%dma_wait3A_36, %dma_wait3A_37] : memref<128x128xf32, #tpu.memory_space<vmem>> -> memref<120x128xf32, #tpu.memory_space<vmem>>
      tpu.wait_dma2 semaphore(%run_scoped3A : memref<!tpu.dma_semaphore, #tpu.memory_space<semaphore_mem>>) src(%dma_wait3A_38 : memref<120x128xf32, #tpu.memory_space<vmem>>) dst(%dma_wait3A_35 : memref<120x128xf32, #tpu.memory_space<vmem_shared>>)
      tpu.yield
    }) : () -> ()
    %barrier3A = arith.constant 0 : index
    tpu.barrier barrier_id(%barrier3A)
    %scan3A = arith.constant 0 : i32
    %scan3A_13 = arith.constant 10 : i32
    %scan3A_14 = arith.addi %scan3A, %scan3A_13 : i32
    %scan3A_15 = arith.constant 1 : i32
    scf.for %scan3A_21 = %scan3A to %scan3A_14 step %scan3A_15  : i32 {
      %mul3A_22 = arith.constant 1 : i32
      %mul3A_23 = arith.muli %scan3A_21, %mul3A_22 : i32
      %add3A_24 = arith.constant 0 : i32
      %add3A_25 = arith.addi %add3A_24, %mul3A_23 : i32
      %mul3A_26 = arith.constant 10 : i32
      %mul3A_27 = arith.muli %add3A, %mul3A_26 : i32
      %add3A_28 = arith.addi %mul3A_27, %add3A_25 : i32
      "tpu.region"() ({
        %run_scoped3A = tpu.sem_alloc : memref<!tpu.dma_semaphore, #tpu.memory_space<semaphore_mem>>
        %dma_start3A_283 = arith.constant 0 : i32
        %dma_start3A_284 = arith.constant 0 : i32
        %dma_start3A_285 = arith.constant 0 : i32
        %dma_start3A_286 = tpu.memref_slice %arg3[%add3A_28, %dma_start3A_283, %dma_start3A_284, %dma_start3A_285] : memref<320x2x8x128xi32, #tpu.memory_space<hbm>> -> memref<1x2x8x128xi32, #tpu.memory_space<hbm>>
        %dma_start3A_287 = tpu.memref_squeeze %dma_start3A_286 : memref<1x2x8x128xi32, #tpu.memory_space<hbm>> -> memref<2x8x128xi32, #tpu.memory_space<hbm>>
        %dma_start3A_288 = arith.constant 0 : i32
        %dma_start3A_289 = arith.constant 0 : i32
        %dma_start3A_290 = arith.constant 0 : i32
        %dma_start3A_291 = tpu.memref_slice %arg3[%add3A_28, %dma_start3A_288, %dma_start3A_289, %dma_start3A_290] : memref<320x2x8x128xi32, #tpu.memory_space<hbm>> -> memref<1x2x8x128xi32, #tpu.memory_space<hbm>>
        %dma_start3A_292 = tpu.memref_squeeze %dma_start3A_291 : memref<1x2x8x128xi32, #tpu.memory_space<hbm>> -> memref<2x8x128xi32, #tpu.memory_space<hbm>>
        tpu.enqueue_dma source(%dma_start3A_292 : memref<2x8x128xi32, #tpu.memory_space<hbm>>) target(%arg7 : memref<2x8x128xi32, #tpu.memory_space<vmem>>) target_semaphore(%run_scoped3A : memref<!tpu.dma_semaphore, #tpu.memory_space<semaphore_mem>>)
        %dma_wait3A_293 = arith.constant 0 : i32
        %dma_wait3A_294 = arith.constant 0 : i32
        %dma_wait3A_295 = arith.constant 0 : i32
        %dma_wait3A_296 = tpu.memref_slice %arg3[%add3A_28, %dma_wait3A_293, %dma_wait3A_294, %dma_wait3A_295] : memref<320x2x8x128xi32, #tpu.memory_space<hbm>> -> memref<1x2x8x128xi32, #tpu.memory_space<hbm>>
        %dma_wait3A_297 = tpu.memref_squeeze %dma_wait3A_296 : memref<1x2x8x128xi32, #tpu.memory_space<hbm>> -> memref<2x8x128xi32, #tpu.memory_space<hbm>>
        %dma_wait3A_298 = arith.constant 0 : i32
        %dma_wait3A_299 = arith.constant 0 : i32
        %dma_wait3A_300 = arith.constant 0 : i32
        %dma_wait3A_301 = tpu.memref_slice %arg3[%add3A_28, %dma_wait3A_298, %dma_wait3A_299, %dma_wait3A_300] : memref<320x2x8x128xi32, #tpu.memory_space<hbm>> -> memref<1x2x8x128xi32, #tpu.memory_space<hbm>>
        %dma_wait3A_302 = tpu.memref_squeeze %dma_wait3A_301 : memref<1x2x8x128xi32, #tpu.memory_space<hbm>> -> memref<2x8x128xi32, #tpu.memory_space<hbm>>
        tpu.wait_dma2 semaphore(%run_scoped3A : memref<!tpu.dma_semaphore, #tpu.memory_space<semaphore_mem>>) src(%dma_wait3A_302 : memref<2x8x128xi32, #tpu.memory_space<hbm>>) dst(%arg7 : memref<2x8x128xi32, #tpu.memory_space<vmem>>)
        tpu.yield
      }) : () -> ()
      %dma_start3A = arith.constant 0 : i32
      %dma_start3A_29 = arith.constant 0 : i32
      %dma_start3A_30 = arith.constant 0 : i32
      %dma_start3A_31 = tpu.memref_slice %arg7[%dma_start3A, %dma_start3A_29, %dma_start3A_30] : memref<2x8x128xi32, #tpu.memory_space<vmem>> -> memref<1x1x128xi32, #tpu.memory_space<vmem>>
      %dma_start3A_32 = tpu.memref_squeeze %dma_start3A_31 : memref<1x1x128xi32, #tpu.memory_space<vmem>> -> memref<128xi32, #tpu.memory_space<vmem>>
      %dma_start3A_33 = arith.constant 0 : i32
      %dma_start3A_34 = arith.constant 0 : i32
      %dma_start3A_35 = tpu.memref_slice %arg2[%dma_start3A_33, %dma_start3A_34] : memref<10000x128xf32, #tpu.memory_space<hbm>> -> memref<10000x128xf32, #tpu.memory_space<hbm>>
      tpu.enqueue_indirect_dma source(%dma_start3A_35 : memref<10000x128xf32, #tpu.memory_space<hbm>>) target(%arg8 : memref<128x128xf32, #tpu.memory_space<vmem>>) offsets(%dma_start3A_32 : memref<128xi32, #tpu.memory_space<vmem>>) semaphore(%arg10 : memref<!tpu.dma_semaphore, #tpu.memory_space<semaphore_mem>>)
      %dma_start3A_36 = arith.constant 0 : i32
      %dma_start3A_37 = arith.constant 1 : i32
      %dma_start3A_38 = arith.constant 0 : i32
      %dma_start3A_39 = tpu.memref_slice %arg7[%dma_start3A_36, %dma_start3A_37, %dma_start3A_38] : memref<2x8x128xi32, #tpu.memory_space<vmem>> -> memref<1x1x128xi32, #tpu.memory_space<vmem>>
      %dma_start3A_40 = tpu.memref_squeeze %dma_start3A_39 : memref<1x1x128xi32, #tpu.memory_space<vmem>> -> memref<128xi32, #tpu.memory_space<vmem>>
      %dma_start3A_41 = arith.constant 0 : i32
      %dma_start3A_42 = arith.constant 0 : i32
      %dma_start3A_43 = tpu.memref_slice %arg2[%dma_start3A_41, %dma_start3A_42] : memref<10000x128xf32, #tpu.memory_space<hbm>> -> memref<10000x128xf32, #tpu.memory_space<hbm>>
      tpu.enqueue_indirect_dma source(%dma_start3A_43 : memref<10000x128xf32, #tpu.memory_space<hbm>>) target(%arg9 : memref<128x128xf32, #tpu.memory_space<vmem>>) offsets(%dma_start3A_40 : memref<128xi32, #tpu.memory_space<vmem>>) semaphore(%arg11 : memref<!tpu.dma_semaphore, #tpu.memory_space<semaphore_mem>>)
      %dma_wait3A = arith.constant 0 : i32
      %dma_wait3A_44 = arith.constant 0 : i32
      %dma_wait3A_45 = arith.constant 0 : i32
      %dma_wait3A_46 = tpu.memref_slice %arg7[%dma_wait3A, %dma_wait3A_44, %dma_wait3A_45] : memref<2x8x128xi32, #tpu.memory_space<vmem>> -> memref<1x1x128xi32, #tpu.memory_space<vmem>>
      %dma_wait3A_47 = tpu.memref_squeeze %dma_wait3A_46 : memref<1x1x128xi32, #tpu.memory_space<vmem>> -> memref<128xi32, #tpu.memory_space<vmem>>
      %dma_wait3A_48 = arith.constant 0 : i32
      %dma_wait3A_49 = arith.constant 0 : i32
      %dma_wait3A_50 = tpu.memref_slice %arg2[%dma_wait3A_48, %dma_wait3A_49] : memref<10000x128xf32, #tpu.memory_space<hbm>> -> memref<10000x128xf32, #tpu.memory_space<hbm>>
      tpu.wait_indirect_dma semaphore(%arg10 : memref<!tpu.dma_semaphore, #tpu.memory_space<semaphore_mem>>) src(%dma_wait3A_50 : memref<10000x128xf32, #tpu.memory_space<hbm>>) dst(%arg8 : memref<128x128xf32, #tpu.memory_space<vmem>>)
      %dma_start3A_51 = arith.constant 1 : i32
      %dma_start3A_52 = arith.constant 0 : i32
      %dma_start3A_53 = arith.constant 0 : i32
      %dma_start3A_54 = tpu.memref_slice %arg7[%dma_start3A_51, %dma_start3A_52, %dma_start3A_53] : memref<2x8x128xi32, #tpu.memory_space<vmem>> -> memref<1x1x128xi32, #tpu.memory_space<vmem>>
      %dma_start3A_55 = tpu.memref_squeeze %dma_start3A_54 : memref<1x1x128xi32, #tpu.memory_space<vmem>> -> memref<128xi32, #tpu.memory_space<vmem>>
      %dma_start3A_56 = arith.constant 0 : i32
      %dma_start3A_57 = arith.constant 0 : i32
      %dma_start3A_58 = tpu.memref_slice %arg6[%dma_start3A_56, %dma_start3A_57] : memref<10112x128xf32, #tpu.memory_space<vmem_shared>> -> memref<10112x128xf32, #tpu.memory_space<vmem_shared>>
      tpu.enqueue_indirect_dma source(%arg8 : memref<128x128xf32, #tpu.memory_space<vmem>>) target(%dma_start3A_58 : memref<10112x128xf32, #tpu.memory_space<vmem_shared>>) offsets(%dma_start3A_55 : memref<128xi32, #tpu.memory_space<vmem>>) semaphore(%arg12 : memref<!tpu.dma_semaphore, #tpu.memory_space<semaphore_mem>>) {add = true}
      %dma_wait3A_59 = arith.constant 0 : i32
      %dma_wait3A_60 = arith.constant 1 : i32
      %dma_wait3A_61 = arith.constant 0 : i32
      %dma_wait3A_62 = tpu.memref_slice %arg7[%dma_wait3A_59, %dma_wait3A_60, %dma_wait3A_61] : memref<2x8x128xi32, #tpu.memory_space<vmem>> -> memref<1x1x128xi32, #tpu.memory_space<vmem>>
      %dma_wait3A_63 = tpu.memref_squeeze %dma_wait3A_62 : memref<1x1x128xi32, #tpu.memory_space<vmem>> -> memref<128xi32, #tpu.memory_space<vmem>>
      %dma_wait3A_64 = arith.constant 0 : i32
      %dma_wait3A_65 = arith.constant 0 : i32
      %dma_wait3A_66 = tpu.memref_slice %arg2[%dma_wait3A_64, %dma_wait3A_65] : memref<10000x128xf32, #tpu.memory_space<hbm>> -> memref<10000x128xf32, #tpu.memory_space<hbm>>
      tpu.wait_indirect_dma semaphore(%arg11 : memref<!tpu.dma_semaphore, #tpu.memory_space<semaphore_mem>>) src(%dma_wait3A_66 : memref<10000x128xf32, #tpu.memory_space<hbm>>) dst(%arg9 : memref<128x128xf32, #tpu.memory_space<vmem>>)
      %dma_start3A_67 = arith.constant 1 : i32
      %dma_start3A_68 = arith.constant 1 : i32
      %dma_start3A_69 = arith.constant 0 : i32
      %dma_start3A_70 = tpu.memref_slice %arg7[%dma_start3A_67, %dma_start3A_68, %dma_start3A_69] : memref<2x8x128xi32, #tpu.memory_space<vmem>> -> memref<1x1x128xi32, #tpu.memory_space<vmem>>
      %dma_start3A_71 = tpu.memref_squeeze %dma_start3A_70 : memref<1x1x128xi32, #tpu.memory_space<vmem>> -> memref<128xi32, #tpu.memory_space<vmem>>
      %dma_start3A_72 = arith.constant 0 : i32
      %dma_start3A_73 = arith.constant 0 : i32
      %dma_start3A_74 = tpu.memref_slice %arg6[%dma_start3A_72, %dma_start3A_73] : memref<10112x128xf32, #tpu.memory_space<vmem_shared>> -> memref<10112x128xf32, #tpu.memory_space<vmem_shared>>
      tpu.enqueue_indirect_dma source(%arg9 : memref<128x128xf32, #tpu.memory_space<vmem>>) target(%dma_start3A_74 : memref<10112x128xf32, #tpu.memory_space<vmem_shared>>) offsets(%dma_start3A_71 : memref<128xi32, #tpu.memory_space<vmem>>) semaphore(%arg13 : memref<!tpu.dma_semaphore, #tpu.memory_space<semaphore_mem>>) {add = true}
      %dma_wait3A_75 = arith.constant 1 : i32
      %dma_wait3A_76 = arith.constant 0 : i32
      %dma_wait3A_77 = arith.constant 0 : i32
      %dma_wait3A_78 = tpu.memref_slice %arg7[%dma_wait3A_75, %dma_wait3A_76, %dma_wait3A_77] : memref<2x8x128xi32, #tpu.memory_space<vmem>> -> memref<1x1x128xi32, #tpu.memory_space<vmem>>
      %dma_wait3A_79 = tpu.memref_squeeze %dma_wait3A_78 : memref<1x1x128xi32, #tpu.memory_space<vmem>> -> memref<128xi32, #tpu.memory_space<vmem>>
      %dma_wait3A_80 = arith.constant 0 : i32
      %dma_wait3A_81 = arith.constant 0 : i32
      %dma_wait3A_82 = tpu.memref_slice %arg6[%dma_wait3A_80, %dma_wait3A_81] : memref<10112x128xf32, #tpu.memory_space<vmem_shared>> -> memref<10112x128xf32, #tpu.memory_space<vmem_shared>>
      tpu.wait_indirect_dma semaphore(%arg12 : memref<!tpu.dma_semaphore, #tpu.memory_space<semaphore_mem>>) src(%arg8 : memref<128x128xf32, #tpu.memory_space<vmem>>) dst(%dma_wait3A_82 : memref<10112x128xf32, #tpu.memory_space<vmem_shared>>)
      %dma_wait3A_83 = arith.constant 1 : i32
      %dma_wait3A_84 = arith.constant 1 : i32
      %dma_wait3A_85 = arith.constant 0 : i32
      %dma_wait3A_86 = tpu.memref_slice %arg7[%dma_wait3A_83, %dma_wait3A_84, %dma_wait3A_85] : memref<2x8x128xi32, #tpu.memory_space<vmem>> -> memref<1x1x128xi32, #tpu.memory_space<vmem>>
      %dma_wait3A_87 = tpu.memref_squeeze %dma_wait3A_86 : memref<1x1x128xi32, #tpu.memory_space<vmem>> -> memref<128xi32, #tpu.memory_space<vmem>>
      %dma_wait3A_88 = arith.constant 0 : i32
      %dma_wait3A_89 = arith.constant 0 : i32
      %dma_wait3A_90 = tpu.memref_slice %arg6[%dma_wait3A_88, %dma_wait3A_89] : memref<10112x128xf32, #tpu.memory_space<vmem_shared>> -> memref<10112x128xf32, #tpu.memory_space<vmem_shared>>
      tpu.wait_indirect_dma semaphore(%arg13 : memref<!tpu.dma_semaphore, #tpu.memory_space<semaphore_mem>>) src(%arg9 : memref<128x128xf32, #tpu.memory_space<vmem>>) dst(%dma_wait3A_90 : memref<10112x128xf32, #tpu.memory_space<vmem_shared>>)
      %dma_start3A_91 = arith.constant 0 : i32
      %dma_start3A_92 = arith.constant 2 : i32
      %dma_start3A_93 = arith.constant 0 : i32
      %dma_start3A_94 = tpu.memref_slice %arg7[%dma_start3A_91, %dma_start3A_92, %dma_start3A_93] : memref<2x8x128xi32, #tpu.memory_space<vmem>> -> memref<1x1x128xi32, #tpu.memory_space<vmem>>
      %dma_start3A_95 = tpu.memref_squeeze %dma_start3A_94 : memref<1x1x128xi32, #tpu.memory_space<vmem>> -> memref<128xi32, #tpu.memory_space<vmem>>
      %dma_start3A_96 = arith.constant 0 : i32
      %dma_start3A_97 = arith.constant 0 : i32
      %dma_start3A_98 = tpu.memref_slice %arg2[%dma_start3A_96, %dma_start3A_97] : memref<10000x128xf32, #tpu.memory_space<hbm>> -> memref<10000x128xf32, #tpu.memory_space<hbm>>
      tpu.enqueue_indirect_dma source(%dma_start3A_98 : memref<10000x128xf32, #tpu.memory_space<hbm>>) target(%arg8 : memref<128x128xf32, #tpu.memory_space<vmem>>) offsets(%dma_start3A_95 : memref<128xi32, #tpu.memory_space<vmem>>) semaphore(%arg10 : memref<!tpu.dma_semaphore, #tpu.memory_space<semaphore_mem>>)
      %dma_start3A_99 = arith.constant 0 : i32
      %dma_start3A_100 = arith.constant 3 : i32
      %dma_start3A_101 = arith.constant 0 : i32
      %dma_start3A_102 = tpu.memref_slice %arg7[%dma_start3A_99, %dma_start3A_100, %dma_start3A_101] : memref<2x8x128xi32, #tpu.memory_space<vmem>> -> memref<1x1x128xi32, #tpu.memory_space<vmem>>
      %dma_start3A_103 = tpu.memref_squeeze %dma_start3A_102 : memref<1x1x128xi32, #tpu.memory_space<vmem>> -> memref<128xi32, #tpu.memory_space<vmem>>
      %dma_start3A_104 = arith.constant 0 : i32
      %dma_start3A_105 = arith.constant 0 : i32
      %dma_start3A_106 = tpu.memref_slice %arg2[%dma_start3A_104, %dma_start3A_105] : memref<10000x128xf32, #tpu.memory_space<hbm>> -> memref<10000x128xf32, #tpu.memory_space<hbm>>
      tpu.enqueue_indirect_dma source(%dma_start3A_106 : memref<10000x128xf32, #tpu.memory_space<hbm>>) target(%arg9 : memref<128x128xf32, #tpu.memory_space<vmem>>) offsets(%dma_start3A_103 : memref<128xi32, #tpu.memory_space<vmem>>) semaphore(%arg11 : memref<!tpu.dma_semaphore, #tpu.memory_space<semaphore_mem>>)
      %dma_wait3A_107 = arith.constant 0 : i32
      %dma_wait3A_108 = arith.constant 2 : i32
      %dma_wait3A_109 = arith.constant 0 : i32
      %dma_wait3A_110 = tpu.memref_slice %arg7[%dma_wait3A_107, %dma_wait3A_108, %dma_wait3A_109] : memref<2x8x128xi32, #tpu.memory_space<vmem>> -> memref<1x1x128xi32, #tpu.memory_space<vmem>>
      %dma_wait3A_111 = tpu.memref_squeeze %dma_wait3A_110 : memref<1x1x128xi32, #tpu.memory_space<vmem>> -> memref<128xi32, #tpu.memory_space<vmem>>
      %dma_wait3A_112 = arith.constant 0 : i32
      %dma_wait3A_113 = arith.constant 0 : i32
      %dma_wait3A_114 = tpu.memref_slice %arg2[%dma_wait3A_112, %dma_wait3A_113] : memref<10000x128xf32, #tpu.memory_space<hbm>> -> memref<10000x128xf32, #tpu.memory_space<hbm>>
      tpu.wait_indirect_dma semaphore(%arg10 : memref<!tpu.dma_semaphore, #tpu.memory_space<semaphore_mem>>) src(%dma_wait3A_114 : memref<10000x128xf32, #tpu.memory_space<hbm>>) dst(%arg8 : memref<128x128xf32, #tpu.memory_space<vmem>>)
      %dma_start3A_115 = arith.constant 1 : i32
      %dma_start3A_116 = arith.constant 2 : i32
      %dma_start3A_117 = arith.constant 0 : i32
      %dma_start3A_118 = tpu.memref_slice %arg7[%dma_start3A_115, %dma_start3A_116, %dma_start3A_117] : memref<2x8x128xi32, #tpu.memory_space<vmem>> -> memref<1x1x128xi32, #tpu.memory_space<vmem>>
      %dma_start3A_119 = tpu.memref_squeeze %dma_start3A_118 : memref<1x1x128xi32, #tpu.memory_space<vmem>> -> memref<128xi32, #tpu.memory_space<vmem>>
      %dma_start3A_120 = arith.constant 0 : i32
      %dma_start3A_121 = arith.constant 0 : i32
      %dma_start3A_122 = tpu.memref_slice %arg6[%dma_start3A_120, %dma_start3A_121] : memref<10112x128xf32, #tpu.memory_space<vmem_shared>> -> memref<10112x128xf32, #tpu.memory_space<vmem_shared>>
      tpu.enqueue_indirect_dma source(%arg8 : memref<128x128xf32, #tpu.memory_space<vmem>>) target(%dma_start3A_122 : memref<10112x128xf32, #tpu.memory_space<vmem_shared>>) offsets(%dma_start3A_119 : memref<128xi32, #tpu.memory_space<vmem>>) semaphore(%arg12 : memref<!tpu.dma_semaphore, #tpu.memory_space<semaphore_mem>>) {add = true}
      %dma_wait3A_123 = arith.constant 0 : i32
      %dma_wait3A_124 = arith.constant 3 : i32
      %dma_wait3A_125 = arith.constant 0 : i32
      %dma_wait3A_126 = tpu.memref_slice %arg7[%dma_wait3A_123, %dma_wait3A_124, %dma_wait3A_125] : memref<2x8x128xi32, #tpu.memory_space<vmem>> -> memref<1x1x128xi32, #tpu.memory_space<vmem>>
      %dma_wait3A_127 = tpu.memref_squeeze %dma_wait3A_126 : memref<1x1x128xi32, #tpu.memory_space<vmem>> -> memref<128xi32, #tpu.memory_space<vmem>>
      %dma_wait3A_128 = arith.constant 0 : i32
      %dma_wait3A_129 = arith.constant 0 : i32
      %dma_wait3A_130 = tpu.memref_slice %arg2[%dma_wait3A_128, %dma_wait3A_129] : memref<10000x128xf32, #tpu.memory_space<hbm>> -> memref<10000x128xf32, #tpu.memory_space<hbm>>
      tpu.wait_indirect_dma semaphore(%arg11 : memref<!tpu.dma_semaphore, #tpu.memory_space<semaphore_mem>>) src(%dma_wait3A_130 : memref<10000x128xf32, #tpu.memory_space<hbm>>) dst(%arg9 : memref<128x128xf32, #tpu.memory_space<vmem>>)
      %dma_start3A_131 = arith.constant 1 : i32
      %dma_start3A_132 = arith.constant 3 : i32
      %dma_start3A_133 = arith.constant 0 : i32
      %dma_start3A_134 = tpu.memref_slice %arg7[%dma_start3A_131, %dma_start3A_132, %dma_start3A_133] : memref<2x8x128xi32, #tpu.memory_space<vmem>> -> memref<1x1x128xi32, #tpu.memory_space<vmem>>
      %dma_start3A_135 = tpu.memref_squeeze %dma_start3A_134 : memref<1x1x128xi32, #tpu.memory_space<vmem>> -> memref<128xi32, #tpu.memory_space<vmem>>
      %dma_start3A_136 = arith.constant 0 : i32
      %dma_start3A_137 = arith.constant 0 : i32
      %dma_start3A_138 = tpu.memref_slice %arg6[%dma_start3A_136, %dma_start3A_137] : memref<10112x128xf32, #tpu.memory_space<vmem_shared>> -> memref<10112x128xf32, #tpu.memory_space<vmem_shared>>
      tpu.enqueue_indirect_dma source(%arg9 : memref<128x128xf32, #tpu.memory_space<vmem>>) target(%dma_start3A_138 : memref<10112x128xf32, #tpu.memory_space<vmem_shared>>) offsets(%dma_start3A_135 : memref<128xi32, #tpu.memory_space<vmem>>) semaphore(%arg13 : memref<!tpu.dma_semaphore, #tpu.memory_space<semaphore_mem>>) {add = true}
      %dma_wait3A_139 = arith.constant 1 : i32
      %dma_wait3A_140 = arith.constant 2 : i32
      %dma_wait3A_141 = arith.constant 0 : i32
      %dma_wait3A_142 = tpu.memref_slice %arg7[%dma_wait3A_139, %dma_wait3A_140, %dma_wait3A_141] : memref<2x8x128xi32, #tpu.memory_space<vmem>> -> memref<1x1x128xi32, #tpu.memory_space<vmem>>
      %dma_wait3A_143 = tpu.memref_squeeze %dma_wait3A_142 : memref<1x1x128xi32, #tpu.memory_space<vmem>> -> memref<128xi32, #tpu.memory_space<vmem>>
      %dma_wait3A_144 = arith.constant 0 : i32
      %dma_wait3A_145 = arith.constant 0 : i32
      %dma_wait3A_146 = tpu.memref_slice %arg6[%dma_wait3A_144, %dma_wait3A_145] : memref<10112x128xf32, #tpu.memory_space<vmem_shared>> -> memref<10112x128xf32, #tpu.memory_space<vmem_shared>>
      tpu.wait_indirect_dma semaphore(%arg12 : memref<!tpu.dma_semaphore, #tpu.memory_space<semaphore_mem>>) src(%arg8 : memref<128x128xf32, #tpu.memory_space<vmem>>) dst(%dma_wait3A_146 : memref<10112x128xf32, #tpu.memory_space<vmem_shared>>)
      %dma_wait3A_147 = arith.constant 1 : i32
      %dma_wait3A_148 = arith.constant 3 : i32
      %dma_wait3A_149 = arith.constant 0 : i32
      %dma_wait3A_150 = tpu.memref_slice %arg7[%dma_wait3A_147, %dma_wait3A_148, %dma_wait3A_149] : memref<2x8x128xi32, #tpu.memory_space<vmem>> -> memref<1x1x128xi32, #tpu.memory_space<vmem>>
      %dma_wait3A_151 = tpu.memref_squeeze %dma_wait3A_150 : memref<1x1x128xi32, #tpu.memory_space<vmem>> -> memref<128xi32, #tpu.memory_space<vmem>>
      %dma_wait3A_152 = arith.constant 0 : i32
      %dma_wait3A_153 = arith.constant 0 : i32
      %dma_wait3A_154 = tpu.memref_slice %arg6[%dma_wait3A_152, %dma_wait3A_153] : memref<10112x128xf32, #tpu.memory_space<vmem_shared>> -> memref<10112x128xf32, #tpu.memory_space<vmem_shared>>
      tpu.wait_indirect_dma semaphore(%arg13 : memref<!tpu.dma_semaphore, #tpu.memory_space<semaphore_mem>>) src(%arg9 : memref<128x128xf32, #tpu.memory_space<vmem>>) dst(%dma_wait3A_154 : memref<10112x128xf32, #tpu.memory_space<vmem_shared>>)
      %dma_start3A_155 = arith.constant 0 : i32
      %dma_start3A_156 = arith.constant 4 : i32
      %dma_start3A_157 = arith.constant 0 : i32
      %dma_start3A_158 = tpu.memref_slice %arg7[%dma_start3A_155, %dma_start3A_156, %dma_start3A_157] : memref<2x8x128xi32, #tpu.memory_space<vmem>> -> memref<1x1x128xi32, #tpu.memory_space<vmem>>
      %dma_start3A_159 = tpu.memref_squeeze %dma_start3A_158 : memref<1x1x128xi32, #tpu.memory_space<vmem>> -> memref<128xi32, #tpu.memory_space<vmem>>
      %dma_start3A_160 = arith.constant 0 : i32
      %dma_start3A_161 = arith.constant 0 : i32
      %dma_start3A_162 = tpu.memref_slice %arg2[%dma_start3A_160, %dma_start3A_161] : memref<10000x128xf32, #tpu.memory_space<hbm>> -> memref<10000x128xf32, #tpu.memory_space<hbm>>
      tpu.enqueue_indirect_dma source(%dma_start3A_162 : memref<10000x128xf32, #tpu.memory_space<hbm>>) target(%arg8 : memref<128x128xf32, #tpu.memory_space<vmem>>) offsets(%dma_start3A_159 : memref<128xi32, #tpu.memory_space<vmem>>) semaphore(%arg10 : memref<!tpu.dma_semaphore, #tpu.memory_space<semaphore_mem>>)
      %dma_start3A_163 = arith.constant 0 : i32
      %dma_start3A_164 = arith.constant 5 : i32
      %dma_start3A_165 = arith.constant 0 : i32
      %dma_start3A_166 = tpu.memref_slice %arg7[%dma_start3A_163, %dma_start3A_164, %dma_start3A_165] : memref<2x8x128xi32, #tpu.memory_space<vmem>> -> memref<1x1x128xi32, #tpu.memory_space<vmem>>
      %dma_start3A_167 = tpu.memref_squeeze %dma_start3A_166 : memref<1x1x128xi32, #tpu.memory_space<vmem>> -> memref<128xi32, #tpu.memory_space<vmem>>
      %dma_start3A_168 = arith.constant 0 : i32
      %dma_start3A_169 = arith.constant 0 : i32
      %dma_start3A_170 = tpu.memref_slice %arg2[%dma_start3A_168, %dma_start3A_169] : memref<10000x128xf32, #tpu.memory_space<hbm>> -> memref<10000x128xf32, #tpu.memory_space<hbm>>
      tpu.enqueue_indirect_dma source(%dma_start3A_170 : memref<10000x128xf32, #tpu.memory_space<hbm>>) target(%arg9 : memref<128x128xf32, #tpu.memory_space<vmem>>) offsets(%dma_start3A_167 : memref<128xi32, #tpu.memory_space<vmem>>) semaphore(%arg11 : memref<!tpu.dma_semaphore, #tpu.memory_space<semaphore_mem>>)
      %dma_wait3A_171 = arith.constant 0 : i32
      %dma_wait3A_172 = arith.constant 4 : i32
      %dma_wait3A_173 = arith.constant 0 : i32
      %dma_wait3A_174 = tpu.memref_slice %arg7[%dma_wait3A_171, %dma_wait3A_172, %dma_wait3A_173] : memref<2x8x128xi32, #tpu.memory_space<vmem>> -> memref<1x1x128xi32, #tpu.memory_space<vmem>>
      %dma_wait3A_175 = tpu.memref_squeeze %dma_wait3A_174 : memref<1x1x128xi32, #tpu.memory_space<vmem>> -> memref<128xi32, #tpu.memory_space<vmem>>
      %dma_wait3A_176 = arith.constant 0 : i32
      %dma_wait3A_177 = arith.constant 0 : i32
      %dma_wait3A_178 = tpu.memref_slice %arg2[%dma_wait3A_176, %dma_wait3A_177] : memref<10000x128xf32, #tpu.memory_space<hbm>> -> memref<10000x128xf32, #tpu.memory_space<hbm>>
      tpu.wait_indirect_dma semaphore(%arg10 : memref<!tpu.dma_semaphore, #tpu.memory_space<semaphore_mem>>) src(%dma_wait3A_178 : memref<10000x128xf32, #tpu.memory_space<hbm>>) dst(%arg8 : memref<128x128xf32, #tpu.memory_space<vmem>>)
      %dma_start3A_179 = arith.constant 1 : i32
      %dma_start3A_180 = arith.constant 4 : i32
      %dma_start3A_181 = arith.constant 0 : i32
      %dma_start3A_182 = tpu.memref_slice %arg7[%dma_start3A_179, %dma_start3A_180, %dma_start3A_181] : memref<2x8x128xi32, #tpu.memory_space<vmem>> -> memref<1x1x128xi32, #tpu.memory_space<vmem>>
      %dma_start3A_183 = tpu.memref_squeeze %dma_start3A_182 : memref<1x1x128xi32, #tpu.memory_space<vmem>> -> memref<128xi32, #tpu.memory_space<vmem>>
      %dma_start3A_184 = arith.constant 0 : i32
      %dma_start3A_185 = arith.constant 0 : i32
      %dma_start3A_186 = tpu.memref_slice %arg6[%dma_start3A_184, %dma_start3A_185] : memref<10112x128xf32, #tpu.memory_space<vmem_shared>> -> memref<10112x128xf32, #tpu.memory_space<vmem_shared>>
      tpu.enqueue_indirect_dma source(%arg8 : memref<128x128xf32, #tpu.memory_space<vmem>>) target(%dma_start3A_186 : memref<10112x128xf32, #tpu.memory_space<vmem_shared>>) offsets(%dma_start3A_183 : memref<128xi32, #tpu.memory_space<vmem>>) semaphore(%arg12 : memref<!tpu.dma_semaphore, #tpu.memory_space<semaphore_mem>>) {add = true}
      %dma_wait3A_187 = arith.constant 0 : i32
      %dma_wait3A_188 = arith.constant 5 : i32
      %dma_wait3A_189 = arith.constant 0 : i32
      %dma_wait3A_190 = tpu.memref_slice %arg7[%dma_wait3A_187, %dma_wait3A_188, %dma_wait3A_189] : memref<2x8x128xi32, #tpu.memory_space<vmem>> -> memref<1x1x128xi32, #tpu.memory_space<vmem>>
      %dma_wait3A_191 = tpu.memref_squeeze %dma_wait3A_190 : memref<1x1x128xi32, #tpu.memory_space<vmem>> -> memref<128xi32, #tpu.memory_space<vmem>>
      %dma_wait3A_192 = arith.constant 0 : i32
      %dma_wait3A_193 = arith.constant 0 : i32
      %dma_wait3A_194 = tpu.memref_slice %arg2[%dma_wait3A_192, %dma_wait3A_193] : memref<10000x128xf32, #tpu.memory_space<hbm>> -> memref<10000x128xf32, #tpu.memory_space<hbm>>
      tpu.wait_indirect_dma semaphore(%arg11 : memref<!tpu.dma_semaphore, #tpu.memory_space<semaphore_mem>>) src(%dma_wait3A_194 : memref<10000x128xf32, #tpu.memory_space<hbm>>) dst(%arg9 : memref<128x128xf32, #tpu.memory_space<vmem>>)
      %dma_start3A_195 = arith.constant 1 : i32
      %dma_start3A_196 = arith.constant 5 : i32
      %dma_start3A_197 = arith.constant 0 : i32
      %dma_start3A_198 = tpu.memref_slice %arg7[%dma_start3A_195, %dma_start3A_196, %dma_start3A_197] : memref<2x8x128xi32, #tpu.memory_space<vmem>> -> memref<1x1x128xi32, #tpu.memory_space<vmem>>
      %dma_start3A_199 = tpu.memref_squeeze %dma_start3A_198 : memref<1x1x128xi32, #tpu.memory_space<vmem>> -> memref<128xi32, #tpu.memory_space<vmem>>
      %dma_start3A_200 = arith.constant 0 : i32
      %dma_start3A_201 = arith.constant 0 : i32
      %dma_start3A_202 = tpu.memref_slice %arg6[%dma_start3A_200, %dma_start3A_201] : memref<10112x128xf32, #tpu.memory_space<vmem_shared>> -> memref<10112x128xf32, #tpu.memory_space<vmem_shared>>
      tpu.enqueue_indirect_dma source(%arg9 : memref<128x128xf32, #tpu.memory_space<vmem>>) target(%dma_start3A_202 : memref<10112x128xf32, #tpu.memory_space<vmem_shared>>) offsets(%dma_start3A_199 : memref<128xi32, #tpu.memory_space<vmem>>) semaphore(%arg13 : memref<!tpu.dma_semaphore, #tpu.memory_space<semaphore_mem>>) {add = true}
      %dma_wait3A_203 = arith.constant 1 : i32
      %dma_wait3A_204 = arith.constant 4 : i32
      %dma_wait3A_205 = arith.constant 0 : i32
      %dma_wait3A_206 = tpu.memref_slice %arg7[%dma_wait3A_203, %dma_wait3A_204, %dma_wait3A_205] : memref<2x8x128xi32, #tpu.memory_space<vmem>> -> memref<1x1x128xi32, #tpu.memory_space<vmem>>
      %dma_wait3A_207 = tpu.memref_squeeze %dma_wait3A_206 : memref<1x1x128xi32, #tpu.memory_space<vmem>> -> memref<128xi32, #tpu.memory_space<vmem>>
      %dma_wait3A_208 = arith.constant 0 : i32
      %dma_wait3A_209 = arith.constant 0 : i32
      %dma_wait3A_210 = tpu.memref_slice %arg6[%dma_wait3A_208, %dma_wait3A_209] : memref<10112x128xf32, #tpu.memory_space<vmem_shared>> -> memref<10112x128xf32, #tpu.memory_space<vmem_shared>>
      tpu.wait_indirect_dma semaphore(%arg12 : memref<!tpu.dma_semaphore, #tpu.memory_space<semaphore_mem>>) src(%arg8 : memref<128x128xf32, #tpu.memory_space<vmem>>) dst(%dma_wait3A_210 : memref<10112x128xf32, #tpu.memory_space<vmem_shared>>)
      %dma_wait3A_211 = arith.constant 1 : i32
      %dma_wait3A_212 = arith.constant 5 : i32
      %dma_wait3A_213 = arith.constant 0 : i32
      %dma_wait3A_214 = tpu.memref_slice %arg7[%dma_wait3A_211, %dma_wait3A_212, %dma_wait3A_213] : memref<2x8x128xi32, #tpu.memory_space<vmem>> -> memref<1x1x128xi32, #tpu.memory_space<vmem>>
      %dma_wait3A_215 = tpu.memref_squeeze %dma_wait3A_214 : memref<1x1x128xi32, #tpu.memory_space<vmem>> -> memref<128xi32, #tpu.memory_space<vmem>>
      %dma_wait3A_216 = arith.constant 0 : i32
      %dma_wait3A_217 = arith.constant 0 : i32
      %dma_wait3A_218 = tpu.memref_slice %arg6[%dma_wait3A_216, %dma_wait3A_217] : memref<10112x128xf32, #tpu.memory_space<vmem_shared>> -> memref<10112x128xf32, #tpu.memory_space<vmem_shared>>
      tpu.wait_indirect_dma semaphore(%arg13 : memref<!tpu.dma_semaphore, #tpu.memory_space<semaphore_mem>>) src(%arg9 : memref<128x128xf32, #tpu.memory_space<vmem>>) dst(%dma_wait3A_218 : memref<10112x128xf32, #tpu.memory_space<vmem_shared>>)
      %dma_start3A_219 = arith.constant 0 : i32
      %dma_start3A_220 = arith.constant 6 : i32
      %dma_start3A_221 = arith.constant 0 : i32
      %dma_start3A_222 = tpu.memref_slice %arg7[%dma_start3A_219, %dma_start3A_220, %dma_start3A_221] : memref<2x8x128xi32, #tpu.memory_space<vmem>> -> memref<1x1x128xi32, #tpu.memory_space<vmem>>
      %dma_start3A_223 = tpu.memref_squeeze %dma_start3A_222 : memref<1x1x128xi32, #tpu.memory_space<vmem>> -> memref<128xi32, #tpu.memory_space<vmem>>
      %dma_start3A_224 = arith.constant 0 : i32
      %dma_start3A_225 = arith.constant 0 : i32
      %dma_start3A_226 = tpu.memref_slice %arg2[%dma_start3A_224, %dma_start3A_225] : memref<10000x128xf32, #tpu.memory_space<hbm>> -> memref<10000x128xf32, #tpu.memory_space<hbm>>
      tpu.enqueue_indirect_dma source(%dma_start3A_226 : memref<10000x128xf32, #tpu.memory_space<hbm>>) target(%arg8 : memref<128x128xf32, #tpu.memory_space<vmem>>) offsets(%dma_start3A_223 : memref<128xi32, #tpu.memory_space<vmem>>) semaphore(%arg10 : memref<!tpu.dma_semaphore, #tpu.memory_space<semaphore_mem>>)
      %dma_start3A_227 = arith.constant 0 : i32
      %dma_start3A_228 = arith.constant 7 : i32
      %dma_start3A_229 = arith.constant 0 : i32
      %dma_start3A_230 = tpu.memref_slice %arg7[%dma_start3A_227, %dma_start3A_228, %dma_start3A_229] : memref<2x8x128xi32, #tpu.memory_space<vmem>> -> memref<1x1x128xi32, #tpu.memory_space<vmem>>
      %dma_start3A_231 = tpu.memref_squeeze %dma_start3A_230 : memref<1x1x128xi32, #tpu.memory_space<vmem>> -> memref<128xi32, #tpu.memory_space<vmem>>
      %dma_start3A_232 = arith.constant 0 : i32
      %dma_start3A_233 = arith.constant 0 : i32
      %dma_start3A_234 = tpu.memref_slice %arg2[%dma_start3A_232, %dma_start3A_233] : memref<10000x128xf32, #tpu.memory_space<hbm>> -> memref<10000x128xf32, #tpu.memory_space<hbm>>
      tpu.enqueue_indirect_dma source(%dma_start3A_234 : memref<10000x128xf32, #tpu.memory_space<hbm>>) target(%arg9 : memref<128x128xf32, #tpu.memory_space<vmem>>) offsets(%dma_start3A_231 : memref<128xi32, #tpu.memory_space<vmem>>) semaphore(%arg11 : memref<!tpu.dma_semaphore, #tpu.memory_space<semaphore_mem>>)
      %dma_wait3A_235 = arith.constant 0 : i32
      %dma_wait3A_236 = arith.constant 6 : i32
      %dma_wait3A_237 = arith.constant 0 : i32
      %dma_wait3A_238 = tpu.memref_slice %arg7[%dma_wait3A_235, %dma_wait3A_236, %dma_wait3A_237] : memref<2x8x128xi32, #tpu.memory_space<vmem>> -> memref<1x1x128xi32, #tpu.memory_space<vmem>>
      %dma_wait3A_239 = tpu.memref_squeeze %dma_wait3A_238 : memref<1x1x128xi32, #tpu.memory_space<vmem>> -> memref<128xi32, #tpu.memory_space<vmem>>
      %dma_wait3A_240 = arith.constant 0 : i32
      %dma_wait3A_241 = arith.constant 0 : i32
      %dma_wait3A_242 = tpu.memref_slice %arg2[%dma_wait3A_240, %dma_wait3A_241] : memref<10000x128xf32, #tpu.memory_space<hbm>> -> memref<10000x128xf32, #tpu.memory_space<hbm>>
      tpu.wait_indirect_dma semaphore(%arg10 : memref<!tpu.dma_semaphore, #tpu.memory_space<semaphore_mem>>) src(%dma_wait3A_242 : memref<10000x128xf32, #tpu.memory_space<hbm>>) dst(%arg8 : memref<128x128xf32, #tpu.memory_space<vmem>>)
      %dma_start3A_243 = arith.constant 1 : i32
      %dma_start3A_244 = arith.constant 6 : i32
      %dma_start3A_245 = arith.constant 0 : i32
      %dma_start3A_246 = tpu.memref_slice %arg7[%dma_start3A_243, %dma_start3A_244, %dma_start3A_245] : memref<2x8x128xi32, #tpu.memory_space<vmem>> -> memref<1x1x128xi32, #tpu.memory_space<vmem>>
      %dma_start3A_247 = tpu.memref_squeeze %dma_start3A_246 : memref<1x1x128xi32, #tpu.memory_space<vmem>> -> memref<128xi32, #tpu.memory_space<vmem>>
      %dma_start3A_248 = arith.constant 0 : i32
      %dma_start3A_249 = arith.constant 0 : i32
      %dma_start3A_250 = tpu.memref_slice %arg6[%dma_start3A_248, %dma_start3A_249] : memref<10112x128xf32, #tpu.memory_space<vmem_shared>> -> memref<10112x128xf32, #tpu.memory_space<vmem_shared>>
      tpu.enqueue_indirect_dma source(%arg8 : memref<128x128xf32, #tpu.memory_space<vmem>>) target(%dma_start3A_250 : memref<10112x128xf32, #tpu.memory_space<vmem_shared>>) offsets(%dma_start3A_247 : memref<128xi32, #tpu.memory_space<vmem>>) semaphore(%arg12 : memref<!tpu.dma_semaphore, #tpu.memory_space<semaphore_mem>>) {add = true}
      %dma_wait3A_251 = arith.constant 0 : i32
      %dma_wait3A_252 = arith.constant 7 : i32
      %dma_wait3A_253 = arith.constant 0 : i32
      %dma_wait3A_254 = tpu.memref_slice %arg7[%dma_wait3A_251, %dma_wait3A_252, %dma_wait3A_253] : memref<2x8x128xi32, #tpu.memory_space<vmem>> -> memref<1x1x128xi32, #tpu.memory_space<vmem>>
      %dma_wait3A_255 = tpu.memref_squeeze %dma_wait3A_254 : memref<1x1x128xi32, #tpu.memory_space<vmem>> -> memref<128xi32, #tpu.memory_space<vmem>>
      %dma_wait3A_256 = arith.constant 0 : i32
      %dma_wait3A_257 = arith.constant 0 : i32
      %dma_wait3A_258 = tpu.memref_slice %arg2[%dma_wait3A_256, %dma_wait3A_257] : memref<10000x128xf32, #tpu.memory_space<hbm>> -> memref<10000x128xf32, #tpu.memory_space<hbm>>
      tpu.wait_indirect_dma semaphore(%arg11 : memref<!tpu.dma_semaphore, #tpu.memory_space<semaphore_mem>>) src(%dma_wait3A_258 : memref<10000x128xf32, #tpu.memory_space<hbm>>) dst(%arg9 : memref<128x128xf32, #tpu.memory_space<vmem>>)
      %dma_start3A_259 = arith.constant 1 : i32
      %dma_start3A_260 = arith.constant 7 : i32
      %dma_start3A_261 = arith.constant 0 : i32
      %dma_start3A_262 = tpu.memref_slice %arg7[%dma_start3A_259, %dma_start3A_260, %dma_start3A_261] : memref<2x8x128xi32, #tpu.memory_space<vmem>> -> memref<1x1x128xi32, #tpu.memory_space<vmem>>
      %dma_start3A_263 = tpu.memref_squeeze %dma_start3A_262 : memref<1x1x128xi32, #tpu.memory_space<vmem>> -> memref<128xi32, #tpu.memory_space<vmem>>
      %dma_start3A_264 = arith.constant 0 : i32
      %dma_start3A_265 = arith.constant 0 : i32
      %dma_start3A_266 = tpu.memref_slice %arg6[%dma_start3A_264, %dma_start3A_265] : memref<10112x128xf32, #tpu.memory_space<vmem_shared>> -> memref<10112x128xf32, #tpu.memory_space<vmem_shared>>
      tpu.enqueue_indirect_dma source(%arg9 : memref<128x128xf32, #tpu.memory_space<vmem>>) target(%dma_start3A_266 : memref<10112x128xf32, #tpu.memory_space<vmem_shared>>) offsets(%dma_start3A_263 : memref<128xi32, #tpu.memory_space<vmem>>) semaphore(%arg13 : memref<!tpu.dma_semaphore, #tpu.memory_space<semaphore_mem>>) {add = true}
      %dma_wait3A_267 = arith.constant 1 : i32
      %dma_wait3A_268 = arith.constant 6 : i32
      %dma_wait3A_269 = arith.constant 0 : i32
      %dma_wait3A_270 = tpu.memref_slice %arg7[%dma_wait3A_267, %dma_wait3A_268, %dma_wait3A_269] : memref<2x8x128xi32, #tpu.memory_space<vmem>> -> memref<1x1x128xi32, #tpu.memory_space<vmem>>
      %dma_wait3A_271 = tpu.memref_squeeze %dma_wait3A_270 : memref<1x1x128xi32, #tpu.memory_space<vmem>> -> memref<128xi32, #tpu.memory_space<vmem>>
      %dma_wait3A_272 = arith.constant 0 : i32
      %dma_wait3A_273 = arith.constant 0 : i32
      %dma_wait3A_274 = tpu.memref_slice %arg6[%dma_wait3A_272, %dma_wait3A_273] : memref<10112x128xf32, #tpu.memory_space<vmem_shared>> -> memref<10112x128xf32, #tpu.memory_space<vmem_shared>>
      tpu.wait_indirect_dma semaphore(%arg12 : memref<!tpu.dma_semaphore, #tpu.memory_space<semaphore_mem>>) src(%arg8 : memref<128x128xf32, #tpu.memory_space<vmem>>) dst(%dma_wait3A_274 : memref<10112x128xf32, #tpu.memory_space<vmem_shared>>)
      %dma_wait3A_275 = arith.constant 1 : i32
      %dma_wait3A_276 = arith.constant 7 : i32
      %dma_wait3A_277 = arith.constant 0 : i32
      %dma_wait3A_278 = tpu.memref_slice %arg7[%dma_wait3A_275, %dma_wait3A_276, %dma_wait3A_277] : memref<2x8x128xi32, #tpu.memory_space<vmem>> -> memref<1x1x128xi32, #tpu.memory_space<vmem>>
      %dma_wait3A_279 = tpu.memref_squeeze %dma_wait3A_278 : memref<1x1x128xi32, #tpu.memory_space<vmem>> -> memref<128xi32, #tpu.memory_space<vmem>>
      %dma_wait3A_280 = arith.constant 0 : i32
      %dma_wait3A_281 = arith.constant 0 : i32
      %dma_wait3A_282 = tpu.memref_slice %arg6[%dma_wait3A_280, %dma_wait3A_281] : memref<10112x128xf32, #tpu.memory_space<vmem_shared>> -> memref<10112x128xf32, #tpu.memory_space<vmem_shared>>
      tpu.wait_indirect_dma semaphore(%arg13 : memref<!tpu.dma_semaphore, #tpu.memory_space<semaphore_mem>>) src(%arg9 : memref<128x128xf32, #tpu.memory_space<vmem>>) dst(%dma_wait3A_282 : memref<10112x128xf32, #tpu.memory_space<vmem_shared>>)
    }
    %scan3A_16 = arith.constant 10 : i32
    %barrier3A_17 = arith.constant 0 : index
    tpu.barrier barrier_id(%barrier3A_17)
    %mul3A_18 = arith.constant 10112 : i32
    %mul3A_19 = arith.muli %arg0, %mul3A_18 : i32
    %add3A_20 = arith.addi %mul3A_19, %mul3A_2 : i32
    "tpu.region"() ({
      %run_scoped3A = tpu.sem_alloc : memref<!tpu.dma_semaphore, #tpu.memory_space<semaphore_mem>>
      %dma_start3A = arith.constant 0 : i32
      %dma_start3A_21 = tpu.memref_slice %arg5[%add3A_20, %dma_start3A] : memref<20224x128xf32, #tpu.memory_space<hbm>> -> memref<632x128xf32, #tpu.memory_space<hbm>>
      %dma_start3A_22 = arith.constant 0 : i32
      %dma_start3A_23 = tpu.memref_slice %arg6[%mul3A_2, %dma_start3A_22] : memref<10112x128xf32, #tpu.memory_space<vmem_shared>> -> memref<632x128xf32, #tpu.memory_space<vmem_shared>>
      tpu.enqueue_dma source(%dma_start3A_23 : memref<632x128xf32, #tpu.memory_space<vmem_shared>>) target(%dma_start3A_21 : memref<632x128xf32, #tpu.memory_space<hbm>>) target_semaphore(%run_scoped3A : memref<!tpu.dma_semaphore, #tpu.memory_space<semaphore_mem>>)
      %dma_wait3A = arith.constant 0 : i32
      %dma_wait3A_24 = tpu.memref_slice %arg5[%add3A_20, %dma_wait3A] : memref<20224x128xf32, #tpu.memory_space<hbm>> -> memref<632x128xf32, #tpu.memory_space<hbm>>
      %dma_wait3A_25 = arith.constant 0 : i32
      %dma_wait3A_26 = tpu.memref_slice %arg6[%mul3A_2, %dma_wait3A_25] : memref<10112x128xf32, #tpu.memory_space<vmem_shared>> -> memref<632x128xf32, #tpu.memory_space<vmem_shared>>
      tpu.wait_dma2 semaphore(%run_scoped3A : memref<!tpu.dma_semaphore, #tpu.memory_space<semaphore_mem>>) src(%dma_wait3A_26 : memref<632x128xf32, #tpu.memory_space<vmem_shared>>) dst(%dma_wait3A_24 : memref<632x128xf32, #tpu.memory_space<hbm>>)
      tpu.yield
    }) : () -> ()
    return
  }
}

module attributes {stable_mosaic.version = 14 : i64} {
  func.func @body(%arg0: memref<20224x128xf32, #tpu.memory_space<vmem>>, %arg1: memref<32x10112xf32, #tpu.memory_space<vmem>>, %arg2: memref<32x1xf32, #tpu.memory_space<vmem>>, %arg3: memref<10000x128xf32, #tpu.memory_space<vmem>>, %arg4: memref<128x128xf32, #tpu.memory_space<vmem>>, %arg5: memref<1x128xf32, #tpu.memory_space<vmem>>, %arg6: memref<128x128xf32, #tpu.memory_space<vmem>>, %arg7: memref<10000x128xf32, #tpu.memory_space<vmem>>) attributes {dimension_semantics = [], scalar_prefetch = 0 : i64, scratch_operands = 0 : i64, tpu.core_type = #tpu.core_type<tc>} {
    %get3A = arith.constant 0 : index
    %get3A_0 = arith.constant 0 : index
    %get3A_1 = vector.load %arg0[%get3A, %get3A_0] : memref<20224x128xf32, #tpu.memory_space<vmem>>, vector<10000x128xf32>
    %get3A_2 = arith.constant 10112 : index
    %get3A_3 = arith.constant 0 : index
    %get3A_4 = vector.load %arg0[%get3A_2, %get3A_3] : memref<20224x128xf32, #tpu.memory_space<vmem>>, vector<10000x128xf32>
    %add3A = arith.addf %get3A_1, %get3A_4 : vector<10000x128xf32>
    %get3A_5 = arith.constant 0 : index
    %get3A_6 = arith.constant 0 : index
    %get3A_7 = vector.load %arg1[%get3A_5, %get3A_6] : memref<32x10112xf32, #tpu.memory_space<vmem>>, vector<32x10000xf32>
    %get3A_8 = arith.constant 0 : index
    %get3A_9 = arith.constant 0 : index
    %get3A_10 = vector.load %arg2[%get3A_8, %get3A_9] : memref<32x1xf32, #tpu.memory_space<vmem>>, vector<32x1xf32>
    %dot_general3A = arith.constant dense<0.000000e+00> : vector<10000x1xf32>
    %dot_general3A_11 = tpu.matmul %get3A_7, %get3A_10, %dot_general3A {dimension_numbers = #tpu.dot_dimension_numbers<[0], [0], [1], [1], [0, 1, 1, 1], [], []>, transpose_lhs_hint = false} : vector<32x10000xf32>, vector<32x1xf32>, vector<10000x1xf32> -> vector<10000x1xf32>
    %max3A = arith.constant 1.000000e+00 : f32
    %max3A_12 = vector.broadcast %max3A : f32 to vector<10000x1xf32>
    %max3A_13 = arith.maximumf %dot_general3A_11, %max3A_12 : vector<10000x1xf32>
    %div3A = vector.broadcast %max3A_13 : vector<10000x1xf32> to vector<10000x128xf32>
    %div3A_14 = arith.divf %add3A, %div3A : vector<10000x128xf32>
    %get3A_15 = arith.constant 0 : index
    %get3A_16 = arith.constant 0 : index
    %get3A_17 = vector.load %arg4[%get3A_15, %get3A_16] : memref<128x128xf32, #tpu.memory_space<vmem>>, vector<128x128xf32>
    %dot_general3A_18 = arith.constant dense<0.000000e+00> : vector<10000x128xf32>
    %dot_general3A_19 = tpu.matmul %div3A_14, %get3A_17, %dot_general3A_18 {dimension_numbers = #tpu.dot_dimension_numbers<[1], [1], [0], [0], [0, 0, 1, 0], [], []>, transpose_lhs_hint = false} : vector<10000x128xf32>, vector<128x128xf32>, vector<10000x128xf32> -> vector<10000x128xf32>
    %get3A_20 = arith.constant 0 : index
    %get3A_21 = arith.constant 0 : index
    %get3A_22 = vector.load %arg5[%get3A_20, %get3A_21] : memref<1x128xf32, #tpu.memory_space<vmem>>, vector<1x128xf32>
    %add3A_23 = vector.broadcast %get3A_22 : vector<1x128xf32> to vector<10000x128xf32>
    %add3A_24 = arith.addf %dot_general3A_19, %add3A_23 : vector<10000x128xf32>
    %get3A_25 = arith.constant 0 : index
    %get3A_26 = arith.constant 0 : index
    %get3A_27 = vector.load %arg3[%get3A_25, %get3A_26] : memref<10000x128xf32, #tpu.memory_space<vmem>>, vector<10000x128xf32>
    %get3A_28 = arith.constant 0 : index
    %get3A_29 = arith.constant 0 : index
    %get3A_30 = vector.load %arg6[%get3A_28, %get3A_29] : memref<128x128xf32, #tpu.memory_space<vmem>>, vector<128x128xf32>
    %dot_general3A_31 = arith.constant dense<0.000000e+00> : vector<10000x128xf32>
    %dot_general3A_32 = tpu.matmul %get3A_27, %get3A_30, %dot_general3A_31 {dimension_numbers = #tpu.dot_dimension_numbers<[1], [1], [0], [0], [0, 0, 1, 0], [], []>, transpose_lhs_hint = false} : vector<10000x128xf32>, vector<128x128xf32>, vector<10000x128xf32> -> vector<10000x128xf32>
    %add3A_33 = arith.addf %add3A_24, %dot_general3A_32 : vector<10000x128xf32>
    %max3A_34 = arith.constant 0.000000e+00 : f32
    %max3A_35 = vector.broadcast %max3A_34 : f32 to vector<10000x128xf32>
    %max3A_36 = arith.maximumf %add3A_33, %max3A_35 : vector<10000x128xf32>
    %swap3A = arith.constant 0 : index
    %swap3A_37 = arith.constant 0 : index
    %swap3A_38 = vector.load %arg7[%swap3A, %swap3A_37] : memref<10000x128xf32, #tpu.memory_space<vmem>>, vector<10000x128xf32>
    tpu.vector_store %arg7[%swap3A, %swap3A_37], %max3A_36 {strides = array<i32>} : memref<10000x128xf32, #tpu.memory_space<vmem>>, vector<10000x128xf32>,
    return
  }
}

module attributes {stable_mosaic.version = 14 : i64} {
  func.func @body(%arg0: memref<20224x128xf32, #tpu.memory_space<vmem>>, %arg1: memref<32x10112xf32, #tpu.memory_space<vmem>>, %arg2: memref<32x1xf32, #tpu.memory_space<vmem>>, %arg3: memref<10000x128xf32, #tpu.memory_space<vmem>>, %arg4: memref<128x128xf32, #tpu.memory_space<vmem>>, %arg5: memref<1x128xf32, #tpu.memory_space<vmem>>, %arg6: memref<128x128xf32, #tpu.memory_space<vmem>>, %arg7: memref<10000x128xf32, #tpu.memory_space<vmem>>) attributes {dimension_semantics = [], scalar_prefetch = 0 : i64, scratch_operands = 0 : i64, tpu.core_type = #tpu.core_type<tc>} {
    %get3A = arith.constant 0 : index
    %get3A_0 = arith.constant 0 : index
    %get3A_1 = vector.load %arg0[%get3A, %get3A_0] : memref<20224x128xf32, #tpu.memory_space<vmem>>, vector<10000x128xf32>
    %get3A_2 = arith.constant 10112 : index
    %get3A_3 = arith.constant 0 : index
    %get3A_4 = vector.load %arg0[%get3A_2, %get3A_3] : memref<20224x128xf32, #tpu.memory_space<vmem>>, vector<10000x128xf32>
    %add3A = arith.addf %get3A_1, %get3A_4 : vector<10000x128xf32>
    %get3A_5 = arith.constant 0 : index
    %get3A_6 = arith.constant 0 : index
    %get3A_7 = vector.load %arg1[%get3A_5, %get3A_6] : memref<32x10112xf32, #tpu.memory_space<vmem>>, vector<32x10000xf32>
    %get3A_8 = arith.constant 0 : index
    %get3A_9 = arith.constant 0 : index
    %get3A_10 = vector.load %arg2[%get3A_8, %get3A_9] : memref<32x1xf32, #tpu.memory_space<vmem>>, vector<32x1xf32>
    %dot_general3A = arith.constant dense<0.000000e+00> : vector<10000x1xf32>
    %dot_general3A_11 = tpu.matmul %get3A_7, %get3A_10, %dot_general3A {dimension_numbers = #tpu.dot_dimension_numbers<[0], [0], [1], [1], [0, 1, 1, 1], [], []>, transpose_lhs_hint = false} : vector<32x10000xf32>, vector<32x1xf32>, vector<10000x1xf32> -> vector<10000x1xf32>
    %max3A = arith.constant 1.000000e+00 : f32
    %max3A_12 = vector.broadcast %max3A : f32 to vector<10000x1xf32>
    %max3A_13 = arith.maximumf %dot_general3A_11, %max3A_12 : vector<10000x1xf32>
    %div3A = vector.broadcast %max3A_13 : vector<10000x1xf32> to vector<10000x128xf32>
    %div3A_14 = arith.divf %add3A, %div3A : vector<10000x128xf32>
    %get3A_15 = arith.constant 0 : index
    %get3A_16 = arith.constant 0 : index
    %get3A_17 = vector.load %arg4[%get3A_15, %get3A_16] : memref<128x128xf32, #tpu.memory_space<vmem>>, vector<128x128xf32>
    %dot_general3A_18 = arith.constant dense<0.000000e+00> : vector<10000x128xf32>
    %dot_general3A_19 = tpu.matmul %div3A_14, %get3A_17, %dot_general3A_18 {dimension_numbers = #tpu.dot_dimension_numbers<[1], [1], [0], [0], [0, 0, 1, 0], [], []>, transpose_lhs_hint = false} : vector<10000x128xf32>, vector<128x128xf32>, vector<10000x128xf32> -> vector<10000x128xf32>
    %get3A_20 = arith.constant 0 : index
    %get3A_21 = arith.constant 0 : index
    %get3A_22 = vector.load %arg5[%get3A_20, %get3A_21] : memref<1x128xf32, #tpu.memory_space<vmem>>, vector<1x128xf32>
    %add3A_23 = vector.broadcast %get3A_22 : vector<1x128xf32> to vector<10000x128xf32>
    %add3A_24 = arith.addf %dot_general3A_19, %add3A_23 : vector<10000x128xf32>
    %get3A_25 = arith.constant 0 : index
    %get3A_26 = arith.constant 0 : index
    %get3A_27 = vector.load %arg3[%get3A_25, %get3A_26] : memref<10000x128xf32, #tpu.memory_space<vmem>>, vector<10000x128xf32>
    %get3A_28 = arith.constant 0 : index
    %get3A_29 = arith.constant 0 : index
    %get3A_30 = vector.load %arg6[%get3A_28, %get3A_29] : memref<128x128xf32, #tpu.memory_space<vmem>>, vector<128x128xf32>
    %dot_general3A_31 = arith.constant dense<0.000000e+00> : vector<10000x128xf32>
    %dot_general3A_32 = tpu.matmul %get3A_27, %get3A_30, %dot_general3A_31 {dimension_numbers = #tpu.dot_dimension_numbers<[1], [1], [0], [0], [0, 0, 1, 0], [], []>, transpose_lhs_hint = false} : vector<10000x128xf32>, vector<128x128xf32>, vector<10000x128xf32> -> vector<10000x128xf32>
    %add3A_33 = arith.addf %add3A_24, %dot_general3A_32 : vector<10000x128xf32>
    %swap3A = arith.constant 0 : index
    %swap3A_34 = arith.constant 0 : index
    %swap3A_35 = vector.load %arg7[%swap3A, %swap3A_34] : memref<10000x128xf32, #tpu.memory_space<vmem>>, vector<10000x128xf32>
    tpu.vector_store %arg7[%swap3A, %swap3A_34], %add3A_33 {strides = array<i32>} : memref<10000x128xf32, #tpu.memory_space<vmem>>, vector<10000x128xf32>,
    return
  }
}

</mosaic_0001>

<sc_bundles>
// kernel: kernel.10.cloned.1.call-start
scs
__scs_entry_jumppad:
0x0: {  	(pc) =	sbr.rel $0x88, $3  }
0x1: {  	(tag) =	ssettag $0x0;
	lr =	simm.s32 $0x1  }
0x2: {  	[smem:$0x3F99] =	sst lr;
	_ =	strace $0xD0000000  }
0x3: {  	_ = 	snop  }
0x4: {  	_ = 	snop  }
0x5: {  	_ = 	snop  }
0x6: {  	_ = 	snop  }
0x7: {  	_ = 	snop  }
__scs_overlays_trampoline_lowered:
0x8: {  	[smem:$0x3FA8] =	sst s0  }
0x9: {  	[smem:$0x3FA9] =	sst s1  }
0xa: {  	[smem:$0x3FAA] =	sst s2  }
0xb: {  	[smem:$0x3FAB] =	sst s3  }
0xc: {  	[smem:$0x3FAC] =	sst s4  }
0xd: {  	[smem:$0x3FAD] =	sst s5  }
0xe: {  	[smem:$0x3FAE] =	sst s6  }
0xf: {  	[smem:$0x3FAF] =	sst s7  }
0x10: {  	[smem:$0x3FB0] =	sst s8  }
0x11: {  	[smem:$0x3FB1] =	sst s9;
	s0 =	simm.s32 @!p0 $0x0  }
0x12: {  	s1 =	sld [smem:$0x3F97];
	s0 =	simm.s32 @p0 $0x1  }
0x13: {  	[smem:$0x3FB2] =	sst s0;
	s0 =	simm.s32 @!p1 $0x0  }
0x14: {  	s2 =	sld [smem:$0x3F96];
	s0 =	simm.s32 @p1 $0x1  }
0x15: {  	[smem:$0x3FB3] =	sst s0;
	s0 =	simm.s32 @!p2 $0x0  }
0x16: {  	s3 =	sld [smem:$0x3FDB];
	s0 =	simm.s32 @p2 $0x1  }
0x17: {  	s4 =	simm.s32 $0x1BF5;
	[smem:$0x3FB5] =	sst s0  }
0x18: {  	s0 =	sld [smem:$0x3F98];
	_ =	swait.ge [sflag:s4], $0x0  }
0x19: {  	s7 =	sld [smem:$0x3F99]  }
0x1a: {  	s8 =	sadd.s32 $0xFFFFE003, lr  }
0x1b: {  	s9 =	sadd.s32 $0xFFFFFEF7, lr;
	s5 =	simm.s32 $0xFFFFFFFF;
	p2 =	slt.u32 s8, $0xFFFFF086  }
0x1c: {  	p1 =	slt.u32 s9, $0xF7A;
	s5 =	simm.s32 @!p2 $0x0  }
0x1d: {  	s5 =	simm.s32 @p1 $0x1;
	p0 =	seq.s32 s7, s2  }
0x1e: {  	s7 =	smul.u32 @!p0 $0xF7A, s2;
	p2 =	seq.s32 @!p0 s5, $0x0  }
0x1f: {  	s9 =	smul.u32 $0xF7A, s1;
	s8 =	simm.s32 @!p0 $0x1BF5;
	p2 =	por !p2, p0  }
0x20: {  	[sflag:s8] =	ssyncset.s32 @!p0 $0xFFFFF086;
	s6 =	sadd.s32 @!p0 s3, s7;
	s7 =	simm.s32 @!p0 $0x108  }
0x21: {  	s3 =	sadd.s32 s3, s9;
	s6 =	sadd.s32 @!p0 $0x88, s6;
	s7 =	simm.s32 @p2 $0x1082  }
0x22: {  	[simem:s7], [sflag:s8] =	dma.local @!p0 [hbm:s6], $0xF7A  }
0x23: {  	s9 =	sor.u32 $0xD0000000, s2;
	s6 =	simm.s32 $0x108;
	_ =	swait.ge @!p0 [sflag:s8], $0x0  }
0x24: {  	s3 =	sadd.s32 $0x88, s3;
	s6 =	simm.s32 @!p1 $0x1082;
	[sflag:s4] =	ssyncset.s32 $0xFFFFF086  }
0x25: {  	[simem:s6], [sflag:s4] =	dma.local [hbm:s3], $0xF7A  }
0x26: {  	[smem:$0x3F99] =	sst s1;
	(tag) =	ssettag s2;
	_ =	strace s9  }
0x27: {  	s1 =	sld [smem:$0x3FA9]  }
0x28: {  	s2 =	sld [smem:$0x3FAA]  }
0x29: {  	s4 =	sld [smem:$0x3FAC]  }
0x2a: {  	p0 =	seq.s32 s5, $0x0;
	s5 =	sld [smem:$0x3FAD]  }
0x2b: {  	s6 =	sld [smem:$0x3FAE]  }
0x2c: {  	s7 =	sld [smem:$0x3FAF]  }
0x2d: {  	s3 =	simm.s32 $0x108;
	s8 =	sld [smem:$0x3FB0]  }
0x2e: {  	s3 =	simm.s32 @!p0 $0x1082;
	s9 =	sld [smem:$0x3FB1]  }
0x2f: {  	lr =	sadd.s32 s0, s3;
	s0 =	sld [smem:$0x3FA8]  }
0x30: {  	s3 =	sld [smem:$0x3FAB]  }
0x31: {  	[smem:$0x3FB4] =	sst s10  }
0x32: {  	s10 =	sld [smem:$0x3FB2];
	_ =	sdelay $0x3  }
0x33: {  	p0 =	seq.s32 s10, $0x1;
	s10 =	sld [smem:$0x3FB4];
	_ =	sdelay $0x3  }
0x34: {  	[smem:$0x3FB4] =	sst s10  }
0x35: {  	s10 =	sld [smem:$0x3FB3];
	_ =	sdelay $0x3  }
0x36: {  	p1 =	seq.s32 s10, $0x1;
	s10 =	sld [smem:$0x3FB4];
	_ =	sdelay $0x3  }
0x37: {  	[smem:$0x3FB4] =	sst s10  }
0x38: {  	s10 =	sld [smem:$0x3FB5]  }
0x39: {  	_ = 	snop;
	(pc) =	sbr.ind lr, $3  }
0x3a: {  	_ = 	snop  }
0x3b: {  	_ = 	snop  }
0x3c: {  	p2 =	seq.s32 s10, $0x1;
	s10 =	sld [smem:$0x3FB4]  }
0x3d: {  	_ =	shalt  }
0x3e: {  	_ =	shalt  }
0x3f: {  	_ =	shalt  }
0x40: {  	_ =	shalt  }
0x41: {  	_ =	shalt  }
0x42: {  	_ =	shalt  }
0x43: {  	_ =	shalt  }
0x44: {  	_ =	shalt  }
0x45: {  	_ =	shalt  }
0x46: {  	_ =	shalt  }
0x47: {  	_ =	shalt  }
0x48: {  	_ =	shalt  }
0x49: {  	_ =	shalt  }
0x4a: {  	_ =	shalt  }
0x4b: {  	_ =	shalt  }
0x4c: {  	_ =	shalt  }
0x4d: {  	_ =	shalt  }
0x4e: {  	_ =	shalt  }
0x4f: {  	_ =	shalt  }
0x50: {  	_ =	shalt  }
0x51: {  	_ =	shalt  }
0x52: {  	_ =	shalt  }
0x53: {  	_ =	shalt  }
0x54: {  	_ =	shalt  }
0x55: {  	_ =	shalt  }
0x56: {  	_ =	shalt  }
0x57: {  	_ =	shalt  }
0x58: {  	_ =	shalt  }
0x59: {  	_ =	shalt  }
0x5a: {  	_ =	shalt  }
0x5b: {  	_ =	shalt  }
0x5c: {  	_ =	shalt  }
0x5d: {  	_ =	shalt  }
0x5e: {  	_ =	shalt  }
0x5f: {  	_ =	shalt  }
0x60: {  	_ =	shalt  }
0x61: {  	_ =	shalt  }
0x62: {  	_ =	shalt  }
0x63: {  	_ =	shalt  }
0x64: {  	_ =	shalt  }
0x65: {  	_ =	shalt  }
0x66: {  	_ =	shalt  }
0x67: {  	_ =	shalt  }
0x68: {  	_ =	shalt  }
0x69: {  	_ =	shalt  }
0x6a: {  	_ =	shalt  }
0x6b: {  	_ =	shalt  }
0x6c: {  	_ =	shalt  }
0x6d: {  	_ =	shalt  }
0x6e: {  	_ =	shalt  }
0x6f: {  	_ =	shalt  }
0x70: {  	_ =	shalt  }
0x71: {  	_ =	shalt  }
0x72: {  	_ =	shalt  }
0x73: {  	_ =	shalt  }
0x74: {  	_ =	shalt  }
0x75: {  	_ =	shalt  }
0x76: {  	_ =	shalt  }
0x77: {  	_ =	shalt  }
0x78: {  	_ =	shalt  }
0x79: {  	_ =	shalt  }
0x7a: {  	_ =	shalt  }
0x7b: {  	_ =	shalt  }
0x7c: {  	_ =	shalt  }
0x7d: {  	_ =	shalt  }
0x7e: {  	_ =	shalt  }
0x7f: {  	_ =	shalt  }
0x80: {  	_ =	shalt  }
0x81: {  	_ =	shalt  }
0x82: {  	_ =	shalt  }
0x83: {  	_ =	shalt  }
0x84: {  	_ =	shalt  }
0x85: {  	_ =	shalt  }
0x86: {  	_ =	shalt  }
0x87: {  	_ =	shalt  }
.Lfunc_end0:
.L_simem_size_0:
called_computation.1_lowered:
.L_overlay_start_0:
0x88: {  	s2 =	sld [smem:$0x3FD9]  }
0x89: {  	s3 =	sld [smem:$0x3FFE];
	_ =	sdelay $0x1  }
0x8a: {  	s1 =	srdreg.scid  }
0x8b: {  	s0 =	sand.u32 $0x1, s1  }
0x8c: {  	s17 =	sshll.u32 s0, $0xA;
	s2 =	sadd.s32 s3, s2  }
0x8d: {  	s2 =	sadd.s32 s2, s17  }
0x8e: {  	[smem:$0x3FC0] =	sst s2  }
0x8f: {  	_ = 	snop  }
0x90: {  	s18 =	sld [smem:$0x3FC9];
	(tm) =	ssettm $0x1  }
0x91: {  	s19 =	sld [smem:$0x3FFB];
	_ =	sdelay $0x3  }
0x92: {  	_ =	strace s19  }
0x93: {  	s2 =	sld [smem:$0x3FFC];
	_ =	sdelay $0x3  }
0x94: {  	_ =	strace s2  }
0x95: {  	s2 =	sld [smem:$0x3FFD];
	_ =	sdelay $0x3  }
0x96: {  	_ =	strace s2  }
0x97: {  	_ =	strace $0x8FFFFFFF  }
0x98: {  	s20 =	sld [smem:$0x3FDB];
	_ =	sdelay $0x1  }
0x99: {  	s4 =	simm.s32 $_scs_section_size  }
0x9a: {  	s5 =	simm.s32 $_size__tile_overlayer_lowered;
	s6 =	simm.s32 $_tile_overlayer_lowered  }
0x9b: {  	s7 =	simm.s32 $0x1BFF;
	s21 =	sshll.u32 s6, $0x1;
	s4 =	sadd.s32 s4, s20  }
0x9c: {  	s22 =	simm.s32 $0x0;
	s5 =	sshll.u32 s5, $0x1;
	s6 =	sadd.s32 s21, s4  }
0x9d: {  	[timem:s22], [sflag:s7] =	dma.local [hbm:s6], s5  }
0x9e: {  	_ =	swait.ge [sflag:s7], s5  }
0x9f: {  	s5 =	ssub.s32 $0x0, s5;
	[sflag:s7] =	ssyncset.done $0x0  }
0xa0: {  	[sflag:s7] =	ssyncadd.s32 s5;
	_ =	sdelay $0x1  }
0xa1: {  	s23 =	simm.s32 $0x1B8B  }
0xa2: {  	_ =	swait.ge [sflag:s23], $0x1  }
0xa3: {  	[sflag:s23] =	ssyncset.done $0x0  }
0xa4: {  	[sflag:s23] =	ssyncadd.s32 $0xFFFFFFFF  }
0xa5: {  	s5 =	sld [smem:$0x0]  }
0xa6: {  	s6 =	sand.u32 $0xFFFFFFFE, s1  }
0xa7: {  	p0 =	sne.s32 s1, s6  }
0xa8: {  	s6 =	sshll.u32 @p0 s6, $0xE  }
0xa9: {  	s6 =	sadd.s32 @p0 $0x11B8D, s6;
	s7 =	sshll.u32 @p0 s5, $0x11  }
0xaa: {  	s6 =	sor.u32 @p0 s7, s6  }
0xab: {  	[sflag:s6] =	ssyncadd.remote.s32 @p0 $0x1;
	_ =	sdelay $0x1  }
0xac: {  	s6 =	simm.s32 @p0 $0x1B8D  }
0xad: {  	_ =	swait.eq @p0 [sflag:s6], $0x1  }
0xae: {  	[sflag:s6] =	ssyncadd.s32 @p0 $0xFFFFFFFF  }
0xaf: {  	s7 =	sshll.u32 @!p0 s1, $0xE  }
0xb0: {  	s7 =	sor.u32 @!p0 $0x4000, s7;
	s6 =	simm.s32 @!p0 $0x1B8D  }
0xb1: {  	s5 =	sshll.u32 @!p0 s5, $0x11;
	s7 =	sadd.s32 @!p0 $0x11B8D, s7;
	_ =	swait.eq @!p0 [sflag:s6], $0x1  }
0xb2: {  	s5 =	sor.u32 @!p0 s5, s7;
	[sflag:s6] =	ssyncadd.s32 @!p0 $0xFFFFFFFF  }
0xb3: {  	s25 =	simm.s32 $0x1B8E;
	s24 =	sld [smem:$0x3FFE];
	[sflag:s5] =	ssyncadd.remote.s32 @!p0 $0x1  }
0xb4: {  	s26 =	simm.s32 $execute0_lowered;
	[smem:$0x3FD2] =	sst s25  }
0xb5: {  	s6 =	sshll.u32 s26, $0x1;
	_ =	strace $0x80000049;
	[dreg:$0x1] =	wrdreg $0xFFFFFFFF  }
0xb6: {  	s28 =	simm.s32 $_size_execute0_lowered;
	s4 =	sadd.s32 s4, s6;
	[dreg:$0x0] =	wrdreg $0x0  }
0xb7: {  	s6 =	sshll.u32 s28, $0x1;
	[dreg:$0x2] =	wrdreg s4  }
0xb8: {  	[dreg:$0x3] =	wrdreg s6  }
0xb9: {  	[dreg:$0x4] =	wrdreg $0xC0  }
0xba: {  	_ =	task [dreg:s22], $0x5FFFF  }
0xbb: {  	[dreg:$0x1] =	wrdreg $0xFFFFFFFF  }
0xbc: {  	[dreg:$0x0] =	wrdreg $0x60  }
0xbd: {  	[dreg:$0x2] =	wrdreg s18  }
0xbe: {  	[dreg:$0x3] =	wrdreg s24  }
0xbf: {  	[dreg:$0x4] =	wrdreg $0x0  }
0xc0: {  	[dreg:$0x5] =	wrdreg $0xA  }
0xc1: {  	_ =	task.clear_ibuf [dreg:s22], $0x6FFFF;
	_ =	strace $0x90000049  }
0xc2: {  	s29 =	simm.s32 $0xA;
	_ =	strace $0x8000004B  }
0xc3: {  	_ =	swait.ge [sflag:s29], $0x1  }
0xc4: {  	[sflag:s29] =	ssyncadd.s32 $0xFFFFFFFF  }
0xc5: {  	_ =	strace $0x9000004B  }
0xc6: {  	_ =	sfence  }
0xc7: {  	s30 =	sld [smem:$0x0];
	_ =	sdelay $0x2  }
0xc8: {  	s31 =	sshll.u32 s1, $0xD;
	s1 =	sshrl.u32 s1, $0x2  }
0xc9: {  	s4 =	sand.u32 $0x4000, s31;
	s1 =	sadd.s32 s1, s30  }
0xca: {  	s0 =	sor.u32 s4, s0;
	s1 =	sshll.u32 s1, $0x11  }
0xcb: {  	s0 =	sor.u32 s1, s0  }
0xcc: {  	s0 =	sadd.s32 $0x8F2B, s0  }
0xcd: {  	[sflag:s0] =	ssyncadd.remote.s32 $0x1  }
0xce: {  	_ =	sfence.sel $0xFFFF  }
0xcf: {  	[dreg:$0x0] =	wrdreg $0xFFFFFFFF;
	(pc) =	sbr.abs _section_cstart, $3  }
0xd0: {  	[dreg:$0x1] =	wrdreg $0xFFFFFFFF  }
0xd1: {  	_ =	task.clear_ibuf [dreg:s22], $0x2FFFF;
	_ =	strace $0x9FFFFFFF  }
0xd2: {  	(tm) =	ssettm $0x7FFFFFFF  }
0xd3: {  	_ =	shalt  }
tec
execute0_lowered:
.L_overlay_start_1:
0x0: {  	(tag) =	ssettag $0x1  }
0x1: {  	s0 =	rddreg [dreg:$0x0]  }
0x2: {  	s1 =	srdreg.scid;
	s2 =	rddreg [dreg:$0x1]  }
0x3: {  	s9 =	stileid.u32;
	s3 =	rddreg [dreg:$0x2]  }
0x4: {  	s4 =	simm.s32 $0x0;
	s13 =	simm.s32 $0x14400;
	s14 =	simm.s32 $0x5  }
0x5: {  	s15 =	simm.s32 $0x13C00;
	s16 =	simm.s32 $0x80;
	s17 =	simm.s32 $0x13C80  }
0x6: {  	s18 =	simm.s32 $0x18400;
	s19 =	simm.s32 $0x1;
	s6 =	smul.u32 $0x2780, s9  }
0x7: {  	s20 =	simm.s32 $0x14000;
	s28 =	simm.s32 $0x14100;
	s8 =	smul.u32 $0x4F000, s9  }
0x8: {  	s29 =	simm.s32 $0x14180;
	s1 =	sand.u32 $0x1, s1;
	s9 =	smul.u32 $0xA00, s9  }
0x9: {  	s30 =	simm.s32 $0x13E00;
	s31 =	simm.s32 $0x13E80;
	s5 =	smul.u32 $0xA000, s1  }
0xa: {  	[smem:$0x7FF] =	sst s4;
	s10 =	sadd.s32 $0x20200, s2;
	s7 =	smul.u32 $0x27800, s1  }
0xb: {  	_ =	strace $0x8000004A;
	[dreg:$0x5] =	wrdreg s10;
	s1 =	ssub.s32 $0x2, s1  }
0xc: {  	s10 =	simm.s32 $0x0;
	s21 =	sshrl.u32 s8, $0x2;
	s22 =	sshrl.u32 s1, $0x1  }
0xd: {  	s8 =	simm.s32 $0x14300;
	s5 =	sadd.s32 s5, s2;
	s7 =	sadd.s32 s6, s7  }
0xe: {  	s12 =	sadd.s32 s21, s3;
	s1 =	ssub.s32 s1, s22;
	s21 =	simm.s32 $0x2  }
0xf: {  	s22 =	simm.s32 $0x14080;
	s6 =	sadd.s32 $0x4000, s12;
	[dreg:$0x6] =	wrdreg s12  }
0x10: {  	s2 =	sadd.s32 s7, s2;
	s23 =	sadd.s32 $0x8000, s12;
	[dreg:$0x7] =	wrdreg s6  }
0x11: {  	s24 =	sadd.s32 $0xC000, s12;
	s5 =	sadd.s32 s9, s5;
	[dreg:$0x8] =	wrdreg s23  }
0x12: {  	s25 =	sadd.s32 $0x10000, s12;
	s1 =	smax.u32 s1, $0x1;
	[dreg:$0x9] =	wrdreg s24  }
0x13: {  	s7 =	simm.s32 $0x13F80;
	s9 =	simm.s32 $0x14380;
	[dreg:$0xa] =	wrdreg s25  }
0x14: {  	s2 =	sadd.s32 $0x20A00, s2;
	s26 =	sadd.s32 $0xC200, s5;
	[dreg:$0xc] =	wrdreg s1  }
0x15: {  	s23 =	simm.s32 $0x3;
	s24 =	simm.s32 $0x4;
	s25 =	simm.s32 $0x13D00  }
0x16: {  	s1 =	simm.s32 $0x14280;
	s5 =	simm.s32 $0x13F00;
	[dreg:$0xb] =	wrdreg s2  }
0x17: {  	[dreg:$0x4] =	wrdreg s26;
	s26 =	simm.s32 $0x13D80;
	s2 =	simm.s32 $0x14200  }
.LBB2_1:
0x18: {  	[dreg:$0xd] =	wrdreg s10  }
0x19: {  	s6 =	rddreg [dreg:$0x5]  }
0x1a: {  	[tilespmem:s13], [sflag:$0x5] =	stream.linear.gather [hbm4b:s6+s4], $0x4000, $0x38;
	[tilespmem:$0x1C400] =	vst v63  }
0x1b: {  	_ =	swait.ge [sflag:s14], $0x4000  }
0x1c: {  	[sflag:s14] =	ssyncset.done $0x0  }
0x1d: {  	[sflag:s14] =	ssyncadd.s32 $0xFFFFC000  }
0x1e: {  	[spmem:s12] =	stream.linear.scatter [tilespmem:s13], [sflag:$0x5], $0x4000, $0x38;
	[tilespmem:$0x1C400] =	vst v63  }
0x1f: {  	_ =	swait.ge [sflag:s14], $0x4000  }
0x20: {  	[sflag:s14] =	ssyncset.done $0x0  }
0x21: {  	s12 =	rddreg [dreg:$0x7];
	[sflag:s14] =	ssyncadd.s32 $0xFFFFC000  }
0x22: {  	[spmem:s12] =	stream.linear.scatter [tilespmem:s13], [sflag:$0x5], $0x4000, $0x38;
	[tilespmem:$0x1C400] =	vst v63  }
0x23: {  	_ =	swait.ge [sflag:s14], $0x4000  }
0x24: {  	[sflag:s14] =	ssyncset.done $0x0  }
0x25: {  	s10 =	rddreg [dreg:$0x8];
	[sflag:s14] =	ssyncadd.s32 $0xFFFFC000  }
0x26: {  	[spmem:s10] =	stream.linear.scatter [tilespmem:s13], [sflag:$0x5], $0x4000, $0x38;
	[tilespmem:$0x1C400] =	vst v63  }
0x27: {  	_ =	swait.ge [sflag:s14], $0x4000  }
0x28: {  	[sflag:s14] =	ssyncset.done $0x0  }
0x29: {  	s11 =	rddreg [dreg:$0x9];
	[sflag:s14] =	ssyncadd.s32 $0xFFFFC000  }
0x2a: {  	[spmem:s11] =	stream.linear.scatter [tilespmem:s13], [sflag:$0x5], $0x4000, $0x38;
	[tilespmem:$0x1C400] =	vst v63  }
0x2b: {  	_ =	swait.ge [sflag:s14], $0x4000  }
0x2c: {  	[sflag:s14] =	ssyncset.done $0x0  }
0x2d: {  	s12 =	rddreg [dreg:$0xa];
	[sflag:s14] =	ssyncadd.s32 $0xFFFFC000  }
0x2e: {  	[spmem:s12] =	stream.linear.scatter [tilespmem:s13], [sflag:$0x5], $0x3C00, $0x38;
	[tilespmem:$0x1C400] =	vst v63  }
0x2f: {  	_ =	swait.ge [sflag:s14], $0x3C00  }
0x30: {  	[sflag:s14] =	ssyncset.done $0x0  }
0x31: {  	[sflag:s14] =	ssyncadd.s32 $0xFFFFC400  }
0x32: {  	[bflag:$0x0] =	sbarrier.arrive $0xFFFF  }
0x33: {  	s11 =	rddreg [dreg:$0x4]  }
0x34: {  	s11 =	sadd.s32 $0x0, s11  }
0x35: {  	[tilespmem:s15], [sflag:$0x5] =	stream.linear.gather [hbm4b:s11+s4], $0x800, $0x38;
	[tilespmem:$0x1C400] =	vst v63  }
0x36: {  	_ =	swait.ge [sflag:s14], $0x800  }
0x37: {  	[sflag:s14] =	ssyncset.done $0x0  }
0x38: {  	[sflag:s14] =	ssyncadd.s32 $0xFFFFF800  }
0x39: {  	[tilespmem:s13], [sflag:$0x1] =	stream.indirect.gather [hbm4b:s0+s16], $0x80, s15, s16, $0xb8;
	[tilespmem:$0x1C400] =	vst v63  }
0x3a: {  	_ = 	snop  }
0x3b: {  	[tilespmem:s18], [sflag:$0x2] =	stream.indirect.gather [hbm4b:s0+s16], $0x80, s17, s16, $0xb8;
	[tilespmem:$0x1C400] =	vst v63  }
0x3c: {  	_ =	swait.ge [sflag:s19], $0x4000  }
0x3d: {  	[sflag:s19] =	ssyncset.done $0x0  }
0x3e: {  	[sflag:s19] =	ssyncadd.s32 $0xFFFFC000  }
0x3f: {  	[spmem:s3] =	stream.indirect.scatter.add.f32 [tilespmem:s13], [sflag:$0x3], $0x80, s20, s16, $0xb8;
	[tilespmem:$0x1C400] =	vst v63  }
0x40: {  	_ =	swait.ge [sflag:s21], $0x4000  }
0x41: {  	[sflag:s21] =	ssyncset.done $0x0  }
0x42: {  	[sflag:s21] =	ssyncadd.s32 $0xFFFFC000  }
0x43: {  	[spmem:s3] =	stream.indirect.scatter.add.f32 [tilespmem:s18], [sflag:$0x4], $0x80, s22, s16, $0xb8;
	[tilespmem:$0x1C400] =	vst v63  }
0x44: {  	_ =	swait.ge [sflag:s23], $0x4000  }
0x45: {  	[sflag:s23] =	ssyncset.done $0x0  }
0x46: {  	[sflag:s23] =	ssyncadd.s32 $0xFFFFC000  }
0x47: {  	_ =	swait.ge [sflag:s24], $0x4000  }
0x48: {  	[sflag:s24] =	ssyncset.done $0x0  }
0x49: {  	[sflag:s24] =	ssyncadd.s32 $0xFFFFC000  }
0x4a: {  	[tilespmem:s13], [sflag:$0x1] =	stream.indirect.gather [hbm4b:s0+s16], $0x80, s25, s16, $0xb8;
	[tilespmem:$0x1C400] =	vst v63  }
0x4b: {  	_ = 	snop  }
0x4c: {  	[tilespmem:s18], [sflag:$0x2] =	stream.indirect.gather [hbm4b:s0+s16], $0x80, s26, s16, $0xb8;
	[tilespmem:$0x1C400] =	vst v63  }
0x4d: {  	_ =	swait.ge [sflag:s19], $0x4000  }
0x4e: {  	[sflag:s19] =	ssyncset.done $0x0  }
0x4f: {  	[sflag:s19] =	ssyncadd.s32 $0xFFFFC000  }
0x50: {  	[spmem:s3] =	stream.indirect.scatter.add.f32 [tilespmem:s13], [sflag:$0x3], $0x80, s28, s16, $0xb8;
	[tilespmem:$0x1C400] =	vst v63  }
0x51: {  	_ =	swait.ge [sflag:s21], $0x4000  }
0x52: {  	[sflag:s21] =	ssyncset.done $0x0  }
0x53: {  	[sflag:s21] =	ssyncadd.s32 $0xFFFFC000  }
0x54: {  	[spmem:s3] =	stream.indirect.scatter.add.f32 [tilespmem:s18], [sflag:$0x4], $0x80, s29, s16, $0xb8;
	[tilespmem:$0x1C400] =	vst v63  }
0x55: {  	_ =	swait.ge [sflag:s23], $0x4000  }
0x56: {  	[sflag:s23] =	ssyncset.done $0x0  }
0x57: {  	[sflag:s23] =	ssyncadd.s32 $0xFFFFC000  }
0x58: {  	_ =	swait.ge [sflag:s24], $0x4000  }
0x59: {  	[sflag:s24] =	ssyncset.done $0x0  }
0x5a: {  	[sflag:s24] =	ssyncadd.s32 $0xFFFFC000  }
0x5b: {  	[tilespmem:s13], [sflag:$0x1] =	stream.indirect.gather [hbm4b:s0+s16], $0x80, s30, s16, $0xb8;
	[tilespmem:$0x1C400] =	vst v63  }
0x5c: {  	_ = 	snop  }
0x5d: {  	[tilespmem:s18], [sflag:$0x2] =	stream.indirect.gather [hbm4b:s0+s16], $0x80, s31, s16, $0xb8;
	[tilespmem:$0x1C400] =	vst v63  }
0x5e: {  	_ =	swait.ge [sflag:s19], $0x4000  }
0x5f: {  	[sflag:s19] =	ssyncset.done $0x0  }
0x60: {  	[sflag:s19] =	ssyncadd.s32 $0xFFFFC000  }
0x61: {  	[spmem:s3] =	stream.indirect.scatter.add.f32 [tilespmem:s13], [sflag:$0x3], $0x80, s2, s16, $0xb8;
	[tilespmem:$0x1C400] =	vst v63  }
0x62: {  	_ =	swait.ge [sflag:s21], $0x4000  }
0x63: {  	[sflag:s21] =	ssyncset.done $0x0  }
0x64: {  	[sflag:s21] =	ssyncadd.s32 $0xFFFFC000  }
0x65: {  	[spmem:s3] =	stream.indirect.scatter.add.f32 [tilespmem:s18], [sflag:$0x4], $0x80, s1, s16, $0xb8;
	[tilespmem:$0x1C400] =	vst v63  }
0x66: {  	_ =	swait.ge [sflag:s23], $0x4000  }
0x67: {  	[sflag:s23] =	ssyncset.done $0x0  }
0x68: {  	[sflag:s23] =	ssyncadd.s32 $0xFFFFC000  }
0x69: {  	_ =	swait.ge [sflag:s24], $0x4000  }
0x6a: {  	[sflag:s24] =	ssyncset.done $0x0  }
0x6b: {  	[sflag:s24] =	ssyncadd.s32 $0xFFFFC000  }
0x6c: {  	[tilespmem:s13], [sflag:$0x1] =	stream.indirect.gather [hbm4b:s0+s16], $0x80, s5, s16, $0xb8;
	[tilespmem:$0x1C400] =	vst v63  }
0x6d: {  	_ = 	snop  }
0x6e: {  	[tilespmem:s18], [sflag:$0x2] =	stream.indirect.gather [hbm4b:s0+s16], $0x80, s7, s16, $0xb8;
	[tilespmem:$0x1C400] =	vst v63  }
0x6f: {  	_ =	swait.ge [sflag:s19], $0x4000  }
0x70: {  	[sflag:s19] =	ssyncset.done $0x0  }
0x71: {  	[sflag:s19] =	ssyncadd.s32 $0xFFFFC000  }
0x72: {  	[spmem:s3] =	stream.indirect.scatter.add.f32 [tilespmem:s13], [sflag:$0x3], $0x80, s8, s16, $0xb8;
	[tilespmem:$0x1C400] =	vst v63  }
0x73: {  	_ =	swait.ge [sflag:s21], $0x4000  }
0x74: {  	[sflag:s21] =	ssyncset.done $0x0  }
0x75: {  	[sflag:s21] =	ssyncadd.s32 $0xFFFFC000  }
0x76: {  	[spmem:s3] =	stream.indirect.scatter.add.f32 [tilespmem:s18], [sflag:$0x4], $0x80, s9, s16, $0xb8;
	[tilespmem:$0x1C400] =	vst v63  }
0x77: {  	_ =	swait.ge [sflag:s23], $0x4000  }
0x78: {  	[sflag:s23] =	ssyncset.done $0x0  }
0x79: {  	[sflag:s23] =	ssyncadd.s32 $0xFFFFC000  }
0x7a: {  	_ =	swait.ge [sflag:s24], $0x4000  }
0x7b: {  	s11 =	simm.s32 $0x100;
	[sflag:s24] =	ssyncset.done $0x0  }
.LBB2_2:
0x7c: {  	s12 =	rddreg [dreg:$0x4];
	s6 =	smov.u32 s11  }
0x7d: {  	[sflag:s24] =	ssyncadd.s32 $0xFFFFC000;
	s6 =	sadd.s32 s6, s12  }
0x7e: {  	[tilespmem:s15], [sflag:$0x5] =	stream.linear.gather [hbm4b:s6+s4], $0x800, $0x38;
	[tilespmem:$0x1C400] =	vst v63  }
0x7f: {  	_ =	swait.ge [sflag:s14], $0x800  }
0x80: {  	[sflag:s14] =	ssyncset.done $0x0  }
0x81: {  	[sflag:s14] =	ssyncadd.s32 $0xFFFFF800  }
0x82: {  	[tilespmem:s13], [sflag:$0x1] =	stream.indirect.gather [hbm4b:s0+s16], $0x80, s15, s16, $0xb8;
	[tilespmem:$0x1C400] =	vst v63  }
0x83: {  	_ = 	snop  }
0x84: {  	[tilespmem:s18], [sflag:$0x2] =	stream.indirect.gather [hbm4b:s0+s16], $0x80, s17, s16, $0xb8;
	[tilespmem:$0x1C400] =	vst v63  }
0x85: {  	_ =	swait.ge [sflag:s19], $0x4000  }
0x86: {  	[sflag:s19] =	ssyncset.done $0x0  }
0x87: {  	[sflag:s19] =	ssyncadd.s32 $0xFFFFC000  }
0x88: {  	[spmem:s3] =	stream.indirect.scatter.add.f32 [tilespmem:s13], [sflag:$0x3], $0x80, s20, s16, $0xb8;
	[tilespmem:$0x1C400] =	vst v63  }
0x89: {  	_ =	swait.ge [sflag:s21], $0x4000  }
0x8a: {  	[sflag:s21] =	ssyncset.done $0x0  }
0x8b: {  	[sflag:s21] =	ssyncadd.s32 $0xFFFFC000  }
0x8c: {  	[spmem:s3] =	stream.indirect.scatter.add.f32 [tilespmem:s18], [sflag:$0x4], $0x80, s22, s16, $0xb8;
	[tilespmem:$0x1C400] =	vst v63  }
0x8d: {  	_ =	swait.ge [sflag:s23], $0x4000  }
0x8e: {  	[sflag:s23] =	ssyncset.done $0x0  }
0x8f: {  	[sflag:s23] =	ssyncadd.s32 $0xFFFFC000  }
0x90: {  	_ =	swait.ge [sflag:s24], $0x4000  }
0x91: {  	[sflag:s24] =	ssyncset.done $0x0  }
0x92: {  	[sflag:s24] =	ssyncadd.s32 $0xFFFFC000  }
0x93: {  	[tilespmem:s13], [sflag:$0x1] =	stream.indirect.gather [hbm4b:s0+s16], $0x80, s25, s16, $0xb8;
	[tilespmem:$0x1C400] =	vst v63  }
0x94: {  	_ = 	snop  }
0x95: {  	[tilespmem:s18], [sflag:$0x2] =	stream.indirect.gather [hbm4b:s0+s16], $0x80, s26, s16, $0xb8;
	[tilespmem:$0x1C400] =	vst v63  }
0x96: {  	_ =	swait.ge [sflag:s19], $0x4000  }
0x97: {  	[sflag:s19] =	ssyncset.done $0x0  }
0x98: {  	[sflag:s19] =	ssyncadd.s32 $0xFFFFC000  }
0x99: {  	[spmem:s3] =	stream.indirect.scatter.add.f32 [tilespmem:s13], [sflag:$0x3], $0x80, s28, s16, $0xb8;
	[tilespmem:$0x1C400] =	vst v63  }
0x9a: {  	_ =	swait.ge [sflag:s21], $0x4000  }
0x9b: {  	[sflag:s21] =	ssyncset.done $0x0  }
0x9c: {  	[sflag:s21] =	ssyncadd.s32 $0xFFFFC000  }
0x9d: {  	[spmem:s3] =	stream.indirect.scatter.add.f32 [tilespmem:s18], [sflag:$0x4], $0x80, s29, s16, $0xb8;
	[tilespmem:$0x1C400] =	vst v63  }
0x9e: {  	_ =	swait.ge [sflag:s23], $0x4000  }
0x9f: {  	[sflag:s23] =	ssyncset.done $0x0  }
0xa0: {  	[sflag:s23] =	ssyncadd.s32 $0xFFFFC000  }
0xa1: {  	_ =	swait.ge [sflag:s24], $0x4000  }
0xa2: {  	[sflag:s24] =	ssyncset.done $0x0  }
0xa3: {  	[sflag:s24] =	ssyncadd.s32 $0xFFFFC000  }
0xa4: {  	[tilespmem:s13], [sflag:$0x1] =	stream.indirect.gather [hbm4b:s0+s16], $0x80, s30, s16, $0xb8;
	[tilespmem:$0x1C400] =	vst v63  }
0xa5: {  	_ = 	snop  }
0xa6: {  	[tilespmem:s18], [sflag:$0x2] =	stream.indirect.gather [hbm4b:s0+s16], $0x80, s31, s16, $0xb8;
	[tilespmem:$0x1C400] =	vst v63  }
0xa7: {  	_ =	swait.ge [sflag:s19], $0x4000  }
0xa8: {  	[sflag:s19] =	ssyncset.done $0x0  }
0xa9: {  	[sflag:s19] =	ssyncadd.s32 $0xFFFFC000  }
0xaa: {  	[spmem:s3] =	stream.indirect.scatter.add.f32 [tilespmem:s13], [sflag:$0x3], $0x80, s2, s16, $0xb8;
	[tilespmem:$0x1C400] =	vst v63  }
0xab: {  	_ =	swait.ge [sflag:s21], $0x4000  }
0xac: {  	[sflag:s21] =	ssyncset.done $0x0  }
0xad: {  	[sflag:s21] =	ssyncadd.s32 $0xFFFFC000  }
0xae: {  	[spmem:s3] =	stream.indirect.scatter.add.f32 [tilespmem:s18], [sflag:$0x4], $0x80, s1, s16, $0xb8;
	[tilespmem:$0x1C400] =	vst v63  }
0xaf: {  	_ =	swait.ge [sflag:s23], $0x4000  }
0xb0: {  	[sflag:s23] =	ssyncset.done $0x0  }
0xb1: {  	[sflag:s23] =	ssyncadd.s32 $0xFFFFC000  }
0xb2: {  	_ =	swait.ge [sflag:s24], $0x4000  }
0xb3: {  	[sflag:s24] =	ssyncset.done $0x0  }
0xb4: {  	[sflag:s24] =	ssyncadd.s32 $0xFFFFC000  }
0xb5: {  	[tilespmem:s13], [sflag:$0x1] =	stream.indirect.gather [hbm4b:s0+s16], $0x80, s5, s16, $0xb8;
	[tilespmem:$0x1C400] =	vst v63  }
0xb6: {  	_ = 	snop  }
0xb7: {  	[tilespmem:s18], [sflag:$0x2] =	stream.indirect.gather [hbm4b:s0+s16], $0x80, s7, s16, $0xb8;
	[tilespmem:$0x1C400] =	vst v63  }
0xb8: {  	_ =	swait.ge [sflag:s19], $0x4000  }
0xb9: {  	[sflag:s19] =	ssyncset.done $0x0  }
0xba: {  	[sflag:s19] =	ssyncadd.s32 $0xFFFFC000  }
0xbb: {  	[spmem:s3] =	stream.indirect.scatter.add.f32 [tilespmem:s13], [sflag:$0x3], $0x80, s8, s16, $0xb8;
	[tilespmem:$0x1C400] =	vst v63  }
0xbc: {  	_ =	swait.ge [sflag:s21], $0x4000  }
0xbd: {  	[sflag:s21] =	ssyncset.done $0x0  }
0xbe: {  	p0 =	sne.s32 s11, $0x900;
	[sflag:s21] =	ssyncadd.s32 $0xFFFFC000  }
0xbf: {  	[spmem:s3] =	stream.indirect.scatter.add.f32 [tilespmem:s18], [sflag:$0x4], $0x80, s9, s16, $0xb8;
	[tilespmem:$0x1C400] =	vst v63  }
.Ltmp0:
0xc0: {  	_ =	swait.ge [sflag:s23], $0x4000;
	(pc) =	sbr.rel @p0 .LBB2_2-.Ltmp0, $4  }
0xc1: {  	[sflag:s23] =	ssyncset.done $0x0  }
0xc2: {  	[sflag:s23] =	ssyncadd.s32 $0xFFFFC000  }
0xc3: {  	_ =	swait.ge [sflag:s24], $0x4000  }
0xc4: {  	s11 =	sadd.s32 $0x100, s11;
	[sflag:s24] =	ssyncset.done $0x0  }
0xc5: {  	[sflag:s24] =	ssyncadd.s32 $0xFFFFC000  }
0xc6: {  	s6 =	stileid.u32;
	[bflag:$0x0] =	sbarrier.arrive $0xFFFF  }
0xc7: {  	s6 =	sshll.u32 s6, $0x6;
	s12 =	rddreg [dreg:$0x6]  }
0xc8: {  	s6 =	sor.u32 $0x1C05, s6;
	s10 =	rddreg [dreg:$0xb];
	s11 =	sshrl.u32 s12, $0x3  }
0xc9: {  	[hbm:s10], [sflag:s6] =	dma.local [spmem:s11], $0x2780  }
0xca: {  	_ =	swait.ge [sflag:s14], $0x2780  }
0xcb: {  	s6 =	rddreg [dreg:$0xd]  }
0xcc: {  	s11 =	rddreg [dreg:$0xc];
	s10 =	sadd.s32 $0x1, s6  }
0xcd: {  	p0 =	sne.s32 s10, s11  }
.Ltmp1:
0xce: {  	_ = 	snop;
	(pc) =	sbr.rel @p0 .LBB2_1-.Ltmp1, $3  }
0xcf: {  	_ =	sdelay $0x1  }
0xd0: {  	[sflag:s14] =	ssyncset.done $0x0  }
0xd1: {  	[sflag:s14] =	ssyncadd.s32 $0xFFFFD880  }
0xd2: {  	_ =	sfence.sel $0x180000  }
0xd3: {  	[bflag:$0x0] =	sbarrier.arrive $0xFFFF  }
0xd4: {  	_ =	strace $0x9000004A  }
0xd5: {  	s0 =	stileid.u32;
	[bflag:$0x2] =	sbarrier.arrive $0xFFFF  }
0xd6: {  	p0 =	sne.s32 s0, $0x0;
	s0 =	rddreg [dreg:$0x3]  }
0xd7: {  	s0 =	sadd.s32 @!p0 $0x100000, s0  }
0xd8: {  	[sflag:s0] =	ssyncadd.tile.s32 @!p0 $0x1;
	_ =	shalt  }
.Lfunc_end2:
_tile_overlayer_lowered:
.L_overlay_start_2:
0xd9: {  	(tag) =	ssettag $0x2  }
0xda: {  	s0 =	rddreg [dreg:$0x0];
	s2 =	stileid.u32  }
0xdb: {  	s1 =	rddreg [dreg:$0x1];
	p0 =	sne.s32 s2, $0x0  }
0xdc: {  	s3 =	rddreg [dreg:$0x2];
	[bflag:$0x3] =	sbarrier.arrive $0xFFFF;
	s2 =	simm.s32 @!p0 $0x1C05  }
0xdd: {  	[timem:s3], [sflag:s2] =	dma.local @!p0 [hbm:s0], s1  }
0xde: {  	s0 =	simm.s32 @!p0 $0x5  }
0xdf: {  	_ =	swait.ge @!p0 [sflag:s0], s1  }
0xe0: {  	s1 =	ssub.s32 @!p0 $0x0, s1;
	[sflag:s0] =	ssyncset.done @!p0 $0x0  }
0xe1: {  	[sflag:s0] =	ssyncadd.s32 @!p0 s1  }
0xe2: {  	[bflag:$0x3] =	sbarrier.arrive $0xFFFF  }
0xe3: {  	_ =	shalt  }

// kernel: kernel.13.cloned.1.call-start
scs
__scs_entry_jumppad:
0x0: {  	(pc) =	sbr.rel $0x88, $3  }
0x1: {  	(tag) =	ssettag $0x0;
	lr =	simm.s32 $0x1  }
0x2: {  	[smem:$0x3F99] =	sst lr;
	_ =	strace $0xD0000000  }
0x3: {  	_ = 	snop  }
0x4: {  	_ = 	snop  }
0x5: {  	_ = 	snop  }
0x6: {  	_ = 	snop  }
0x7: {  	_ = 	snop  }
__scs_overlays_trampoline_lowered:
0x8: {  	[smem:$0x3FA8] =	sst s0  }
0x9: {  	[smem:$0x3FA9] =	sst s1  }
0xa: {  	[smem:$0x3FAA] =	sst s2  }
0xb: {  	[smem:$0x3FAB] =	sst s3  }
0xc: {  	[smem:$0x3FAC] =	sst s4  }
0xd: {  	[smem:$0x3FAD] =	sst s5  }
0xe: {  	[smem:$0x3FAE] =	sst s6  }
0xf: {  	[smem:$0x3FAF] =	sst s7  }
0x10: {  	[smem:$0x3FB0] =	sst s8  }
0x11: {  	[smem:$0x3FB1] =	sst s9;
	s0 =	simm.s32 @!p0 $0x0  }
0x12: {  	s1 =	sld [smem:$0x3F97];
	s0 =	simm.s32 @p0 $0x1  }
0x13: {  	[smem:$0x3FB2] =	sst s0;
	s0 =	simm.s32 @!p1 $0x0  }
0x14: {  	s2 =	sld [smem:$0x3F96];
	s0 =	simm.s32 @p1 $0x1  }
0x15: {  	[smem:$0x3FB3] =	sst s0;
	s0 =	simm.s32 @!p2 $0x0  }
0x16: {  	s3 =	sld [smem:$0x3FDB];
	s0 =	simm.s32 @p2 $0x1  }
0x17: {  	s4 =	simm.s32 $0x1BF5;
	[smem:$0x3FB5] =	sst s0  }
0x18: {  	s0 =	sld [smem:$0x3F98];
	_ =	swait.ge [sflag:s4], $0x0  }
0x19: {  	s7 =	sld [smem:$0x3F99]  }
0x1a: {  	s8 =	sadd.s32 $0xFFFFE003, lr  }
0x1b: {  	s9 =	sadd.s32 $0xFFFFFEF7, lr;
	s5 =	simm.s32 $0xFFFFFFFF;
	p2 =	slt.u32 s8, $0xFFFFF086  }
0x1c: {  	p1 =	slt.u32 s9, $0xF7A;
	s5 =	simm.s32 @!p2 $0x0  }
0x1d: {  	s5 =	simm.s32 @p1 $0x1;
	p0 =	seq.s32 s7, s2  }
0x1e: {  	s7 =	smul.u32 @!p0 $0xF7A, s2;
	p2 =	seq.s32 @!p0 s5, $0x0  }
0x1f: {  	s9 =	smul.u32 $0xF7A, s1;
	s8 =	simm.s32 @!p0 $0x1BF5;
	p2 =	por !p2, p0  }
0x20: {  	[sflag:s8] =	ssyncset.s32 @!p0 $0xFFFFF086;
	s6 =	sadd.s32 @!p0 s3, s7;
	s7 =	simm.s32 @!p0 $0x108  }
0x21: {  	s3 =	sadd.s32 s3, s9;
	s6 =	sadd.s32 @!p0 $0x88, s6;
	s7 =	simm.s32 @p2 $0x1082  }
0x22: {  	[simem:s7], [sflag:s8] =	dma.local @!p0 [hbm:s6], $0xF7A  }
0x23: {  	s9 =	sor.u32 $0xD0000000, s2;
	s6 =	simm.s32 $0x108;
	_ =	swait.ge @!p0 [sflag:s8], $0x0  }
0x24: {  	s3 =	sadd.s32 $0x88, s3;
	s6 =	simm.s32 @!p1 $0x1082;
	[sflag:s4] =	ssyncset.s32 $0xFFFFF086  }
0x25: {  	[simem:s6], [sflag:s4] =	dma.local [hbm:s3], $0xF7A  }
0x26: {  	[smem:$0x3F99] =	sst s1;
	(tag) =	ssettag s2;
	_ =	strace s9  }
0x27: {  	s1 =	sld [smem:$0x3FA9]  }
0x28: {  	s2 =	sld [smem:$0x3FAA]  }
0x29: {  	s4 =	sld [smem:$0x3FAC]  }
0x2a: {  	p0 =	seq.s32 s5, $0x0;
	s5 =	sld [smem:$0x3FAD]  }
0x2b: {  	s6 =	sld [smem:$0x3FAE]  }
0x2c: {  	s7 =	sld [smem:$0x3FAF]  }
0x2d: {  	s3 =	simm.s32 $0x108;
	s8 =	sld [smem:$0x3FB0]  }
0x2e: {  	s3 =	simm.s32 @!p0 $0x1082;
	s9 =	sld [smem:$0x3FB1]  }
0x2f: {  	lr =	sadd.s32 s0, s3;
	s0 =	sld [smem:$0x3FA8]  }
0x30: {  	s3 =	sld [smem:$0x3FAB]  }
0x31: {  	[smem:$0x3FB4] =	sst s10  }
0x32: {  	s10 =	sld [smem:$0x3FB2];
	_ =	sdelay $0x3  }
0x33: {  	p0 =	seq.s32 s10, $0x1;
	s10 =	sld [smem:$0x3FB4];
	_ =	sdelay $0x3  }
0x34: {  	[smem:$0x3FB4] =	sst s10  }
0x35: {  	s10 =	sld [smem:$0x3FB3];
	_ =	sdelay $0x3  }
0x36: {  	p1 =	seq.s32 s10, $0x1;
	s10 =	sld [smem:$0x3FB4];
	_ =	sdelay $0x3  }
0x37: {  	[smem:$0x3FB4] =	sst s10  }
0x38: {  	s10 =	sld [smem:$0x3FB5]  }
0x39: {  	_ = 	snop;
	(pc) =	sbr.ind lr, $3  }
0x3a: {  	_ = 	snop  }
0x3b: {  	_ = 	snop  }
0x3c: {  	p2 =	seq.s32 s10, $0x1;
	s10 =	sld [smem:$0x3FB4]  }
0x3d: {  	_ =	shalt  }
0x3e: {  	_ =	shalt  }
0x3f: {  	_ =	shalt  }
0x40: {  	_ =	shalt  }
0x41: {  	_ =	shalt  }
0x42: {  	_ =	shalt  }
0x43: {  	_ =	shalt  }
0x44: {  	_ =	shalt  }
0x45: {  	_ =	shalt  }
0x46: {  	_ =	shalt  }
0x47: {  	_ =	shalt  }
0x48: {  	_ =	shalt  }
0x49: {  	_ =	shalt  }
0x4a: {  	_ =	shalt  }
0x4b: {  	_ =	shalt  }
0x4c: {  	_ =	shalt  }
0x4d: {  	_ =	shalt  }
0x4e: {  	_ =	shalt  }
0x4f: {  	_ =	shalt  }
0x50: {  	_ =	shalt  }
0x51: {  	_ =	shalt  }
0x52: {  	_ =	shalt  }
0x53: {  	_ =	shalt  }
0x54: {  	_ =	shalt  }
0x55: {  	_ =	shalt  }
0x56: {  	_ =	shalt  }
0x57: {  	_ =	shalt  }
0x58: {  	_ =	shalt  }
0x59: {  	_ =	shalt  }
0x5a: {  	_ =	shalt  }
0x5b: {  	_ =	shalt  }
0x5c: {  	_ =	shalt  }
0x5d: {  	_ =	shalt  }
0x5e: {  	_ =	shalt  }
0x5f: {  	_ =	shalt  }
0x60: {  	_ =	shalt  }
0x61: {  	_ =	shalt  }
0x62: {  	_ =	shalt  }
0x63: {  	_ =	shalt  }
0x64: {  	_ =	shalt  }
0x65: {  	_ =	shalt  }
0x66: {  	_ =	shalt  }
0x67: {  	_ =	shalt  }
0x68: {  	_ =	shalt  }
0x69: {  	_ =	shalt  }
0x6a: {  	_ =	shalt  }
0x6b: {  	_ =	shalt  }
0x6c: {  	_ =	shalt  }
0x6d: {  	_ =	shalt  }
0x6e: {  	_ =	shalt  }
0x6f: {  	_ =	shalt  }
0x70: {  	_ =	shalt  }
0x71: {  	_ =	shalt  }
0x72: {  	_ =	shalt  }
0x73: {  	_ =	shalt  }
0x74: {  	_ =	shalt  }
0x75: {  	_ =	shalt  }
0x76: {  	_ =	shalt  }
0x77: {  	_ =	shalt  }
0x78: {  	_ =	shalt  }
0x79: {  	_ =	shalt  }
0x7a: {  	_ =	shalt  }
0x7b: {  	_ =	shalt  }
0x7c: {  	_ =	shalt  }
0x7d: {  	_ =	shalt  }
0x7e: {  	_ =	shalt  }
0x7f: {  	_ =	shalt  }
0x80: {  	_ =	shalt  }
0x81: {  	_ =	shalt  }
0x82: {  	_ =	shalt  }
0x83: {  	_ =	shalt  }
0x84: {  	_ =	shalt  }
0x85: {  	_ =	shalt  }
0x86: {  	_ =	shalt  }
0x87: {  	_ =	shalt  }
.Lfunc_end0:
.L_simem_size_0:
called_computation.2_lowered:
.L_overlay_start_0:
0x88: {  	s2 =	sld [smem:$0x3FD9]  }
0x89: {  	s3 =	sld [smem:$0x3FFE];
	_ =	sdelay $0x1  }
0x8a: {  	s1 =	srdreg.scid  }
0x8b: {  	s0 =	sand.u32 $0x1, s1  }
0x8c: {  	s17 =	sshll.u32 s0, $0xA;
	s2 =	sadd.s32 s3, s2  }
0x8d: {  	s2 =	sadd.s32 s2, s17  }
0x8e: {  	[smem:$0x3FC0] =	sst s2  }
0x8f: {  	_ = 	snop  }
0x90: {  	s2 =	sld [smem:$0x3FD0];
	(tm) =	ssettm $0x1  }
0x91: {  	s18 =	sld [smem:$0x3FFB];
	_ =	sdelay $0x3  }
0x92: {  	_ =	strace s18  }
0x93: {  	s3 =	sld [smem:$0x3FFC];
	_ =	sdelay $0x3  }
0x94: {  	_ =	strace s3  }
0x95: {  	s3 =	sld [smem:$0x3FFD];
	_ =	sdelay $0x3  }
0x96: {  	_ =	strace s3  }
0x97: {  	_ =	strace $0x8FFFFFFF  }
0x98: {  	s19 =	sld [smem:$0x3FDB];
	_ =	sdelay $0x1  }
0x99: {  	s4 =	simm.s32 $_scs_section_size  }
0x9a: {  	s5 =	simm.s32 $_size__tile_overlayer_lowered;
	s6 =	simm.s32 $_tile_overlayer_lowered  }
0x9b: {  	s22 =	simm.s32 $0x1BFF;
	s21 =	sshll.u32 s6, $0x1;
	s3 =	sadd.s32 s4, s19  }
0x9c: {  	s7 =	simm.s32 $0x0;
	s20 =	sshll.u32 s5, $0x1;
	s5 =	sadd.s32 s21, s3  }
0x9d: {  	[timem:s7], [sflag:s22] =	dma.local [hbm:s5], s20  }
0x9e: {  	_ =	swait.ge [sflag:s22], s20  }
0x9f: {  	s4 =	ssub.s32 $0x0, s20;
	[sflag:s22] =	ssyncset.done $0x0  }
0xa0: {  	[sflag:s22] =	ssyncadd.s32 s4;
	_ =	sdelay $0x1  }
0xa1: {  	s23 =	simm.s32 $0x1B8B  }
0xa2: {  	_ =	swait.ge [sflag:s23], $0x1  }
0xa3: {  	[sflag:s23] =	ssyncset.done $0x0  }
0xa4: {  	s25 =	simm.s32 $0x1B8E;
	s24 =	sld [smem:$0x3FFE];
	[sflag:s23] =	ssyncadd.s32 $0xFFFFFFFF  }
0xa5: {  	s26 =	simm.s32 $execute0_lowered;
	[smem:$0x3FD2] =	sst s25  }
0xa6: {  	s5 =	sshll.u32 s26, $0x1;
	_ =	strace $0x8000004C;
	[dreg:$0x1] =	wrdreg $0xFFFFFFFF  }
0xa7: {  	s28 =	simm.s32 $_size_execute0_lowered;
	s3 =	sadd.s32 s3, s5;
	[dreg:$0x0] =	wrdreg $0x0  }
0xa8: {  	s5 =	sshll.u32 s28, $0x1;
	[dreg:$0x2] =	wrdreg s3  }
0xa9: {  	[dreg:$0x3] =	wrdreg s5  }
0xaa: {  	[dreg:$0x4] =	wrdreg $0xC0  }
0xab: {  	_ =	task [dreg:s7], $0x5FFFF  }
0xac: {  	[dreg:$0x1] =	wrdreg $0xFFFFFFFF  }
0xad: {  	[dreg:$0x0] =	wrdreg $0x60  }
0xae: {  	[dreg:$0x2] =	wrdreg s2  }
0xaf: {  	[dreg:$0x3] =	wrdreg s24  }
0xb0: {  	[dreg:$0x4] =	wrdreg $0x0  }
0xb1: {  	[dreg:$0x5] =	wrdreg $0x9  }
0xb2: {  	_ =	task.clear_ibuf [dreg:s7], $0x6FFFF;
	_ =	strace $0x9000004C  }
0xb3: {  	s29 =	simm.s32 $0x9;
	_ =	strace $0x8000004E  }
0xb4: {  	_ =	swait.ge [sflag:s29], $0x1  }
0xb5: {  	[sflag:s29] =	ssyncadd.s32 $0xFFFFFFFF  }
0xb6: {  	_ =	strace $0x9000004E  }
0xb7: {  	_ =	sfence  }
0xb8: {  	s30 =	sld [smem:$0x0];
	_ =	sdelay $0x2  }
0xb9: {  	s31 =	sshll.u32 s1, $0xD;
	s1 =	sshrl.u32 s1, $0x2  }
0xba: {  	s3 =	sand.u32 $0x4000, s31;
	s1 =	sadd.s32 s1, s30  }
0xbb: {  	s0 =	sor.u32 s3, s0;
	s1 =	sshll.u32 s1, $0x11  }
0xbc: {  	s0 =	sor.u32 s1, s0  }
0xbd: {  	s0 =	sadd.s32 $0x8F2B, s0  }
0xbe: {  	[sflag:s0] =	ssyncadd.remote.s32 $0x1  }
0xbf: {  	_ =	sfence.sel $0xFFFF  }
0xc0: {  	[dreg:$0x0] =	wrdreg $0xFFFFFFFF;
	(pc) =	sbr.abs _section_cstart, $3  }
0xc1: {  	[dreg:$0x1] =	wrdreg $0xFFFFFFFF  }
0xc2: {  	_ =	task.clear_ibuf [dreg:s7], $0x2FFFF;
	_ =	strace $0x9FFFFFFF  }
0xc3: {  	(tm) =	ssettm $0x7FFFFFFF  }
tec
execute0_lowered:
.L_overlay_start_1:
0x0: {  	(tag) =	ssettag $0x1  }
0x1: {  	s0 =	rddreg [dreg:$0x0]  }
0x2: {  	s1 =	srdreg.scid;
	s2 =	rddreg [dreg:$0x1]  }
0x3: {  	s9 =	stileid.u32;
	s3 =	rddreg [dreg:$0x2]  }
0x4: {  	s4 =	simm.s32 $0x0;
	s13 =	simm.s32 $0x14400;
	s14 =	simm.s32 $0x5  }
0x5: {  	s15 =	simm.s32 $0x13C00;
	s16 =	simm.s32 $0x80;
	s17 =	simm.s32 $0x13C80  }
0x6: {  	s18 =	simm.s32 $0x18400;
	s19 =	simm.s32 $0x1;
	s6 =	smul.u32 $0x2780, s9  }
0x7: {  	s20 =	simm.s32 $0x14000;
	s28 =	simm.s32 $0x14100;
	s8 =	smul.u32 $0x4F000, s9  }
0x8: {  	s29 =	simm.s32 $0x14180;
	s1 =	sand.u32 $0x1, s1;
	s9 =	smul.u32 $0xA00, s9  }
0x9: {  	s30 =	simm.s32 $0x13E00;
	s31 =	simm.s32 $0x13E80;
	s5 =	smul.u32 $0xA000, s1  }
0xa: {  	[smem:$0x7FF] =	sst s4;
	s10 =	sadd.s32 $0x20200, s2;
	s7 =	smul.u32 $0x27800, s1  }
0xb: {  	_ =	strace $0x8000004D;
	[dreg:$0x5] =	wrdreg s10;
	s1 =	ssub.s32 $0x2, s1  }
0xc: {  	s10 =	simm.s32 $0x0;
	s21 =	sshrl.u32 s8, $0x2;
	s22 =	sshrl.u32 s1, $0x1  }
0xd: {  	s8 =	simm.s32 $0x14300;
	s5 =	sadd.s32 s5, s2;
	s7 =	sadd.s32 s6, s7  }
0xe: {  	s12 =	sadd.s32 s21, s3;
	s1 =	ssub.s32 s1, s22;
	s21 =	simm.s32 $0x2  }
0xf: {  	s22 =	simm.s32 $0x14080;
	s6 =	sadd.s32 $0x4000, s12;
	[dreg:$0x6] =	wrdreg s12  }
0x10: {  	s2 =	sadd.s32 s7, s2;
	s23 =	sadd.s32 $0x8000, s12;
	[dreg:$0x7] =	wrdreg s6  }
0x11: {  	s24 =	sadd.s32 $0xC000, s12;
	s5 =	sadd.s32 s9, s5;
	[dreg:$0x8] =	wrdreg s23  }
0x12: {  	s25 =	sadd.s32 $0x10000, s12;
	s1 =	smax.u32 s1, $0x1;
	[dreg:$0x9] =	wrdreg s24  }
0x13: {  	s7 =	simm.s32 $0x13F80;
	s9 =	simm.s32 $0x14380;
	[dreg:$0xa] =	wrdreg s25  }
0x14: {  	s2 =	sadd.s32 $0x20A00, s2;
	s26 =	sadd.s32 $0xC200, s5;
	[dreg:$0xc] =	wrdreg s1  }
0x15: {  	s23 =	simm.s32 $0x3;
	s24 =	simm.s32 $0x4;
	s25 =	simm.s32 $0x13D00  }
0x16: {  	s1 =	simm.s32 $0x14280;
	s5 =	simm.s32 $0x13F00;
	[dreg:$0xb] =	wrdreg s2  }
0x17: {  	[dreg:$0x4] =	wrdreg s26;
	s26 =	simm.s32 $0x13D80;
	s2 =	simm.s32 $0x14200  }
.LBB2_1:
0x18: {  	[dreg:$0xd] =	wrdreg s10  }
0x19: {  	s6 =	rddreg [dreg:$0x5]  }
0x1a: {  	[tilespmem:s13], [sflag:$0x5] =	stream.linear.gather [hbm4b:s6+s4], $0x4000, $0x38;
	[tilespmem:$0x1C400] =	vst v63  }
0x1b: {  	_ =	swait.ge [sflag:s14], $0x4000  }
0x1c: {  	[sflag:s14] =	ssyncset.done $0x0  }
0x1d: {  	[sflag:s14] =	ssyncadd.s32 $0xFFFFC000  }
0x1e: {  	[spmem:s12] =	stream.linear.scatter [tilespmem:s13], [sflag:$0x5], $0x4000, $0x38;
	[tilespmem:$0x1C400] =	vst v63  }
0x1f: {  	_ =	swait.ge [sflag:s14], $0x4000  }
0x20: {  	[sflag:s14] =	ssyncset.done $0x0  }
0x21: {  	s12 =	rddreg [dreg:$0x7];
	[sflag:s14] =	ssyncadd.s32 $0xFFFFC000  }
0x22: {  	[spmem:s12] =	stream.linear.scatter [tilespmem:s13], [sflag:$0x5], $0x4000, $0x38;
	[tilespmem:$0x1C400] =	vst v63  }
0x23: {  	_ =	swait.ge [sflag:s14], $0x4000  }
0x24: {  	[sflag:s14] =	ssyncset.done $0x0  }
0x25: {  	s10 =	rddreg [dreg:$0x8];
	[sflag:s14] =	ssyncadd.s32 $0xFFFFC000  }
0x26: {  	[spmem:s10] =	stream.linear.scatter [tilespmem:s13], [sflag:$0x5], $0x4000, $0x38;
	[tilespmem:$0x1C400] =	vst v63  }
0x27: {  	_ =	swait.ge [sflag:s14], $0x4000  }
0x28: {  	[sflag:s14] =	ssyncset.done $0x0  }
0x29: {  	s11 =	rddreg [dreg:$0x9];
	[sflag:s14] =	ssyncadd.s32 $0xFFFFC000  }
0x2a: {  	[spmem:s11] =	stream.linear.scatter [tilespmem:s13], [sflag:$0x5], $0x4000, $0x38;
	[tilespmem:$0x1C400] =	vst v63  }
0x2b: {  	_ =	swait.ge [sflag:s14], $0x4000  }
0x2c: {  	[sflag:s14] =	ssyncset.done $0x0  }
0x2d: {  	s12 =	rddreg [dreg:$0xa];
	[sflag:s14] =	ssyncadd.s32 $0xFFFFC000  }
0x2e: {  	[spmem:s12] =	stream.linear.scatter [tilespmem:s13], [sflag:$0x5], $0x3C00, $0x38;
	[tilespmem:$0x1C400] =	vst v63  }
0x2f: {  	_ =	swait.ge [sflag:s14], $0x3C00  }
0x30: {  	[sflag:s14] =	ssyncset.done $0x0  }
0x31: {  	[sflag:s14] =	ssyncadd.s32 $0xFFFFC400  }
0x32: {  	[bflag:$0x0] =	sbarrier.arrive $0xFFFF  }
0x33: {  	s11 =	rddreg [dreg:$0x4]  }
0x34: {  	s11 =	sadd.s32 $0x0, s11  }
0x35: {  	[tilespmem:s15], [sflag:$0x5] =	stream.linear.gather [hbm4b:s11+s4], $0x800, $0x38;
	[tilespmem:$0x1C400] =	vst v63  }
0x36: {  	_ =	swait.ge [sflag:s14], $0x800  }
0x37: {  	[sflag:s14] =	ssyncset.done $0x0  }
0x38: {  	[sflag:s14] =	ssyncadd.s32 $0xFFFFF800  }
0x39: {  	[tilespmem:s13], [sflag:$0x1] =	stream.indirect.gather [hbm4b:s0+s16], $0x80, s15, s16, $0xb8;
	[tilespmem:$0x1C400] =	vst v63  }
0x3a: {  	_ = 	snop  }
0x3b: {  	[tilespmem:s18], [sflag:$0x2] =	stream.indirect.gather [hbm4b:s0+s16], $0x80, s17, s16, $0xb8;
	[tilespmem:$0x1C400] =	vst v63  }
0x3c: {  	_ =	swait.ge [sflag:s19], $0x4000  }
0x3d: {  	[sflag:s19] =	ssyncset.done $0x0  }
0x3e: {  	[sflag:s19] =	ssyncadd.s32 $0xFFFFC000  }
0x3f: {  	[spmem:s3] =	stream.indirect.scatter.add.f32 [tilespmem:s13], [sflag:$0x3], $0x80, s20, s16, $0xb8;
	[tilespmem:$0x1C400] =	vst v63  }
0x40: {  	_ =	swait.ge [sflag:s21], $0x4000  }
0x41: {  	[sflag:s21] =	ssyncset.done $0x0  }
0x42: {  	[sflag:s21] =	ssyncadd.s32 $0xFFFFC000  }
0x43: {  	[spmem:s3] =	stream.indirect.scatter.add.f32 [tilespmem:s18], [sflag:$0x4], $0x80, s22, s16, $0xb8;
	[tilespmem:$0x1C400] =	vst v63  }
0x44: {  	_ =	swait.ge [sflag:s23], $0x4000  }
0x45: {  	[sflag:s23] =	ssyncset.done $0x0  }
0x46: {  	[sflag:s23] =	ssyncadd.s32 $0xFFFFC000  }
0x47: {  	_ =	swait.ge [sflag:s24], $0x4000  }
0x48: {  	[sflag:s24] =	ssyncset.done $0x0  }
0x49: {  	[sflag:s24] =	ssyncadd.s32 $0xFFFFC000  }
0x4a: {  	[tilespmem:s13], [sflag:$0x1] =	stream.indirect.gather [hbm4b:s0+s16], $0x80, s25, s16, $0xb8;
	[tilespmem:$0x1C400] =	vst v63  }
0x4b: {  	_ = 	snop  }
0x4c: {  	[tilespmem:s18], [sflag:$0x2] =	stream.indirect.gather [hbm4b:s0+s16], $0x80, s26, s16, $0xb8;
	[tilespmem:$0x1C400] =	vst v63  }
0x4d: {  	_ =	swait.ge [sflag:s19], $0x4000  }
0x4e: {  	[sflag:s19] =	ssyncset.done $0x0  }
0x4f: {  	[sflag:s19] =	ssyncadd.s32 $0xFFFFC000  }
0x50: {  	[spmem:s3] =	stream.indirect.scatter.add.f32 [tilespmem:s13], [sflag:$0x3], $0x80, s28, s16, $0xb8;
	[tilespmem:$0x1C400] =	vst v63  }
0x51: {  	_ =	swait.ge [sflag:s21], $0x4000  }
0x52: {  	[sflag:s21] =	ssyncset.done $0x0  }
0x53: {  	[sflag:s21] =	ssyncadd.s32 $0xFFFFC000  }
0x54: {  	[spmem:s3] =	stream.indirect.scatter.add.f32 [tilespmem:s18], [sflag:$0x4], $0x80, s29, s16, $0xb8;
	[tilespmem:$0x1C400] =	vst v63  }
0x55: {  	_ =	swait.ge [sflag:s23], $0x4000  }
0x56: {  	[sflag:s23] =	ssyncset.done $0x0  }
0x57: {  	[sflag:s23] =	ssyncadd.s32 $0xFFFFC000  }
0x58: {  	_ =	swait.ge [sflag:s24], $0x4000  }
0x59: {  	[sflag:s24] =	ssyncset.done $0x0  }
0x5a: {  	[sflag:s24] =	ssyncadd.s32 $0xFFFFC000  }
0x5b: {  	[tilespmem:s13], [sflag:$0x1] =	stream.indirect.gather [hbm4b:s0+s16], $0x80, s30, s16, $0xb8;
	[tilespmem:$0x1C400] =	vst v63  }
0x5c: {  	_ = 	snop  }
0x5d: {  	[tilespmem:s18], [sflag:$0x2] =	stream.indirect.gather [hbm4b:s0+s16], $0x80, s31, s16, $0xb8;
	[tilespmem:$0x1C400] =	vst v63  }
0x5e: {  	_ =	swait.ge [sflag:s19], $0x4000  }
0x5f: {  	[sflag:s19] =	ssyncset.done $0x0  }
0x60: {  	[sflag:s19] =	ssyncadd.s32 $0xFFFFC000  }
0x61: {  	[spmem:s3] =	stream.indirect.scatter.add.f32 [tilespmem:s13], [sflag:$0x3], $0x80, s2, s16, $0xb8;
	[tilespmem:$0x1C400] =	vst v63  }
0x62: {  	_ =	swait.ge [sflag:s21], $0x4000  }
0x63: {  	[sflag:s21] =	ssyncset.done $0x0  }
0x64: {  	[sflag:s21] =	ssyncadd.s32 $0xFFFFC000  }
0x65: {  	[spmem:s3] =	stream.indirect.scatter.add.f32 [tilespmem:s18], [sflag:$0x4], $0x80, s1, s16, $0xb8;
	[tilespmem:$0x1C400] =	vst v63  }
0x66: {  	_ =	swait.ge [sflag:s23], $0x4000  }
0x67: {  	[sflag:s23] =	ssyncset.done $0x0  }
0x68: {  	[sflag:s23] =	ssyncadd.s32 $0xFFFFC000  }
0x69: {  	_ =	swait.ge [sflag:s24], $0x4000  }
0x6a: {  	[sflag:s24] =	ssyncset.done $0x0  }
0x6b: {  	[sflag:s24] =	ssyncadd.s32 $0xFFFFC000  }
0x6c: {  	[tilespmem:s13], [sflag:$0x1] =	stream.indirect.gather [hbm4b:s0+s16], $0x80, s5, s16, $0xb8;
	[tilespmem:$0x1C400] =	vst v63  }
0x6d: {  	_ = 	snop  }
0x6e: {  	[tilespmem:s18], [sflag:$0x2] =	stream.indirect.gather [hbm4b:s0+s16], $0x80, s7, s16, $0xb8;
	[tilespmem:$0x1C400] =	vst v63  }
0x6f: {  	_ =	swait.ge [sflag:s19], $0x4000  }
0x70: {  	[sflag:s19] =	ssyncset.done $0x0  }
0x71: {  	[sflag:s19] =	ssyncadd.s32 $0xFFFFC000  }
0x72: {  	[spmem:s3] =	stream.indirect.scatter.add.f32 [tilespmem:s13], [sflag:$0x3], $0x80, s8, s16, $0xb8;
	[tilespmem:$0x1C400] =	vst v63  }
0x73: {  	_ =	swait.ge [sflag:s21], $0x4000  }
0x74: {  	[sflag:s21] =	ssyncset.done $0x0  }
0x75: {  	[sflag:s21] =	ssyncadd.s32 $0xFFFFC000  }
0x76: {  	[spmem:s3] =	stream.indirect.scatter.add.f32 [tilespmem:s18], [sflag:$0x4], $0x80, s9, s16, $0xb8;
	[tilespmem:$0x1C400] =	vst v63  }
0x77: {  	_ =	swait.ge [sflag:s23], $0x4000  }
0x78: {  	[sflag:s23] =	ssyncset.done $0x0  }
0x79: {  	[sflag:s23] =	ssyncadd.s32 $0xFFFFC000  }
0x7a: {  	_ =	swait.ge [sflag:s24], $0x4000  }
0x7b: {  	s11 =	simm.s32 $0x100;
	[sflag:s24] =	ssyncset.done $0x0  }
.LBB2_2:
0x7c: {  	s12 =	rddreg [dreg:$0x4];
	s6 =	smov.u32 s11  }
0x7d: {  	[sflag:s24] =	ssyncadd.s32 $0xFFFFC000;
	s6 =	sadd.s32 s6, s12  }
0x7e: {  	[tilespmem:s15], [sflag:$0x5] =	stream.linear.gather [hbm4b:s6+s4], $0x800, $0x38;
	[tilespmem:$0x1C400] =	vst v63  }
0x7f: {  	_ =	swait.ge [sflag:s14], $0x800  }
0x80: {  	[sflag:s14] =	ssyncset.done $0x0  }
0x81: {  	[sflag:s14] =	ssyncadd.s32 $0xFFFFF800  }
0x82: {  	[tilespmem:s13], [sflag:$0x1] =	stream.indirect.gather [hbm4b:s0+s16], $0x80, s15, s16, $0xb8;
	[tilespmem:$0x1C400] =	vst v63  }
0x83: {  	_ = 	snop  }
0x84: {  	[tilespmem:s18], [sflag:$0x2] =	stream.indirect.gather [hbm4b:s0+s16], $0x80, s17, s16, $0xb8;
	[tilespmem:$0x1C400] =	vst v63  }
0x85: {  	_ =	swait.ge [sflag:s19], $0x4000  }
0x86: {  	[sflag:s19] =	ssyncset.done $0x0  }
0x87: {  	[sflag:s19] =	ssyncadd.s32 $0xFFFFC000  }
0x88: {  	[spmem:s3] =	stream.indirect.scatter.add.f32 [tilespmem:s13], [sflag:$0x3], $0x80, s20, s16, $0xb8;
	[tilespmem:$0x1C400] =	vst v63  }
0x89: {  	_ =	swait.ge [sflag:s21], $0x4000  }
0x8a: {  	[sflag:s21] =	ssyncset.done $0x0  }
0x8b: {  	[sflag:s21] =	ssyncadd.s32 $0xFFFFC000  }
0x8c: {  	[spmem:s3] =	stream.indirect.scatter.add.f32 [tilespmem:s18], [sflag:$0x4], $0x80, s22, s16, $0xb8;
	[tilespmem:$0x1C400] =	vst v63  }
0x8d: {  	_ =	swait.ge [sflag:s23], $0x4000  }
0x8e: {  	[sflag:s23] =	ssyncset.done $0x0  }
0x8f: {  	[sflag:s23] =	ssyncadd.s32 $0xFFFFC000  }
0x90: {  	_ =	swait.ge [sflag:s24], $0x4000  }
0x91: {  	[sflag:s24] =	ssyncset.done $0x0  }
0x92: {  	[sflag:s24] =	ssyncadd.s32 $0xFFFFC000  }
0x93: {  	[tilespmem:s13], [sflag:$0x1] =	stream.indirect.gather [hbm4b:s0+s16], $0x80, s25, s16, $0xb8;
	[tilespmem:$0x1C400] =	vst v63  }
0x94: {  	_ = 	snop  }
0x95: {  	[tilespmem:s18], [sflag:$0x2] =	stream.indirect.gather [hbm4b:s0+s16], $0x80, s26, s16, $0xb8;
	[tilespmem:$0x1C400] =	vst v63  }
0x96: {  	_ =	swait.ge [sflag:s19], $0x4000  }
0x97: {  	[sflag:s19] =	ssyncset.done $0x0  }
0x98: {  	[sflag:s19] =	ssyncadd.s32 $0xFFFFC000  }
0x99: {  	[spmem:s3] =	stream.indirect.scatter.add.f32 [tilespmem:s13], [sflag:$0x3], $0x80, s28, s16, $0xb8;
	[tilespmem:$0x1C400] =	vst v63  }
0x9a: {  	_ =	swait.ge [sflag:s21], $0x4000  }
0x9b: {  	[sflag:s21] =	ssyncset.done $0x0  }
0x9c: {  	[sflag:s21] =	ssyncadd.s32 $0xFFFFC000  }
0x9d: {  	[spmem:s3] =	stream.indirect.scatter.add.f32 [tilespmem:s18], [sflag:$0x4], $0x80, s29, s16, $0xb8;
	[tilespmem:$0x1C400] =	vst v63  }
0x9e: {  	_ =	swait.ge [sflag:s23], $0x4000  }
0x9f: {  	[sflag:s23] =	ssyncset.done $0x0  }
0xa0: {  	[sflag:s23] =	ssyncadd.s32 $0xFFFFC000  }
0xa1: {  	_ =	swait.ge [sflag:s24], $0x4000  }
0xa2: {  	[sflag:s24] =	ssyncset.done $0x0  }
0xa3: {  	[sflag:s24] =	ssyncadd.s32 $0xFFFFC000  }
0xa4: {  	[tilespmem:s13], [sflag:$0x1] =	stream.indirect.gather [hbm4b:s0+s16], $0x80, s30, s16, $0xb8;
	[tilespmem:$0x1C400] =	vst v63  }
0xa5: {  	_ = 	snop  }
0xa6: {  	[tilespmem:s18], [sflag:$0x2] =	stream.indirect.gather [hbm4b:s0+s16], $0x80, s31, s16, $0xb8;
	[tilespmem:$0x1C400] =	vst v63  }
0xa7: {  	_ =	swait.ge [sflag:s19], $0x4000  }
0xa8: {  	[sflag:s19] =	ssyncset.done $0x0  }
0xa9: {  	[sflag:s19] =	ssyncadd.s32 $0xFFFFC000  }
0xaa: {  	[spmem:s3] =	stream.indirect.scatter.add.f32 [tilespmem:s13], [sflag:$0x3], $0x80, s2, s16, $0xb8;
	[tilespmem:$0x1C400] =	vst v63  }
0xab: {  	_ =	swait.ge [sflag:s21], $0x4000  }
0xac: {  	[sflag:s21] =	ssyncset.done $0x0  }
0xad: {  	[sflag:s21] =	ssyncadd.s32 $0xFFFFC000  }
0xae: {  	[spmem:s3] =	stream.indirect.scatter.add.f32 [tilespmem:s18], [sflag:$0x4], $0x80, s1, s16, $0xb8;
	[tilespmem:$0x1C400] =	vst v63  }
0xaf: {  	_ =	swait.ge [sflag:s23], $0x4000  }
0xb0: {  	[sflag:s23] =	ssyncset.done $0x0  }
0xb1: {  	[sflag:s23] =	ssyncadd.s32 $0xFFFFC000  }
0xb2: {  	_ =	swait.ge [sflag:s24], $0x4000  }
0xb3: {  	[sflag:s24] =	ssyncset.done $0x0  }
0xb4: {  	[sflag:s24] =	ssyncadd.s32 $0xFFFFC000  }
0xb5: {  	[tilespmem:s13], [sflag:$0x1] =	stream.indirect.gather [hbm4b:s0+s16], $0x80, s5, s16, $0xb8;
	[tilespmem:$0x1C400] =	vst v63  }
0xb6: {  	_ = 	snop  }
0xb7: {  	[tilespmem:s18], [sflag:$0x2] =	stream.indirect.gather [hbm4b:s0+s16], $0x80, s7, s16, $0xb8;
	[tilespmem:$0x1C400] =	vst v63  }
0xb8: {  	_ =	swait.ge [sflag:s19], $0x4000  }
0xb9: {  	[sflag:s19] =	ssyncset.done $0x0  }
0xba: {  	[sflag:s19] =	ssyncadd.s32 $0xFFFFC000  }
0xbb: {  	[spmem:s3] =	stream.indirect.scatter.add.f32 [tilespmem:s13], [sflag:$0x3], $0x80, s8, s16, $0xb8;
	[tilespmem:$0x1C400] =	vst v63  }
0xbc: {  	_ =	swait.ge [sflag:s21], $0x4000  }
0xbd: {  	[sflag:s21] =	ssyncset.done $0x0  }
0xbe: {  	p0 =	sne.s32 s11, $0x900;
	[sflag:s21] =	ssyncadd.s32 $0xFFFFC000  }
0xbf: {  	[spmem:s3] =	stream.indirect.scatter.add.f32 [tilespmem:s18], [sflag:$0x4], $0x80, s9, s16, $0xb8;
	[tilespmem:$0x1C400] =	vst v63  }
.Ltmp0:
0xc0: {  	_ =	swait.ge [sflag:s23], $0x4000;
	(pc) =	sbr.rel @p0 .LBB2_2-.Ltmp0, $4  }
0xc1: {  	[sflag:s23] =	ssyncset.done $0x0  }
0xc2: {  	[sflag:s23] =	ssyncadd.s32 $0xFFFFC000  }
0xc3: {  	_ =	swait.ge [sflag:s24], $0x4000  }
0xc4: {  	s11 =	sadd.s32 $0x100, s11;
	[sflag:s24] =	ssyncset.done $0x0  }
0xc5: {  	[sflag:s24] =	ssyncadd.s32 $0xFFFFC000  }
0xc6: {  	s6 =	stileid.u32;
	[bflag:$0x0] =	sbarrier.arrive $0xFFFF  }
0xc7: {  	s6 =	sshll.u32 s6, $0x6;
	s12 =	rddreg [dreg:$0x6]  }
0xc8: {  	s6 =	sor.u32 $0x1C05, s6;
	s10 =	rddreg [dreg:$0xb];
	s11 =	sshrl.u32 s12, $0x3  }
0xc9: {  	[hbm:s10], [sflag:s6] =	dma.local [spmem:s11], $0x2780  }
0xca: {  	_ =	swait.ge [sflag:s14], $0x2780  }
0xcb: {  	s6 =	rddreg [dreg:$0xd]  }
0xcc: {  	s11 =	rddreg [dreg:$0xc];
	s10 =	sadd.s32 $0x1, s6  }
0xcd: {  	p0 =	sne.s32 s10, s11  }
.Ltmp1:
0xce: {  	_ = 	snop;
	(pc) =	sbr.rel @p0 .LBB2_1-.Ltmp1, $3  }
0xcf: {  	_ =	sdelay $0x1  }
0xd0: {  	[sflag:s14] =	ssyncset.done $0x0  }
0xd1: {  	[sflag:s14] =	ssyncadd.s32 $0xFFFFD880  }
0xd2: {  	_ =	sfence.sel $0x180000  }
0xd3: {  	[bflag:$0x0] =	sbarrier.arrive $0xFFFF  }
0xd4: {  	_ =	strace $0x9000004D  }
0xd5: {  	s0 =	stileid.u32;
	[bflag:$0x2] =	sbarrier.arrive $0xFFFF  }
0xd6: {  	p0 =	sne.s32 s0, $0x0;
	s0 =	rddreg [dreg:$0x3]  }
0xd7: {  	s0 =	sadd.s32 @!p0 $0x100000, s0  }
0xd8: {  	[sflag:s0] =	ssyncadd.tile.s32 @!p0 $0x1;
	_ =	shalt  }
.Lfunc_end2:
_tile_overlayer_lowered:
.L_overlay_start_2:
0xd9: {  	(tag) =	ssettag $0x2  }
0xda: {  	s0 =	rddreg [dreg:$0x0];
	s2 =	stileid.u32  }
0xdb: {  	s1 =	rddreg [dreg:$0x1];
	p0 =	sne.s32 s2, $0x0  }
0xdc: {  	s3 =	rddreg [dreg:$0x2];
	[bflag:$0x3] =	sbarrier.arrive $0xFFFF;
	s2 =	simm.s32 @!p0 $0x1C05  }
0xdd: {  	[timem:s3], [sflag:s2] =	dma.local @!p0 [hbm:s0], s1  }
0xde: {  	s0 =	simm.s32 @!p0 $0x5  }
0xdf: {  	_ =	swait.ge @!p0 [sflag:s0], s1  }
0xe0: {  	s1 =	ssub.s32 @!p0 $0x0, s1;
	[sflag:s0] =	ssyncset.done @!p0 $0x0  }
0xe1: {  	[sflag:s0] =	ssyncadd.s32 @!p0 s1  }
0xe2: {  	[bflag:$0x3] =	sbarrier.arrive $0xFFFF  }
0xe3: {  	_ =	shalt  }

// kernel: kernel.7.cloned.1.call-start
scs
__scs_entry_jumppad:
0x0: {  	(pc) =	sbr.rel $0x88, $3  }
0x1: {  	(tag) =	ssettag $0x0;
	lr =	simm.s32 $0x1  }
0x2: {  	[smem:$0x3F99] =	sst lr;
	_ =	strace $0xD0000000  }
0x3: {  	_ = 	snop  }
0x4: {  	_ = 	snop  }
0x5: {  	_ = 	snop  }
0x6: {  	_ = 	snop  }
0x7: {  	_ = 	snop  }
__scs_overlays_trampoline_lowered:
0x8: {  	[smem:$0x3FA8] =	sst s0  }
0x9: {  	[smem:$0x3FA9] =	sst s1  }
0xa: {  	[smem:$0x3FAA] =	sst s2  }
0xb: {  	[smem:$0x3FAB] =	sst s3  }
0xc: {  	[smem:$0x3FAC] =	sst s4  }
0xd: {  	[smem:$0x3FAD] =	sst s5  }
0xe: {  	[smem:$0x3FAE] =	sst s6  }
0xf: {  	[smem:$0x3FAF] =	sst s7  }
0x10: {  	[smem:$0x3FB0] =	sst s8  }
0x11: {  	[smem:$0x3FB1] =	sst s9;
	s0 =	simm.s32 @!p0 $0x0  }
0x12: {  	s1 =	sld [smem:$0x3F97];
	s0 =	simm.s32 @p0 $0x1  }
0x13: {  	[smem:$0x3FB2] =	sst s0;
	s0 =	simm.s32 @!p1 $0x0  }
0x14: {  	s2 =	sld [smem:$0x3F96];
	s0 =	simm.s32 @p1 $0x1  }
0x15: {  	[smem:$0x3FB3] =	sst s0;
	s0 =	simm.s32 @!p2 $0x0  }
0x16: {  	s3 =	sld [smem:$0x3FDB];
	s0 =	simm.s32 @p2 $0x1  }
0x17: {  	s4 =	simm.s32 $0x1BF5;
	[smem:$0x3FB5] =	sst s0  }
0x18: {  	s0 =	sld [smem:$0x3F98];
	_ =	swait.ge [sflag:s4], $0x0  }
0x19: {  	s7 =	sld [smem:$0x3F99]  }
0x1a: {  	s8 =	sadd.s32 $0xFFFFE003, lr  }
0x1b: {  	s9 =	sadd.s32 $0xFFFFFEF7, lr;
	s5 =	simm.s32 $0xFFFFFFFF;
	p2 =	slt.u32 s8, $0xFFFFF086  }
0x1c: {  	p1 =	slt.u32 s9, $0xF7A;
	s5 =	simm.s32 @!p2 $0x0  }
0x1d: {  	s5 =	simm.s32 @p1 $0x1;
	p0 =	seq.s32 s7, s2  }
0x1e: {  	s7 =	smul.u32 @!p0 $0xF7A, s2;
	p2 =	seq.s32 @!p0 s5, $0x0  }
0x1f: {  	s9 =	smul.u32 $0xF7A, s1;
	s8 =	simm.s32 @!p0 $0x1BF5;
	p2 =	por !p2, p0  }
0x20: {  	[sflag:s8] =	ssyncset.s32 @!p0 $0xFFFFF086;
	s6 =	sadd.s32 @!p0 s3, s7;
	s7 =	simm.s32 @!p0 $0x108  }
0x21: {  	s3 =	sadd.s32 s3, s9;
	s6 =	sadd.s32 @!p0 $0x88, s6;
	s7 =	simm.s32 @p2 $0x1082  }
0x22: {  	[simem:s7], [sflag:s8] =	dma.local @!p0 [hbm:s6], $0xF7A  }
0x23: {  	s9 =	sor.u32 $0xD0000000, s2;
	s6 =	simm.s32 $0x108;
	_ =	swait.ge @!p0 [sflag:s8], $0x0  }
0x24: {  	s3 =	sadd.s32 $0x88, s3;
	s6 =	simm.s32 @!p1 $0x1082;
	[sflag:s4] =	ssyncset.s32 $0xFFFFF086  }
0x25: {  	[simem:s6], [sflag:s4] =	dma.local [hbm:s3], $0xF7A  }
0x26: {  	[smem:$0x3F99] =	sst s1;
	(tag) =	ssettag s2;
	_ =	strace s9  }
0x27: {  	s1 =	sld [smem:$0x3FA9]  }
0x28: {  	s2 =	sld [smem:$0x3FAA]  }
0x29: {  	s4 =	sld [smem:$0x3FAC]  }
0x2a: {  	p0 =	seq.s32 s5, $0x0;
	s5 =	sld [smem:$0x3FAD]  }
0x2b: {  	s6 =	sld [smem:$0x3FAE]  }
0x2c: {  	s7 =	sld [smem:$0x3FAF]  }
0x2d: {  	s3 =	simm.s32 $0x108;
	s8 =	sld [smem:$0x3FB0]  }
0x2e: {  	s3 =	simm.s32 @!p0 $0x1082;
	s9 =	sld [smem:$0x3FB1]  }
0x2f: {  	lr =	sadd.s32 s0, s3;
	s0 =	sld [smem:$0x3FA8]  }
0x30: {  	s3 =	sld [smem:$0x3FAB]  }
0x31: {  	[smem:$0x3FB4] =	sst s10  }
0x32: {  	s10 =	sld [smem:$0x3FB2];
	_ =	sdelay $0x3  }
0x33: {  	p0 =	seq.s32 s10, $0x1;
	s10 =	sld [smem:$0x3FB4];
	_ =	sdelay $0x3  }
0x34: {  	[smem:$0x3FB4] =	sst s10  }
0x35: {  	s10 =	sld [smem:$0x3FB3];
	_ =	sdelay $0x3  }
0x36: {  	p1 =	seq.s32 s10, $0x1;
	s10 =	sld [smem:$0x3FB4];
	_ =	sdelay $0x3  }
0x37: {  	[smem:$0x3FB4] =	sst s10  }
0x38: {  	s10 =	sld [smem:$0x3FB5]  }
0x39: {  	_ = 	snop;
	(pc) =	sbr.ind lr, $3  }
0x3a: {  	_ = 	snop  }
0x3b: {  	_ = 	snop  }
0x3c: {  	p2 =	seq.s32 s10, $0x1;
	s10 =	sld [smem:$0x3FB4]  }
0x3d: {  	_ =	shalt  }
0x3e: {  	_ =	shalt  }
0x3f: {  	_ =	shalt  }
0x40: {  	_ =	shalt  }
0x41: {  	_ =	shalt  }
0x42: {  	_ =	shalt  }
0x43: {  	_ =	shalt  }
0x44: {  	_ =	shalt  }
0x45: {  	_ =	shalt  }
0x46: {  	_ =	shalt  }
0x47: {  	_ =	shalt  }
0x48: {  	_ =	shalt  }
0x49: {  	_ =	shalt  }
0x4a: {  	_ =	shalt  }
0x4b: {  	_ =	shalt  }
0x4c: {  	_ =	shalt  }
0x4d: {  	_ =	shalt  }
0x4e: {  	_ =	shalt  }
0x4f: {  	_ =	shalt  }
0x50: {  	_ =	shalt  }
0x51: {  	_ =	shalt  }
0x52: {  	_ =	shalt  }
0x53: {  	_ =	shalt  }
0x54: {  	_ =	shalt  }
0x55: {  	_ =	shalt  }
0x56: {  	_ =	shalt  }
0x57: {  	_ =	shalt  }
0x58: {  	_ =	shalt  }
0x59: {  	_ =	shalt  }
0x5a: {  	_ =	shalt  }
0x5b: {  	_ =	shalt  }
0x5c: {  	_ =	shalt  }
0x5d: {  	_ =	shalt  }
0x5e: {  	_ =	shalt  }
0x5f: {  	_ =	shalt  }
0x60: {  	_ =	shalt  }
0x61: {  	_ =	shalt  }
0x62: {  	_ =	shalt  }
0x63: {  	_ =	shalt  }
0x64: {  	_ =	shalt  }
0x65: {  	_ =	shalt  }
0x66: {  	_ =	shalt  }
0x67: {  	_ =	shalt  }
0x68: {  	_ =	shalt  }
0x69: {  	_ =	shalt  }
0x6a: {  	_ =	shalt  }
0x6b: {  	_ =	shalt  }
0x6c: {  	_ =	shalt  }
0x6d: {  	_ =	shalt  }
0x6e: {  	_ =	shalt  }
0x6f: {  	_ =	shalt  }
0x70: {  	_ =	shalt  }
0x71: {  	_ =	shalt  }
0x72: {  	_ =	shalt  }
0x73: {  	_ =	shalt  }
0x74: {  	_ =	shalt  }
0x75: {  	_ =	shalt  }
0x76: {  	_ =	shalt  }
0x77: {  	_ =	shalt  }
0x78: {  	_ =	shalt  }
0x79: {  	_ =	shalt  }
0x7a: {  	_ =	shalt  }
0x7b: {  	_ =	shalt  }
0x7c: {  	_ =	shalt  }
0x7d: {  	_ =	shalt  }
0x7e: {  	_ =	shalt  }
0x7f: {  	_ =	shalt  }
0x80: {  	_ =	shalt  }
0x81: {  	_ =	shalt  }
0x82: {  	_ =	shalt  }
0x83: {  	_ =	shalt  }
0x84: {  	_ =	shalt  }
0x85: {  	_ =	shalt  }
0x86: {  	_ =	shalt  }
0x87: {  	_ =	shalt  }
.Lfunc_end0:
.L_simem_size_0:
called_computation_lowered:
.L_overlay_start_0:
0x88: {  	s2 =	sld [smem:$0x3FD9]  }
0x89: {  	s3 =	sld [smem:$0x3FFE];
	_ =	sdelay $0x1  }
0x8a: {  	s1 =	srdreg.scid  }
0x8b: {  	s0 =	sand.u32 $0x1, s1  }
0x8c: {  	s17 =	sshll.u32 s0, $0xA;
	s2 =	sadd.s32 s3, s2  }
0x8d: {  	s2 =	sadd.s32 s2, s17  }
0x8e: {  	[smem:$0x3FC0] =	sst s2  }
0x8f: {  	_ = 	snop  }
0x90: {  	s2 =	sld [smem:$0x3FD0];
	(tm) =	ssettm $0x1  }
0x91: {  	s18 =	sld [smem:$0x3FFB];
	_ =	sdelay $0x3  }
0x92: {  	_ =	strace s18  }
0x93: {  	s3 =	sld [smem:$0x3FFC];
	_ =	sdelay $0x3  }
0x94: {  	_ =	strace s3  }
0x95: {  	s3 =	sld [smem:$0x3FFD];
	_ =	sdelay $0x3  }
0x96: {  	_ =	strace s3  }
0x97: {  	_ =	strace $0x8FFFFFFF  }
0x98: {  	s19 =	sld [smem:$0x3FDB];
	_ =	sdelay $0x1  }
0x99: {  	s4 =	simm.s32 $_scs_section_size  }
0x9a: {  	s5 =	simm.s32 $_size__tile_overlayer_lowered;
	s6 =	simm.s32 $_tile_overlayer_lowered  }
0x9b: {  	s22 =	simm.s32 $0x1BFF;
	s21 =	sshll.u32 s6, $0x1;
	s3 =	sadd.s32 s4, s19  }
0x9c: {  	s7 =	simm.s32 $0x0;
	s20 =	sshll.u32 s5, $0x1;
	s5 =	sadd.s32 s21, s3  }
0x9d: {  	[timem:s7], [sflag:s22] =	dma.local [hbm:s5], s20  }
0x9e: {  	_ =	swait.ge [sflag:s22], s20  }
0x9f: {  	s4 =	ssub.s32 $0x0, s20;
	[sflag:s22] =	ssyncset.done $0x0  }
0xa0: {  	[sflag:s22] =	ssyncadd.s32 s4;
	_ =	sdelay $0x1  }
0xa1: {  	s23 =	simm.s32 $0x1B8B  }
0xa2: {  	_ =	swait.ge [sflag:s23], $0x1  }
0xa3: {  	[sflag:s23] =	ssyncset.done $0x0  }
0xa4: {  	s25 =	simm.s32 $0x1B8E;
	s24 =	sld [smem:$0x3FFE];
	[sflag:s23] =	ssyncadd.s32 $0xFFFFFFFF  }
0xa5: {  	s26 =	simm.s32 $execute0_lowered;
	[smem:$0x3FD2] =	sst s25  }
0xa6: {  	s5 =	sshll.u32 s26, $0x1;
	_ =	strace $0x80000046;
	[dreg:$0x1] =	wrdreg $0xFFFFFFFF  }
0xa7: {  	s28 =	simm.s32 $_size_execute0_lowered;
	s3 =	sadd.s32 s3, s5;
	[dreg:$0x0] =	wrdreg $0x0  }
0xa8: {  	s5 =	sshll.u32 s28, $0x1;
	[dreg:$0x2] =	wrdreg s3  }
0xa9: {  	[dreg:$0x3] =	wrdreg s5  }
0xaa: {  	[dreg:$0x4] =	wrdreg $0xC0  }
0xab: {  	_ =	task [dreg:s7], $0x5FFFF  }
0xac: {  	[dreg:$0x1] =	wrdreg $0xFFFFFFFF  }
0xad: {  	[dreg:$0x0] =	wrdreg $0x60  }
0xae: {  	[dreg:$0x2] =	wrdreg s2  }
0xaf: {  	[dreg:$0x3] =	wrdreg s24  }
0xb0: {  	[dreg:$0x4] =	wrdreg $0x9  }
0xb1: {  	_ =	task.clear_ibuf [dreg:s7], $0x5FFFF;
	_ =	strace $0x90000046  }
0xb2: {  	s29 =	simm.s32 $0x9;
	_ =	strace $0x80000048  }
0xb3: {  	_ =	swait.ge [sflag:s29], $0x1  }
0xb4: {  	[sflag:s29] =	ssyncadd.s32 $0xFFFFFFFF  }
0xb5: {  	_ =	strace $0x90000048  }
0xb6: {  	_ =	sfence  }
0xb7: {  	s30 =	sld [smem:$0x0];
	_ =	sdelay $0x2  }
0xb8: {  	s31 =	sshll.u32 s1, $0xD;
	s1 =	sshrl.u32 s1, $0x2  }
0xb9: {  	s3 =	sand.u32 $0x4000, s31;
	s1 =	sadd.s32 s1, s30  }
0xba: {  	s0 =	sor.u32 s3, s0;
	s1 =	sshll.u32 s1, $0x11  }
0xbb: {  	s0 =	sor.u32 s1, s0  }
0xbc: {  	s0 =	sadd.s32 $0x8F2B, s0  }
0xbd: {  	[sflag:s0] =	ssyncadd.remote.s32 $0x1  }
0xbe: {  	_ =	sfence.sel $0xFFFF  }
0xbf: {  	[dreg:$0x0] =	wrdreg $0xFFFFFFFF;
	(pc) =	sbr.abs _section_cstart, $3  }
0xc0: {  	[dreg:$0x1] =	wrdreg $0xFFFFFFFF  }
0xc1: {  	_ =	task.clear_ibuf [dreg:s7], $0x2FFFF;
	_ =	strace $0x9FFFFFFF  }
0xc2: {  	(tm) =	ssettm $0x7FFFFFFF  }
0xc3: {  	_ =	shalt  }
tec
execute0_lowered:
.L_overlay_start_1:
0x0: {  	(tag) =	ssettag $0x1  }
0x1: {  	s0 =	srdreg.scid;
	s5 =	rddreg [dreg:$0x0]  }
0x2: {  	s4 =	rddreg [dreg:$0x1];
	s3 =	sand.u32 $0x1, s0;
	s0 =	stileid.u32  }
0x3: {  	s10 =	simm.s32 $0x0;
	s1 =	sshll.u32 s3, $0x4;
	s7 =	sshll.u32 s0, $0x7  }
0x4: {  	s28 =	ssub.s32 $0x2, s3;
	s9 =	smul.u32 $0x5000, s3;
	s2 =	sor.u32 s0, s1  }
0x5: {  	s31 =	smul.u32 $0x500, s0;
	s1 =	rddreg [dreg:$0x2];
	s6 =	sshrl.u32 s2, $0x3  }
0x6: {  	s7 =	sand.u32 $0x380, s7;
	s8 =	sshrl.u32 s28, $0x1;
	s6 =	smul.u32 $0x13C00, s6  }
0x7: {  	s2 =	simm.s32 $0x0;
	s30 =	ssub.s32 s28, s8;
	s5 =	sadd.s32 s9, s5  }
0x8: {  	s8 =	simm.s32 $0x80;
	s9 =	simm.s32 $0x400;
	s6 =	sor.u32 s7, s6  }
0x9: {  	[smem:$0x7FF] =	sst s2;
	s5 =	sadd.s32 s31, s5;
	s6 =	sshrl.u32 s6, $0x3  }
0xa: {  	_ =	strace $0x80000047;
	s7 =	simm.s32 $0x1;
	s29 =	sadd.s32 s6, s4  }
0xb: {  	v0 =	vimm.f32 $0.0e+00;
	v1 =	vimm.f32 $1.000000000e+00;
	s4 =	smax.u32 s30, $0x1;
	s6 =	simm.s32 $0x2780;
	s3 =	sadd.s32 $0x2400, s29  }
.LBB2_1:
0xc: {  	s11 =	simm.s32 $0x0  }
.LBB2_2:
0xd: {  	p0 =	sne.s32 s11, $0x9DC0  }
.Ltmp0:
0xe: {  	_ = 	snop;
	(pc) =	sbr.rel @p0 .LBB2_2-.Ltmp0, $3  }
0xf: {  	_ =	sdelay $0x1  }
0x10: {  	s12 =	sshra.s32 s11, $0x2  }
0x11: {  	s11 =	sadd.s32 $0x40, s11;
	[tilespmem:s12+$0x0] =	vst v0  }
0x12: {  	s11 =	simm.s32 $0x0  }
.LBB2_4:
0x13: {  	s12 =	sadd.s32 s11, s5  }
0x14: {  	[tilespmem:s6], [sflag:$0x1] =	stream.linear.gather [hbm4b:s12+s2], $0x400, $0x38;
	[tilespmem:$0x2B80] =	vst v63  }
0x15: {  	_ =	swait.ge [sflag:s7], $0x400  }
0x16: {  	[sflag:s7] =	ssyncset.done $0x0  }
0x17: {  	[sflag:s7] =	ssyncadd.s32 $0xFFFFFC00  }
0x18: {  	v2 =	vld [tilespmem:$0x2780];
	_ =	sdelay $0x7  }
0x19: {  	[tilespmem:v2+s2+$0x0] =	vst.idx.add.f32.msk $0xffff, v1  }
0x1a: {  	v2 =	vld [tilespmem:$0x2790];
	_ =	sdelay $0x7  }
0x1b: {  	[tilespmem:v2+s2+$0x0] =	vst.idx.add.f32.msk $0xffff, v1  }
0x1c: {  	v2 =	vld [tilespmem:$0x27A0];
	_ =	sdelay $0x7  }
0x1d: {  	[tilespmem:v2+s2+$0x0] =	vst.idx.add.f32.msk $0xffff, v1  }
0x1e: {  	v2 =	vld [tilespmem:$0x27B0];
	_ =	sdelay $0x7  }
0x1f: {  	[tilespmem:v2+s2+$0x0] =	vst.idx.add.f32.msk $0xffff, v1  }
0x20: {  	v2 =	vld [tilespmem:$0x27C0];
	_ =	sdelay $0x7  }
0x21: {  	[tilespmem:v2+s2+$0x0] =	vst.idx.add.f32.msk $0xffff, v1  }
0x22: {  	v2 =	vld [tilespmem:$0x27D0];
	_ =	sdelay $0x7  }
0x23: {  	[tilespmem:v2+s2+$0x0] =	vst.idx.add.f32.msk $0xffff, v1  }
0x24: {  	v2 =	vld [tilespmem:$0x27E0];
	_ =	sdelay $0x7  }
0x25: {  	[tilespmem:v2+s2+$0x0] =	vst.idx.add.f32.msk $0xffff, v1  }
0x26: {  	v2 =	vld [tilespmem:$0x27F0];
	_ =	sdelay $0x7  }
0x27: {  	[tilespmem:v2+s2+$0x0] =	vst.idx.add.f32.msk $0xffff, v1  }
0x28: {  	v2 =	vld [tilespmem:$0x2800];
	_ =	sdelay $0x7  }
0x29: {  	[tilespmem:v2+s2+$0x0] =	vst.idx.add.f32.msk $0xffff, v1  }
0x2a: {  	v2 =	vld [tilespmem:$0x2810];
	_ =	sdelay $0x7  }
0x2b: {  	[tilespmem:v2+s2+$0x0] =	vst.idx.add.f32.msk $0xffff, v1  }
0x2c: {  	v2 =	vld [tilespmem:$0x2820];
	_ =	sdelay $0x7  }
0x2d: {  	[tilespmem:v2+s2+$0x0] =	vst.idx.add.f32.msk $0xffff, v1  }
0x2e: {  	v2 =	vld [tilespmem:$0x2830];
	_ =	sdelay $0x7  }
0x2f: {  	[tilespmem:v2+s2+$0x0] =	vst.idx.add.f32.msk $0xffff, v1  }
0x30: {  	v2 =	vld [tilespmem:$0x2840];
	_ =	sdelay $0x7  }
0x31: {  	[tilespmem:v2+s2+$0x0] =	vst.idx.add.f32.msk $0xffff, v1  }
0x32: {  	v2 =	vld [tilespmem:$0x2850];
	_ =	sdelay $0x7  }
0x33: {  	[tilespmem:v2+s2+$0x0] =	vst.idx.add.f32.msk $0xffff, v1  }
0x34: {  	v2 =	vld [tilespmem:$0x2860];
	_ =	sdelay $0x7  }
0x35: {  	[tilespmem:v2+s2+$0x0] =	vst.idx.add.f32.msk $0xffff, v1  }
0x36: {  	v2 =	vld [tilespmem:$0x2870];
	_ =	sdelay $0x7  }
0x37: {  	[tilespmem:v2+s2+$0x0] =	vst.idx.add.f32.msk $0xffff, v1  }
0x38: {  	v2 =	vld [tilespmem:$0x2880];
	_ =	sdelay $0x7  }
0x39: {  	[tilespmem:v2+s2+$0x0] =	vst.idx.add.f32.msk $0xffff, v1  }
0x3a: {  	v2 =	vld [tilespmem:$0x2890];
	_ =	sdelay $0x7  }
0x3b: {  	[tilespmem:v2+s2+$0x0] =	vst.idx.add.f32.msk $0xffff, v1  }
0x3c: {  	v2 =	vld [tilespmem:$0x28A0];
	_ =	sdelay $0x7  }
0x3d: {  	[tilespmem:v2+s2+$0x0] =	vst.idx.add.f32.msk $0xffff, v1  }
0x3e: {  	v2 =	vld [tilespmem:$0x28B0];
	_ =	sdelay $0x7  }
0x3f: {  	[tilespmem:v2+s2+$0x0] =	vst.idx.add.f32.msk $0xffff, v1  }
0x40: {  	v2 =	vld [tilespmem:$0x28C0];
	_ =	sdelay $0x7  }
0x41: {  	[tilespmem:v2+s2+$0x0] =	vst.idx.add.f32.msk $0xffff, v1  }
0x42: {  	v2 =	vld [tilespmem:$0x28D0];
	_ =	sdelay $0x7  }
0x43: {  	[tilespmem:v2+s2+$0x0] =	vst.idx.add.f32.msk $0xffff, v1  }
0x44: {  	v2 =	vld [tilespmem:$0x28E0];
	_ =	sdelay $0x7  }
0x45: {  	[tilespmem:v2+s2+$0x0] =	vst.idx.add.f32.msk $0xffff, v1  }
0x46: {  	v2 =	vld [tilespmem:$0x28F0];
	_ =	sdelay $0x7  }
0x47: {  	[tilespmem:v2+s2+$0x0] =	vst.idx.add.f32.msk $0xffff, v1  }
0x48: {  	v2 =	vld [tilespmem:$0x2900];
	_ =	sdelay $0x7  }
0x49: {  	[tilespmem:v2+s2+$0x0] =	vst.idx.add.f32.msk $0xffff, v1  }
0x4a: {  	v2 =	vld [tilespmem:$0x2910];
	_ =	sdelay $0x7  }
0x4b: {  	[tilespmem:v2+s2+$0x0] =	vst.idx.add.f32.msk $0xffff, v1  }
0x4c: {  	v2 =	vld [tilespmem:$0x2920];
	_ =	sdelay $0x7  }
0x4d: {  	[tilespmem:v2+s2+$0x0] =	vst.idx.add.f32.msk $0xffff, v1  }
0x4e: {  	v2 =	vld [tilespmem:$0x2930];
	_ =	sdelay $0x7  }
0x4f: {  	[tilespmem:v2+s2+$0x0] =	vst.idx.add.f32.msk $0xffff, v1  }
0x50: {  	v2 =	vld [tilespmem:$0x2940];
	_ =	sdelay $0x7  }
0x51: {  	[tilespmem:v2+s2+$0x0] =	vst.idx.add.f32.msk $0xffff, v1  }
0x52: {  	v2 =	vld [tilespmem:$0x2950];
	_ =	sdelay $0x7  }
0x53: {  	[tilespmem:v2+s2+$0x0] =	vst.idx.add.f32.msk $0xffff, v1  }
0x54: {  	v2 =	vld [tilespmem:$0x2960];
	_ =	sdelay $0x7  }
0x55: {  	[tilespmem:v2+s2+$0x0] =	vst.idx.add.f32.msk $0xffff, v1  }
0x56: {  	v2 =	vld [tilespmem:$0x2970];
	_ =	sdelay $0x7  }
0x57: {  	[tilespmem:v2+s2+$0x0] =	vst.idx.add.f32.msk $0xffff, v1  }
0x58: {  	v2 =	vld [tilespmem:$0x2980];
	_ =	sdelay $0x7  }
0x59: {  	[tilespmem:v2+s2+$0x0] =	vst.idx.add.f32.msk $0xffff, v1  }
0x5a: {  	v2 =	vld [tilespmem:$0x2990];
	_ =	sdelay $0x7  }
0x5b: {  	[tilespmem:v2+s2+$0x0] =	vst.idx.add.f32.msk $0xffff, v1  }
0x5c: {  	v2 =	vld [tilespmem:$0x29A0];
	_ =	sdelay $0x7  }
0x5d: {  	[tilespmem:v2+s2+$0x0] =	vst.idx.add.f32.msk $0xffff, v1  }
0x5e: {  	v2 =	vld [tilespmem:$0x29B0];
	_ =	sdelay $0x7  }
0x5f: {  	[tilespmem:v2+s2+$0x0] =	vst.idx.add.f32.msk $0xffff, v1  }
0x60: {  	v2 =	vld [tilespmem:$0x29C0];
	_ =	sdelay $0x7  }
0x61: {  	[tilespmem:v2+s2+$0x0] =	vst.idx.add.f32.msk $0xffff, v1  }
0x62: {  	v2 =	vld [tilespmem:$0x29D0];
	_ =	sdelay $0x7  }
0x63: {  	[tilespmem:v2+s2+$0x0] =	vst.idx.add.f32.msk $0xffff, v1  }
0x64: {  	v2 =	vld [tilespmem:$0x29E0];
	_ =	sdelay $0x7  }
0x65: {  	[tilespmem:v2+s2+$0x0] =	vst.idx.add.f32.msk $0xffff, v1  }
0x66: {  	v2 =	vld [tilespmem:$0x29F0];
	_ =	sdelay $0x7  }
0x67: {  	[tilespmem:v2+s2+$0x0] =	vst.idx.add.f32.msk $0xffff, v1  }
0x68: {  	v2 =	vld [tilespmem:$0x2A00];
	_ =	sdelay $0x7  }
0x69: {  	[tilespmem:v2+s2+$0x0] =	vst.idx.add.f32.msk $0xffff, v1  }
0x6a: {  	v2 =	vld [tilespmem:$0x2A10];
	_ =	sdelay $0x7  }
0x6b: {  	[tilespmem:v2+s2+$0x0] =	vst.idx.add.f32.msk $0xffff, v1  }
0x6c: {  	v2 =	vld [tilespmem:$0x2A20];
	_ =	sdelay $0x7  }
0x6d: {  	[tilespmem:v2+s2+$0x0] =	vst.idx.add.f32.msk $0xffff, v1  }
0x6e: {  	v2 =	vld [tilespmem:$0x2A30];
	_ =	sdelay $0x7  }
0x6f: {  	[tilespmem:v2+s2+$0x0] =	vst.idx.add.f32.msk $0xffff, v1  }
0x70: {  	v2 =	vld [tilespmem:$0x2A40];
	_ =	sdelay $0x7  }
0x71: {  	[tilespmem:v2+s2+$0x0] =	vst.idx.add.f32.msk $0xffff, v1  }
0x72: {  	v2 =	vld [tilespmem:$0x2A50];
	_ =	sdelay $0x7  }
0x73: {  	[tilespmem:v2+s2+$0x0] =	vst.idx.add.f32.msk $0xffff, v1  }
0x74: {  	v2 =	vld [tilespmem:$0x2A60];
	_ =	sdelay $0x7  }
0x75: {  	[tilespmem:v2+s2+$0x0] =	vst.idx.add.f32.msk $0xffff, v1  }
0x76: {  	v2 =	vld [tilespmem:$0x2A70];
	_ =	sdelay $0x7  }
0x77: {  	[tilespmem:v2+s2+$0x0] =	vst.idx.add.f32.msk $0xffff, v1  }
0x78: {  	v2 =	vld [tilespmem:$0x2A80];
	_ =	sdelay $0x7  }
0x79: {  	[tilespmem:v2+s2+$0x0] =	vst.idx.add.f32.msk $0xffff, v1  }
0x7a: {  	v2 =	vld [tilespmem:$0x2A90];
	_ =	sdelay $0x7  }
0x7b: {  	[tilespmem:v2+s2+$0x0] =	vst.idx.add.f32.msk $0xffff, v1  }
0x7c: {  	v2 =	vld [tilespmem:$0x2AA0];
	_ =	sdelay $0x7  }
0x7d: {  	[tilespmem:v2+s2+$0x0] =	vst.idx.add.f32.msk $0xffff, v1  }
0x7e: {  	v2 =	vld [tilespmem:$0x2AB0];
	_ =	sdelay $0x7  }
0x7f: {  	[tilespmem:v2+s2+$0x0] =	vst.idx.add.f32.msk $0xffff, v1  }
0x80: {  	v2 =	vld [tilespmem:$0x2AC0];
	_ =	sdelay $0x7  }
0x81: {  	[tilespmem:v2+s2+$0x0] =	vst.idx.add.f32.msk $0xffff, v1  }
0x82: {  	v2 =	vld [tilespmem:$0x2AD0];
	_ =	sdelay $0x7  }
0x83: {  	[tilespmem:v2+s2+$0x0] =	vst.idx.add.f32.msk $0xffff, v1  }
0x84: {  	v2 =	vld [tilespmem:$0x2AE0];
	_ =	sdelay $0x7  }
0x85: {  	[tilespmem:v2+s2+$0x0] =	vst.idx.add.f32.msk $0xffff, v1  }
0x86: {  	v2 =	vld [tilespmem:$0x2AF0];
	_ =	sdelay $0x7  }
0x87: {  	[tilespmem:v2+s2+$0x0] =	vst.idx.add.f32.msk $0xffff, v1  }
0x88: {  	v2 =	vld [tilespmem:$0x2B00];
	_ =	sdelay $0x7  }
0x89: {  	[tilespmem:v2+s2+$0x0] =	vst.idx.add.f32.msk $0xffff, v1  }
0x8a: {  	v2 =	vld [tilespmem:$0x2B10];
	_ =	sdelay $0x7  }
0x8b: {  	[tilespmem:v2+s2+$0x0] =	vst.idx.add.f32.msk $0xffff, v1  }
0x8c: {  	v2 =	vld [tilespmem:$0x2B20];
	_ =	sdelay $0x7  }
0x8d: {  	[tilespmem:v2+s2+$0x0] =	vst.idx.add.f32.msk $0xffff, v1  }
0x8e: {  	v2 =	vld [tilespmem:$0x2B30];
	_ =	sdelay $0x7  }
0x8f: {  	[tilespmem:v2+s2+$0x0] =	vst.idx.add.f32.msk $0xffff, v1  }
0x90: {  	v2 =	vld [tilespmem:$0x2B40];
	_ =	sdelay $0x7  }
0x91: {  	[tilespmem:v2+s2+$0x0] =	vst.idx.add.f32.msk $0xffff, v1  }
0x92: {  	v2 =	vld [tilespmem:$0x2B50];
	_ =	sdelay $0x7  }
0x93: {  	[tilespmem:v2+s2+$0x0] =	vst.idx.add.f32.msk $0xffff, v1  }
0x94: {  	v2 =	vld [tilespmem:$0x2B60];
	_ =	sdelay $0x7  }
0x95: {  	[tilespmem:v2+s2+$0x0] =	vst.idx.add.f32.msk $0xffff, v1  }
0x96: {  	v2 =	vld [tilespmem:$0x2B70];
	_ =	sdelay $0x2  }
0x97: {  	p0 =	sne.s32 s11, $0x480  }
.Ltmp1:
0x98: {  	_ = 	snop;
	(pc) =	sbr.rel @p0 .LBB2_4-.Ltmp1, $2  }
0x99: {  	_ =	sdelay $0x2  }
0x9a: {  	s11 =	sadd.s32 $0x80, s11;
	[tilespmem:v2+s2+$0x0] =	vst.idx.add.f32.msk $0xffff, v1  }
0x9b: {  	s10 =	sadd.s32 $0x1, s10  }
0x9c: {  	p0 =	sne.s32 s10, s4  }
.Ltmp2:
0x9d: {  	_ = 	snop;
	(pc) =	sbr.rel @p0 .LBB2_1-.Ltmp2, $4  }
0x9e: {  	[hbm4b:s3+s8] =	stream.strided.scatter [tilespmem:s2], [sflag:$0x1], $0x2780, s9, s8, $0x38;
	[tilespmem:$0x2B80] =	vst v63  }
0x9f: {  	_ =	swait.ge [sflag:s7], $0x2780  }
0xa0: {  	[sflag:s7] =	ssyncset.done $0x0  }
0xa1: {  	[sflag:s7] =	ssyncadd.s32 $0xFFFFD880  }
0xa2: {  	_ =	sfence.sel $0x180000  }
0xa3: {  	[bflag:$0x0] =	sbarrier.arrive $0xFFFF  }
0xa4: {  	p0 =	sne.s32 s0, $0x0;
	_ =	strace $0x90000047  }
0xa5: {  	s0 =	sadd.s32 @!p0 $0x100000, s1;
	[bflag:$0x2] =	sbarrier.arrive $0xFFFF  }
0xa6: {  	[sflag:s0] =	ssyncadd.tile.s32 @!p0 $0x1;
	_ =	shalt  }
.Lfunc_end2:
_tile_overlayer_lowered:
.L_overlay_start_2:
0xa7: {  	(tag) =	ssettag $0x2  }
0xa8: {  	s0 =	rddreg [dreg:$0x0];
	s2 =	stileid.u32  }
0xa9: {  	s1 =	rddreg [dreg:$0x1];
	p0 =	sne.s32 s2, $0x0  }
0xaa: {  	s3 =	rddreg [dreg:$0x2];
	[bflag:$0x3] =	sbarrier.arrive $0xFFFF;
	s2 =	simm.s32 @!p0 $0x1C01  }
0xab: {  	[timem:s3], [sflag:s2] =	dma.local @!p0 [hbm:s0], s1  }
0xac: {  	s0 =	simm.s32 @!p0 $0x1  }
0xad: {  	_ =	swait.ge @!p0 [sflag:s0], s1  }
0xae: {  	s1 =	ssub.s32 @!p0 $0x0, s1;
	[sflag:s0] =	ssyncset.done @!p0 $0x0  }
0xaf: {  	[sflag:s0] =	ssyncadd.s32 @!p0 s1  }
0xb0: {  	[bflag:$0x3] =	sbarrier.arrive $0xFFFF  }
0xb1: {  	_ =	shalt  }

</sc_bundles>
